<compile_context>
chip_gen: v7x
topology: tpu7x:2x2x1
jax: 0.10.2.dev20260603
libtpu: 0.0.44.dev20260713+nightly
codegen_flags: <defaults>
</compile_context>

<pallas_src>
import functools
import math

import jax
import jax.numpy as jnp
from jax import lax
from jax.experimental import pallas as pl
from jax.experimental.pallas import tpu as pltpu
from jax.experimental.pallas import tpu_sc as plsc

N = 4096; K = 64; B = 64; H = 128; G = 50; T = 6
CUTOFF = 10.0
RB = 128
NBLK = N // RB
NT = N // 128
EB = RB * K
GP = 64
LN2 = math.log(2.0)
_SPACING = CUTOFF / (G - 1)
_COEFF = -0.5 / (_SPACING * _SPACING)

def _ssp(x):
    return jnp.maximum(x, 0.0) + jnp.log(1.0 + jnp.exp(-jnp.abs(x))) - LN2



def _graph_kernel(lo_ref, hi_ref, posr_ref, lof_ref, hif_ref, posc_ref,
                  nbr_ref, ew_ref, em_ref, S):
    r = pl.program_id(0)
    lo = lo_ref[r]
    hi = hi_ref[r]
    px = posr_ref[:, 0:1]
    py = posr_ref[:, 1:2]
    pz = posr_ref[:, 2:3]
    lob = lof_ref[...]
    hib = hif_ref[...]
    rowid = (jnp.float32(r * RB)
             + lax.broadcasted_iota(jnp.int32, (RB, 1), 0).astype(jnp.float32))
    lane = lax.broadcasted_iota(jnp.int32, (RB, 128), 1).astype(jnp.float32)
    neg = jnp.float32(-1e9)

    def first_body(t, carry):
        m, a = carry
        colid = lane + t.astype(jnp.float32) * 128.0
        cx = posc_ref[t, 0:1, :]
        cy = posc_ref[t, 1:2, :]
        cz = posc_ref[t, 2:3, :]
        dx = px - cx
        dy = py - cy
        dz = pz - cz
        d2 = dx * dx + dy * dy + dz * dz
        dist = jnp.sqrt(jnp.maximum(d2, 1e-12))
        validc = ((colid >= lob) & (colid < hib) & (colid != rowid)
                  & (dist < CUTOFF))
        tile = jnp.where(validc, -dist, neg)
        S[t] = tile
        tmax = jnp.max(tile, axis=1, keepdims=True)
        targ = jnp.min(jnp.where(tile == tmax, colid, jnp.float32(2 ** 30)),
                       axis=1, keepdims=True)
        upd = tmax > m
        return jnp.where(upd, tmax, m), jnp.where(upd, targ, a)

    def make_body(m_prev):
        def body(t, carry):
            m, a = carry
            colid = lane + t.astype(jnp.float32) * 128.0
            tile = jnp.where(S[t] < m_prev, S[t], neg)
            tmax = jnp.max(tile, axis=1, keepdims=True)
            targ = jnp.min(
                jnp.where(tile == tmax, colid, jnp.float32(2 ** 30)),
                axis=1, keepdims=True)
            upd = tmax > m
            return jnp.where(upd, tmax, m), jnp.where(upd, targ, a)
        return body

    minit = jnp.full((RB, 1), -3e38, jnp.float32)
    ainit = jnp.zeros((RB, 1), jnp.float32)
    m, a = lax.fori_loop(lo, hi, first_body, (minit, ainit))

    lanek = lax.broadcasted_iota(jnp.int32, (RB, K), 1).astype(jnp.float32)
    vals = jnp.where(lanek == 0.0, m, neg)
    nbrf = jnp.where(lanek == 0.0, a, 0.0)

    NTFIX = 4

    def slow_kloop(carry):
        def kbody(k, c):
            m_prev, vals, nbrf = c
            mm, aa = lax.fori_loop(lo, hi, make_body(m_prev), (minit, ainit))
            sel = lanek == k.astype(jnp.float32)
            return mm, jnp.where(sel, mm, vals), jnp.where(sel, aa, nbrf)
        return lax.fori_loop(1, K, kbody, carry)

    def fast_kloop(carry):
        def kbody(k, c):
            m_prev, vals, nbrf = c
            mm = minit
            aa = ainit
            for j in range(NTFIX):
                t = jnp.minimum(lo + j, NT - 1)
                okt = (lo + j) < hi
                colid = lane + t.astype(jnp.float32) * 128.0
                s = S[t]
                cand = jnp.where((s < m_prev) & okt, s, neg)
                tmax = jnp.max(cand, axis=1, keepdims=True)
                targ = jnp.min(
                    jnp.where(cand == tmax, colid, jnp.float32(2 ** 30)),
                    axis=1, keepdims=True)
                upd = tmax > mm
                mm = jnp.where(upd, tmax, mm)
                aa = jnp.where(upd, targ, aa)
            sel = lanek == k.astype(jnp.float32)
            return mm, jnp.where(sel, mm, vals), jnp.where(sel, aa, nbrf)
        return lax.fori_loop(1, K, kbody, carry)

    _, vals, nbrf = lax.cond(hi - lo <= NTFIX, fast_kloop, slow_kloop,
                             (m, vals, nbrf))
    maskv = vals > -1e8
    ew = jnp.where(maskv, -vals, CUTOFF)
    ew_ref[...] = ew
    em_ref[...] = (0.5 * (jnp.cos(ew * (math.pi / CUTOFF)) + 1.0)
                   * maskv.astype(jnp.float32))
    nbr_ref[...] = nbrf.astype(jnp.int32)


def _radius_graph(pos, batch32):
    ar = jnp.arange(B, dtype=jnp.int32)
    seg_start = jnp.searchsorted(batch32, ar, side='left').astype(jnp.int32)
    seg_end = jnp.searchsorted(batch32, ar, side='right').astype(jnp.int32)
    lo_col = seg_start[batch32]
    hi_col = seg_end[batch32]
    lof = lo_col.astype(jnp.float32)[:, None]
    hif = hi_col.astype(jnp.float32)[:, None]
    bfirst = batch32.reshape(NBLK, RB)[:, 0]
    blast = batch32.reshape(NBLK, RB)[:, -1]
    lo_tile = (seg_start[bfirst] // 128).astype(jnp.int32)
    hi_tile = ((seg_end[blast] + 127) // 128).astype(jnp.int32)
    posc = pos.T.reshape(3, NT, 128).transpose(1, 0, 2)

    grid_spec = pltpu.PrefetchScalarGridSpec(
        num_scalar_prefetch=2,
        grid=(NBLK,),
        in_specs=[
            pl.BlockSpec((RB, 3), lambda r, lo, hi: (r, 0)),
            pl.BlockSpec((RB, 1), lambda r, lo, hi: (r, 0)),
            pl.BlockSpec((RB, 1), lambda r, lo, hi: (r, 0)),
            pl.BlockSpec((NT, 3, 128), lambda r, lo, hi: (0, 0, 0)),
        ],
        out_specs=[
            pl.BlockSpec((RB, K), lambda r, lo, hi: (r, 0)),
            pl.BlockSpec((RB, K), lambda r, lo, hi: (r, 0)),
            pl.BlockSpec((RB, K), lambda r, lo, hi: (r, 0)),
        ],
        scratch_shapes=[pltpu.VMEM((NT, RB, 128), jnp.float32)],
    )
    return pl.pallas_call(
        _graph_kernel,
        grid_spec=grid_spec,
        out_shape=[
            jax.ShapeDtypeStruct((N, K), jnp.int32),
            jax.ShapeDtypeStruct((N, K), jnp.float32),
            jax.ShapeDtypeStruct((N, K), jnp.float32),
        ],
    )(lo_tile, hi_tile, pos, lof, hif, posc)



def _init_kernel(zc_ref, embp_ref, l1_ref, h0_ref, xq0_ref):
    zc = zc_ref[...]
    lane = lax.broadcasted_iota(jnp.int32, (N, 128), 1).astype(jnp.float32)
    oh = (lane == zc).astype(jnp.float32)
    h0 = jnp.dot(oh, embp_ref[...], preferred_element_type=jnp.float32)
    h0_ref[...] = h0
    xq0_ref[...] = jnp.dot(h0, l1_ref[...], preferred_element_type=jnp.float32)


def _init_call(z, emb, lin1_0):
    zc = z.astype(jnp.float32)[:, None]
    embp = jnp.pad(emb, ((0, 128 - emb.shape[0]), (0, 0)))
    return pl.pallas_call(
        _init_kernel,
        out_shape=[
            jax.ShapeDtypeStruct((N, H), jnp.float32),
            jax.ShapeDtypeStruct((N, H), jnp.float32),
        ],
    )(zc, embp, lin1_0)


def _layer_kernel(ew_ref, em_ref, xg_ref, h_ref, offs_ref, w1_ref, b1_ref,
                  w2_ref, b2_ref, l2w_ref, l2b_ref, ilw_ref, ilb_ref,
                  l1n_ref, hn_ref, xqn_ref):
    ewc = ew_ref[...]
    c = em_ref[...]
    diff = ewc - offs_ref[...]
    ea = jnp.exp(_COEFF * diff * diff)
    f1 = jnp.dot(ea, w1_ref[...], preferred_element_type=jnp.float32) + b1_ref[...]
    s1 = _ssp(f1)
    wf = jnp.dot(s1, w2_ref[...], preferred_element_type=jnp.float32) + b2_ref[...]
    msg = xg_ref[...] * (wf * c)
    agg = jnp.sum(msg.reshape(RB, K, H), axis=1)
    t1 = _ssp(jnp.dot(agg, l2w_ref[...], preferred_element_type=jnp.float32)
              + l2b_ref[...])
    xo = jnp.dot(t1, ilw_ref[...], preferred_element_type=jnp.float32) + ilb_ref[...]
    hn = h_ref[...] + xo
    hn_ref[...] = hn
    xqn_ref[...] = jnp.dot(hn, l1n_ref[...], preferred_element_type=jnp.float32)


def _layer_call(ew1, em1, xg, h, offs, w1p, b1, w2, b2, l2w, l2b, ilw, ilb, l1n):
    full = lambda r: (0, 0)
    blk = lambda r: (r, 0)
    return pl.pallas_call(
        _layer_kernel,
        grid=(NBLK,),
        in_specs=[
            pl.BlockSpec((EB, 1), blk),
            pl.BlockSpec((EB, 1), blk),
            pl.BlockSpec((EB, H), blk),
            pl.BlockSpec((RB, H), blk),
            pl.BlockSpec((1, GP), full),
            pl.BlockSpec((GP, H), full),
            pl.BlockSpec((1, H), full),
            pl.BlockSpec((H, H), full),
            pl.BlockSpec((1, H), full),
            pl.BlockSpec((H, H), full),
            pl.BlockSpec((1, H), full),
            pl.BlockSpec((H, H), full),
            pl.BlockSpec((1, H), full),
            pl.BlockSpec((H, H), full),
        ],
        out_specs=[
            pl.BlockSpec((RB, H), blk),
            pl.BlockSpec((RB, H), blk),
        ],
        out_shape=[
            jax.ShapeDtypeStruct((N, H), jnp.float32),
            jax.ShapeDtypeStruct((N, H), jnp.float32),
        ],
    )(ew1, em1, xg, h, offs, w1p, b1, w2, b2, l2w, l2b, ilw, ilb, l1n)


_E = N * K
_NW = 32
_CH = 128
_BPW = _E // _NW
_NCHUNK = _BPW // _CH


def _gather_rows(xq, src):
    mesh = plsc.VectorSubcoreMesh(core_axis_name="c", subcore_axis_name="s")

    @functools.partial(
        pl.kernel,
        out_type=jax.ShapeDtypeStruct((_E, H), jnp.float32),
        mesh=mesh,
        scratch_types=[
            pltpu.VMEM((_CH,), jnp.int32),
            pltpu.VMEM((_CH,), jnp.int32),
            pltpu.VMEM((_CH, H), jnp.float32),
            pltpu.VMEM((_CH, H), jnp.float32),
            pltpu.SemaphoreType.DMA,
            pltpu.SemaphoreType.DMA,
            pltpu.SemaphoreType.DMA,
            pltpu.SemaphoreType.DMA,
        ],
    )
    def gk(table_hbm, idx_hbm, out_hbm, idx_a, idx_b, rows_a, rows_b,
           sga, sgb, soa, sob):
        wid = lax.axis_index("s") * 2 + lax.axis_index("c")
        base = wid * _BPW

        @pl.loop(0, _NCHUNK, step=2)
        def _pair(c):
            offa = base + c * _CH
            offb = offa + _CH

            @pl.when(c > 0)
            def _drain_prev():
                pltpu.make_async_copy(
                    rows_a, out_hbm.at[pl.ds(base, _CH)], soa).wait()
                pltpu.make_async_copy(
                    rows_b, out_hbm.at[pl.ds(base, _CH)], sob).wait()

            pltpu.sync_copy(idx_hbm.at[pl.ds(offa, _CH)], idx_a)
            ga = pltpu.async_copy(table_hbm.at[idx_a], rows_a, sga)
            pltpu.sync_copy(idx_hbm.at[pl.ds(offb, _CH)], idx_b)
            gb = pltpu.async_copy(table_hbm.at[idx_b], rows_b, sgb)
            ga.wait()
            pltpu.async_copy(rows_a, out_hbm.at[pl.ds(offa, _CH)], soa)
            gb.wait()
            pltpu.async_copy(rows_b, out_hbm.at[pl.ds(offb, _CH)], sob)

        pltpu.make_async_copy(rows_a, out_hbm.at[pl.ds(base, _CH)], soa).wait()
        pltpu.make_async_copy(rows_b, out_hbm.at[pl.ds(base, _CH)], sob).wait()

    return gk(xq, src)



def _pool_kernel(h_ref, bc_ref, pw_ref, pb_ref, o_ref):
    bc = bc_ref[...]
    gid = lax.broadcasted_iota(jnp.int32, (B, N), 0).astype(jnp.float32)
    S = (gid == bc).astype(jnp.float32)
    counts = jnp.sum(S, axis=1, keepdims=True)
    sums = jnp.dot(S, h_ref[...], preferred_element_type=jnp.float32)
    pooled = sums / jnp.maximum(counts, 1.0)
    o_ref[...] = jnp.dot(pooled, pw_ref[...],
                         preferred_element_type=jnp.float32) + pb_ref[...]


def _pool_call(h, batch32, proj_w, proj_b):
    bc = batch32.astype(jnp.float32)[None, :]
    return pl.pallas_call(
        _pool_kernel,
        out_shape=jax.ShapeDtypeStruct((B, H), jnp.float32),
    )(h, bc, proj_w, proj_b[None, :])



def kernel(z, pos, batch, emb, mlp_w1, mlp_b1, mlp_w2, mlp_b2,
           lin1_w, lin2_w, lin2_b, ilin_w, ilin_b, proj_w, proj_b):
    batch32 = batch.astype(jnp.int32)
    nbr, ew, em = _radius_graph(pos, batch32)
    ew1 = ew.reshape(N * K, 1)
    em1 = em.reshape(N * K, 1)
    src = nbr.reshape(-1)

    offs_full = jnp.linspace(0.0, CUTOFF, G).astype(jnp.float32)
    offs = jnp.concatenate(
        [offs_full, jnp.full((GP - G,), 1e9, jnp.float32)])[None, :]
    w1p = jnp.pad(mlp_w1, ((0, 0), (0, GP - G), (0, 0)))

    h, xq = _init_call(z, emb, lin1_w[0])
    for t in range(T):
        xg = _gather_rows(xq, src)
        l1n = lin1_w[(t + 1) % T]
        h, xq = _layer_call(ew1, em1, xg, h, offs, w1p[t], mlp_b1[t][None, :],
                            mlp_w2[t], mlp_b2[t][None, :], lin2_w[t],
                            lin2_b[t][None, :], ilin_w[t], ilin_b[t][None, :],
                            l1n)
    return _pool_call(h, batch32, proj_w, proj_b)

# --- scband reference (transcript-rebuilt; emitter-appended) ---
"""Pipeline reference for scband-node-sch-net-wrapper-12180527252068 (READ-ONLY COPY).

The authoritative reference and input builder live on the scoring server;
editing this copy changes nothing except your own understanding.
"""

import jax, jax.numpy as jnp
import numpy as np

N = 4096; K = 64; B = 64; H = 128; G = 50; T = 6
CUTOFF = 10.0


def ssp(x):
    return jax.nn.softplus(x) - jnp.log(2.0)


def setup_inputs(seed: int = 0):
    key = jax.random.key(seed)
    ks = jax.random.split(key, 16)
    z = jax.random.randint(ks[0], (N,), 0, 100)
    pos = jax.random.normal(ks[1], (N, 3), dtype=jnp.float32)
    batch = jnp.sort(jax.random.randint(ks[2], (N,), 0, B))

    def w(k, shape, fan_in):
        return (jax.random.normal(k, shape, dtype=jnp.float32) / np.sqrt(fan_in)).astype(jnp.float32)

    emb = w(ks[3], (100, H), 1.0)
    mlp_w1 = w(ks[4], (T, G, H), G)
    mlp_b1 = jnp.zeros((T, H), jnp.float32)
    mlp_w2 = w(ks[5], (T, H, H), H)
    mlp_b2 = jnp.zeros((T, H), jnp.float32)
    lin1_w = w(ks[6], (T, H, H), H)
    lin2_w = w(ks[7], (T, H, H), H)
    lin2_b = jnp.zeros((T, H), jnp.float32)
    ilin_w = w(ks[8], (T, H, H), H)
    ilin_b = jnp.zeros((T, H), jnp.float32)
    proj_w = w(ks[9], (H, H), H)
    proj_b = jnp.zeros((H,), jnp.float32)
    return {"z": z, "pos": pos, "batch": batch, "emb": emb,
            "mlp_w1": mlp_w1, "mlp_b1": mlp_b1, "mlp_w2": mlp_w2, "mlp_b2": mlp_b2,
            "lin1_w": lin1_w, "lin2_w": lin2_w, "lin2_b": lin2_b,
            "ilin_w": ilin_w, "ilin_b": ilin_b, "proj_w": proj_w, "proj_b": proj_b}


def reference(z, pos, batch, emb, mlp_w1, mlp_b1, mlp_w2, mlp_b2,
              lin1_w, lin2_w, lin2_b, ilin_w, ilin_b, proj_w, proj_b):
    # radius_graph: batched, no self loops, capped at K nearest neighbors within cutoff
    d2 = jnp.sum((pos[:, None, :] - pos[None, :, :]) ** 2, axis=-1)
    dist = jnp.sqrt(jnp.maximum(d2, 1e-12))
    same = batch[:, None] == batch[None, :]
    valid = same & (~jnp.eye(N, dtype=bool)) & (dist < CUTOFF)
    scores = jnp.where(valid, -dist, -1e9)
    vals, nbr = jax.lax.top_k(scores, K)
    mask = vals > -1e8
    src = nbr.reshape(-1)                      # source/neighbor nodes j
    dst = jnp.repeat(jnp.arange(N), K)         # center nodes i (aggregation targets)
    ew = jnp.where(mask, -vals, CUTOFF).reshape(-1)  # edge weights (distances)
    emask = mask.reshape(-1).astype(jnp.float32)
    # GaussianSmearing
    offset = jnp.linspace(0.0, CUTOFF, G)
    coeff = -0.5 / (offset[1] - offset[0]) ** 2
    ea = jnp.exp(coeff * (ew[:, None] - offset[None, :]) ** 2)
    # cosine cutoff used inside CFConv
    C = 0.5 * (jnp.cos(ew * jnp.pi / CUTOFF) + 1.0) * emask
    h = emb[z]
    for t in range(T):
        # filter network: Linear -> ShiftedSoftplus -> Linear, times cosine cutoff
        Wf = (ssp(ea @ mlp_w1[t] + mlp_b1[t]) @ mlp_w2[t] + mlp_b2[t]) * C[:, None]
        xq = h @ lin1_w[t]                    # CFConv lin1 (no bias)
        msg = xq[src] * Wf                    # message = x_j * W
        agg = jax.ops.segment_sum(msg, dst, num_segments=N)
        xo = ssp(agg @ lin2_w[t] + lin2_b[t]) # CFConv lin2 then interaction act
        xo = xo @ ilin_w[t] + ilin_b[t]       # interaction final lin
        h = h + xo                            # residual
    # wrapper: per-graph mean pooling of node embeddings, then pool_proj
    counts = jax.ops.segment_sum(jnp.ones((N,), jnp.float32), batch, num_segments=B)
    sums = jax.ops.segment_sum(h, batch, num_segments=B)
    pooled = jnp.where(counts[:, None] > 0, sums / jnp.maximum(counts, 1.0)[:, None], 0.0)
    return pooled @ proj_w + proj_b

if __name__ == "__main__":
    import jax
    _d = setup_inputs()
    print(jax.jit(kernel)(*tuple(_d.values())))

</pallas_src>

<mosaic_0001>
#map = affine_map<(d0, d1) -> (0, 0)>
#map1 = affine_map<(d0, d1) -> (0)>
module attributes {stable_mosaic.version = 14 : i64} {
  func.func @gk(%arg0: i32, %arg1: i32, %arg2: memref<4096x128xf32, #tpu.memory_space<hbm>>, %arg3: memref<262144xi32, #tpu.memory_space<hbm>>, %arg4: memref<262144x128xf32, #tpu.memory_space<hbm>>, %arg5: memref<128xi32, #tpu.memory_space<vmem>>, %arg6: memref<128xi32, #tpu.memory_space<vmem>>, %arg7: memref<128x128xf32, #tpu.memory_space<vmem>>, %arg8: memref<128x128xf32, #tpu.memory_space<vmem>>, %arg9: memref<!tpu.dma_semaphore, #tpu.memory_space<semaphore_mem>>, %arg10: memref<!tpu.dma_semaphore, #tpu.memory_space<semaphore_mem>>, %arg11: memref<!tpu.dma_semaphore, #tpu.memory_space<semaphore_mem>>, %arg12: memref<!tpu.dma_semaphore, #tpu.memory_space<semaphore_mem>>) attributes {dimension_semantics = [#tpu.dimension_semantics<core_parallel>, #tpu.dimension_semantics<subcore_parallel>], iteration_bounds = array<i64: 2, 16>, scalar_prefetch = 0 : i64, scratch_operands = 8 : i64, tpu.core_type = #tpu.core_type<sc_vector_subcore>, window_params = [{transform_indices = #map}, {transform_indices = #map1}, {transform_indices = #map}]} {
    %mul3A = arith.constant 2 : i32
    %mul3A_0 = arith.muli %arg1, %mul3A : i32
    %add3A = arith.addi %mul3A_0, %arg0 : i32
    %mul3A_1 = arith.constant 8192 : i32
    %mul3A_2 = arith.muli %add3A, %mul3A_1 : i32
    %scan3A = arith.constant 0 : i32
    %scan3A_3 = arith.constant 32 : i32
    %scan3A_4 = arith.addi %scan3A, %scan3A_3 : i32
    %scan3A_5 = arith.constant 1 : i32
    scf.for %scan3A_14 = %scan3A to %scan3A_4 step %scan3A_5  : i32 {
      %mul3A_15 = arith.constant 2 : i32
      %mul3A_16 = arith.muli %scan3A_14, %mul3A_15 : i32
      %add3A_17 = arith.constant 0 : i32
      %add3A_18 = arith.addi %add3A_17, %mul3A_16 : i32
      %mul3A_19 = arith.constant 128 : i32
      %mul3A_20 = arith.muli %add3A_18, %mul3A_19 : i32
      %add3A_21 = arith.addi %mul3A_2, %mul3A_20 : i32
      %add3A_22 = arith.constant 128 : i32
      %add3A_23 = arith.addi %add3A_21, %add3A_22 : i32
      %gt3A = arith.constant 0 : i32
      %gt3A_24 = arith.cmpi sgt, %add3A_18, %gt3A : i32
      %convert_element_type3A = arith.extui %gt3A_24 : i1 to i32
      %cond3A = arith.constant 0 : i32
      %cond3A_25 = arith.cmpi ne, %convert_element_type3A, %cond3A : i32
      scf.if %cond3A_25 {
        %dma_wait3A_45 = arith.constant 0 : i32
        %dma_wait3A_46 = tpu.memref_slice %arg4[%mul3A_2, %dma_wait3A_45] : memref<262144x128xf32, #tpu.memory_space<hbm>> -> memref<128x128xf32, #tpu.memory_space<hbm>>
        %dma_wait3A_47 = arith.constant 0 : i32
        %dma_wait3A_48 = tpu.memref_slice %arg4[%mul3A_2, %dma_wait3A_47] : memref<262144x128xf32, #tpu.memory_space<hbm>> -> memref<128x128xf32, #tpu.memory_space<hbm>>
        tpu.wait_dma2 semaphore(%arg11 : memref<!tpu.dma_semaphore, #tpu.memory_space<semaphore_mem>>) src(%arg7 : memref<128x128xf32, #tpu.memory_space<vmem>>) dst(%dma_wait3A_48 : memref<128x128xf32, #tpu.memory_space<hbm>>)
        %dma_wait3A_49 = arith.constant 0 : i32
        %dma_wait3A_50 = tpu.memref_slice %arg4[%mul3A_2, %dma_wait3A_49] : memref<262144x128xf32, #tpu.memory_space<hbm>> -> memref<128x128xf32, #tpu.memory_space<hbm>>
        %dma_wait3A_51 = arith.constant 0 : i32
        %dma_wait3A_52 = tpu.memref_slice %arg4[%mul3A_2, %dma_wait3A_51] : memref<262144x128xf32, #tpu.memory_space<hbm>> -> memref<128x128xf32, #tpu.memory_space<hbm>>
        tpu.wait_dma2 semaphore(%arg12 : memref<!tpu.dma_semaphore, #tpu.memory_space<semaphore_mem>>) src(%arg8 : memref<128x128xf32, #tpu.memory_space<vmem>>) dst(%dma_wait3A_52 : memref<128x128xf32, #tpu.memory_space<hbm>>)
      } else {
      }
      "tpu.region"() ({
        %run_scoped3A = tpu.sem_alloc : memref<!tpu.dma_semaphore, #tpu.memory_space<semaphore_mem>>
        %dma_start3A_45 = tpu.memref_slice %arg3[%add3A_21] : memref<262144xi32, #tpu.memory_space<hbm>> -> memref<128xi32, #tpu.memory_space<hbm>>
        %dma_start3A_46 = tpu.memref_slice %arg3[%add3A_21] : memref<262144xi32, #tpu.memory_space<hbm>> -> memref<128xi32, #tpu.memory_space<hbm>>
        tpu.enqueue_dma source(%dma_start3A_46 : memref<128xi32, #tpu.memory_space<hbm>>) target(%arg5 : memref<128xi32, #tpu.memory_space<vmem>>) target_semaphore(%run_scoped3A : memref<!tpu.dma_semaphore, #tpu.memory_space<semaphore_mem>>)
        %dma_wait3A_47 = tpu.memref_slice %arg3[%add3A_21] : memref<262144xi32, #tpu.memory_space<hbm>> -> memref<128xi32, #tpu.memory_space<hbm>>
        %dma_wait3A_48 = tpu.memref_slice %arg3[%add3A_21] : memref<262144xi32, #tpu.memory_space<hbm>> -> memref<128xi32, #tpu.memory_space<hbm>>
        tpu.wait_dma2 semaphore(%run_scoped3A : memref<!tpu.dma_semaphore, #tpu.memory_space<semaphore_mem>>) src(%dma_wait3A_48 : memref<128xi32, #tpu.memory_space<hbm>>) dst(%arg5 : memref<128xi32, #tpu.memory_space<vmem>>)
        tpu.yield
      }) : () -> ()
      %dma_start3A = arith.constant 0 : i32
      %dma_start3A_26 = arith.constant 0 : i32
      %dma_start3A_27 = tpu.memref_slice %arg2[%dma_start3A, %dma_start3A_26] : memref<4096x128xf32, #tpu.memory_space<hbm>> -> memref<4096x128xf32, #tpu.memory_space<hbm>>
      tpu.enqueue_indirect_dma source(%dma_start3A_27 : memref<4096x128xf32, #tpu.memory_space<hbm>>) target(%arg7 : memref<128x128xf32, #tpu.memory_space<vmem>>) offsets(%arg5 : memref<128xi32, #tpu.memory_space<vmem>>) semaphore(%arg9 : memref<!tpu.dma_semaphore, #tpu.memory_space<semaphore_mem>>)
      "tpu.region"() ({
        %run_scoped3A = tpu.sem_alloc : memref<!tpu.dma_semaphore, #tpu.memory_space<semaphore_mem>>
        %dma_start3A_45 = tpu.memref_slice %arg3[%add3A_23] : memref<262144xi32, #tpu.memory_space<hbm>> -> memref<128xi32, #tpu.memory_space<hbm>>
        %dma_start3A_46 = tpu.memref_slice %arg3[%add3A_23] : memref<262144xi32, #tpu.memory_space<hbm>> -> memref<128xi32, #tpu.memory_space<hbm>>
        tpu.enqueue_dma source(%dma_start3A_46 : memref<128xi32, #tpu.memory_space<hbm>>) target(%arg6 : memref<128xi32, #tpu.memory_space<vmem>>) target_semaphore(%run_scoped3A : memref<!tpu.dma_semaphore, #tpu.memory_space<semaphore_mem>>)
        %dma_wait3A_47 = tpu.memref_slice %arg3[%add3A_23] : memref<262144xi32, #tpu.memory_space<hbm>> -> memref<128xi32, #tpu.memory_space<hbm>>
        %dma_wait3A_48 = tpu.memref_slice %arg3[%add3A_23] : memref<262144xi32, #tpu.memory_space<hbm>> -> memref<128xi32, #tpu.memory_space<hbm>>
        tpu.wait_dma2 semaphore(%run_scoped3A : memref<!tpu.dma_semaphore, #tpu.memory_space<semaphore_mem>>) src(%dma_wait3A_48 : memref<128xi32, #tpu.memory_space<hbm>>) dst(%arg6 : memref<128xi32, #tpu.memory_space<vmem>>)
        tpu.yield
      }) : () -> ()
      %dma_start3A_28 = arith.constant 0 : i32
      %dma_start3A_29 = arith.constant 0 : i32
      %dma_start3A_30 = tpu.memref_slice %arg2[%dma_start3A_28, %dma_start3A_29] : memref<4096x128xf32, #tpu.memory_space<hbm>> -> memref<4096x128xf32, #tpu.memory_space<hbm>>
      tpu.enqueue_indirect_dma source(%dma_start3A_30 : memref<4096x128xf32, #tpu.memory_space<hbm>>) target(%arg8 : memref<128x128xf32, #tpu.memory_space<vmem>>) offsets(%arg6 : memref<128xi32, #tpu.memory_space<vmem>>) semaphore(%arg10 : memref<!tpu.dma_semaphore, #tpu.memory_space<semaphore_mem>>)
      %dma_wait3A_31 = arith.constant 0 : i32
      %dma_wait3A_32 = arith.constant 0 : i32
      %dma_wait3A_33 = tpu.memref_slice %arg2[%dma_wait3A_31, %dma_wait3A_32] : memref<4096x128xf32, #tpu.memory_space<hbm>> -> memref<4096x128xf32, #tpu.memory_space<hbm>>
      tpu.wait_indirect_dma semaphore(%arg9 : memref<!tpu.dma_semaphore, #tpu.memory_space<semaphore_mem>>) src(%dma_wait3A_33 : memref<4096x128xf32, #tpu.memory_space<hbm>>) dst(%arg7 : memref<128x128xf32, #tpu.memory_space<vmem>>)
      %dma_start3A_34 = arith.constant 0 : i32
      %dma_start3A_35 = tpu.memref_slice %arg4[%add3A_21, %dma_start3A_34] : memref<262144x128xf32, #tpu.memory_space<hbm>> -> memref<128x128xf32, #tpu.memory_space<hbm>>
      %dma_start3A_36 = arith.constant 0 : i32
      %dma_start3A_37 = tpu.memref_slice %arg4[%add3A_21, %dma_start3A_36] : memref<262144x128xf32, #tpu.memory_space<hbm>> -> memref<128x128xf32, #tpu.memory_space<hbm>>
      tpu.enqueue_dma source(%arg7 : memref<128x128xf32, #tpu.memory_space<vmem>>) target(%dma_start3A_37 : memref<128x128xf32, #tpu.memory_space<hbm>>) target_semaphore(%arg11 : memref<!tpu.dma_semaphore, #tpu.memory_space<semaphore_mem>>)
      %dma_wait3A_38 = arith.constant 0 : i32
      %dma_wait3A_39 = arith.constant 0 : i32
      %dma_wait3A_40 = tpu.memref_slice %arg2[%dma_wait3A_38, %dma_wait3A_39] : memref<4096x128xf32, #tpu.memory_space<hbm>> -> memref<4096x128xf32, #tpu.memory_space<hbm>>
      tpu.wait_indirect_dma semaphore(%arg10 : memref<!tpu.dma_semaphore, #tpu.memory_space<semaphore_mem>>) src(%dma_wait3A_40 : memref<4096x128xf32, #tpu.memory_space<hbm>>) dst(%arg8 : memref<128x128xf32, #tpu.memory_space<vmem>>)
      %dma_start3A_41 = arith.constant 0 : i32
      %dma_start3A_42 = tpu.memref_slice %arg4[%add3A_23, %dma_start3A_41] : memref<262144x128xf32, #tpu.memory_space<hbm>> -> memref<128x128xf32, #tpu.memory_space<hbm>>
      %dma_start3A_43 = arith.constant 0 : i32
      %dma_start3A_44 = tpu.memref_slice %arg4[%add3A_23, %dma_start3A_43] : memref<262144x128xf32, #tpu.memory_space<hbm>> -> memref<128x128xf32, #tpu.memory_space<hbm>>
      tpu.enqueue_dma source(%arg8 : memref<128x128xf32, #tpu.memory_space<vmem>>) target(%dma_start3A_44 : memref<128x128xf32, #tpu.memory_space<hbm>>) target_semaphore(%arg12 : memref<!tpu.dma_semaphore, #tpu.memory_space<semaphore_mem>>)
    }
    %scan3A_6 = arith.constant 32 : i32
    %dma_wait3A = arith.constant 0 : i32
    %dma_wait3A_7 = tpu.memref_slice %arg4[%mul3A_2, %dma_wait3A] : memref<262144x128xf32, #tpu.memory_space<hbm>> -> memref<128x128xf32, #tpu.memory_space<hbm>>
    %dma_wait3A_8 = arith.constant 0 : i32
    %dma_wait3A_9 = tpu.memref_slice %arg4[%mul3A_2, %dma_wait3A_8] : memref<262144x128xf32, #tpu.memory_space<hbm>> -> memref<128x128xf32, #tpu.memory_space<hbm>>
    tpu.wait_dma2 semaphore(%arg11 : memref<!tpu.dma_semaphore, #tpu.memory_space<semaphore_mem>>) src(%arg7 : memref<128x128xf32, #tpu.memory_space<vmem>>) dst(%dma_wait3A_9 : memref<128x128xf32, #tpu.memory_space<hbm>>)
    %dma_wait3A_10 = arith.constant 0 : i32
    %dma_wait3A_11 = tpu.memref_slice %arg4[%mul3A_2, %dma_wait3A_10] : memref<262144x128xf32, #tpu.memory_space<hbm>> -> memref<128x128xf32, #tpu.memory_space<hbm>>
    %dma_wait3A_12 = arith.constant 0 : i32
    %dma_wait3A_13 = tpu.memref_slice %arg4[%mul3A_2, %dma_wait3A_12] : memref<262144x128xf32, #tpu.memory_space<hbm>> -> memref<128x128xf32, #tpu.memory_space<hbm>>
    tpu.wait_dma2 semaphore(%arg12 : memref<!tpu.dma_semaphore, #tpu.memory_space<semaphore_mem>>) src(%arg8 : memref<128x128xf32, #tpu.memory_space<vmem>>) dst(%dma_wait3A_13 : memref<128x128xf32, #tpu.memory_space<hbm>>)
    return
  }
}

#map = affine_map<(d0, d1) -> (0, 0)>
#map1 = affine_map<(d0, d1) -> (0)>
module attributes {stable_mosaic.version = 14 : i64} {
  func.func @gk(%arg0: i32, %arg1: i32, %arg2: memref<4096x128xf32, #tpu.memory_space<hbm>>, %arg3: memref<262144xi32, #tpu.memory_space<hbm>>, %arg4: memref<262144x128xf32, #tpu.memory_space<hbm>>, %arg5: memref<128xi32, #tpu.memory_space<vmem>>, %arg6: memref<128xi32, #tpu.memory_space<vmem>>, %arg7: memref<128x128xf32, #tpu.memory_space<vmem>>, %arg8: memref<128x128xf32, #tpu.memory_space<vmem>>, %arg9: memref<!tpu.dma_semaphore, #tpu.memory_space<semaphore_mem>>, %arg10: memref<!tpu.dma_semaphore, #tpu.memory_space<semaphore_mem>>, %arg11: memref<!tpu.dma_semaphore, #tpu.memory_space<semaphore_mem>>, %arg12: memref<!tpu.dma_semaphore, #tpu.memory_space<semaphore_mem>>) attributes {dimension_semantics = [#tpu.dimension_semantics<core_parallel>, #tpu.dimension_semantics<subcore_parallel>], iteration_bounds = array<i64: 2, 16>, scalar_prefetch = 0 : i64, scratch_operands = 8 : i64, tpu.core_type = #tpu.core_type<sc_vector_subcore>, window_params = [{transform_indices = #map}, {transform_indices = #map1}, {transform_indices = #map}]} {
    %mul3A = arith.constant 2 : i32
    %mul3A_0 = arith.muli %arg1, %mul3A : i32
    %add3A = arith.addi %mul3A_0, %arg0 : i32
    %mul3A_1 = arith.constant 8192 : i32
    %mul3A_2 = arith.muli %add3A, %mul3A_1 : i32
    %scan3A = arith.constant 0 : i32
    %scan3A_3 = arith.constant 32 : i32
    %scan3A_4 = arith.addi %scan3A, %scan3A_3 : i32
    %scan3A_5 = arith.constant 1 : i32
    scf.for %scan3A_14 = %scan3A to %scan3A_4 step %scan3A_5  : i32 {
      %mul3A_15 = arith.constant 2 : i32
      %mul3A_16 = arith.muli %scan3A_14, %mul3A_15 : i32
      %add3A_17 = arith.constant 0 : i32
      %add3A_18 = arith.addi %add3A_17, %mul3A_16 : i32
      %mul3A_19 = arith.constant 128 : i32
      %mul3A_20 = arith.muli %add3A_18, %mul3A_19 : i32
      %add3A_21 = arith.addi %mul3A_2, %mul3A_20 : i32
      %add3A_22 = arith.constant 128 : i32
      %add3A_23 = arith.addi %add3A_21, %add3A_22 : i32
      %gt3A = arith.constant 0 : i32
      %gt3A_24 = arith.cmpi sgt, %add3A_18, %gt3A : i32
      %convert_element_type3A = arith.extui %gt3A_24 : i1 to i32
      %cond3A = arith.constant 0 : i32
      %cond3A_25 = arith.cmpi ne, %convert_element_type3A, %cond3A : i32
      scf.if %cond3A_25 {
        %dma_wait3A_45 = arith.constant 0 : i32
        %dma_wait3A_46 = tpu.memref_slice %arg4[%mul3A_2, %dma_wait3A_45] : memref<262144x128xf32, #tpu.memory_space<hbm>> -> memref<128x128xf32, #tpu.memory_space<hbm>>
        %dma_wait3A_47 = arith.constant 0 : i32
        %dma_wait3A_48 = tpu.memref_slice %arg4[%mul3A_2, %dma_wait3A_47] : memref<262144x128xf32, #tpu.memory_space<hbm>> -> memref<128x128xf32, #tpu.memory_space<hbm>>
        tpu.wait_dma2 semaphore(%arg11 : memref<!tpu.dma_semaphore, #tpu.memory_space<semaphore_mem>>) src(%arg7 : memref<128x128xf32, #tpu.memory_space<vmem>>) dst(%dma_wait3A_48 : memref<128x128xf32, #tpu.memory_space<hbm>>)
        %dma_wait3A_49 = arith.constant 0 : i32
        %dma_wait3A_50 = tpu.memref_slice %arg4[%mul3A_2, %dma_wait3A_49] : memref<262144x128xf32, #tpu.memory_space<hbm>> -> memref<128x128xf32, #tpu.memory_space<hbm>>
        %dma_wait3A_51 = arith.constant 0 : i32
        %dma_wait3A_52 = tpu.memref_slice %arg4[%mul3A_2, %dma_wait3A_51] : memref<262144x128xf32, #tpu.memory_space<hbm>> -> memref<128x128xf32, #tpu.memory_space<hbm>>
        tpu.wait_dma2 semaphore(%arg12 : memref<!tpu.dma_semaphore, #tpu.memory_space<semaphore_mem>>) src(%arg8 : memref<128x128xf32, #tpu.memory_space<vmem>>) dst(%dma_wait3A_52 : memref<128x128xf32, #tpu.memory_space<hbm>>)
      } else {
      }
      "tpu.region"() ({
        %run_scoped3A = tpu.sem_alloc : memref<!tpu.dma_semaphore, #tpu.memory_space<semaphore_mem>>
        %dma_start3A_45 = tpu.memref_slice %arg3[%add3A_21] : memref<262144xi32, #tpu.memory_space<hbm>> -> memref<128xi32, #tpu.memory_space<hbm>>
        %dma_start3A_46 = tpu.memref_slice %arg3[%add3A_21] : memref<262144xi32, #tpu.memory_space<hbm>> -> memref<128xi32, #tpu.memory_space<hbm>>
        tpu.enqueue_dma source(%dma_start3A_46 : memref<128xi32, #tpu.memory_space<hbm>>) target(%arg5 : memref<128xi32, #tpu.memory_space<vmem>>) target_semaphore(%run_scoped3A : memref<!tpu.dma_semaphore, #tpu.memory_space<semaphore_mem>>)
        %dma_wait3A_47 = tpu.memref_slice %arg3[%add3A_21] : memref<262144xi32, #tpu.memory_space<hbm>> -> memref<128xi32, #tpu.memory_space<hbm>>
        %dma_wait3A_48 = tpu.memref_slice %arg3[%add3A_21] : memref<262144xi32, #tpu.memory_space<hbm>> -> memref<128xi32, #tpu.memory_space<hbm>>
        tpu.wait_dma2 semaphore(%run_scoped3A : memref<!tpu.dma_semaphore, #tpu.memory_space<semaphore_mem>>) src(%dma_wait3A_48 : memref<128xi32, #tpu.memory_space<hbm>>) dst(%arg5 : memref<128xi32, #tpu.memory_space<vmem>>)
        tpu.yield
      }) : () -> ()
      %dma_start3A = arith.constant 0 : i32
      %dma_start3A_26 = arith.constant 0 : i32
      %dma_start3A_27 = tpu.memref_slice %arg2[%dma_start3A, %dma_start3A_26] : memref<4096x128xf32, #tpu.memory_space<hbm>> -> memref<4096x128xf32, #tpu.memory_space<hbm>>
      tpu.enqueue_indirect_dma source(%dma_start3A_27 : memref<4096x128xf32, #tpu.memory_space<hbm>>) target(%arg7 : memref<128x128xf32, #tpu.memory_space<vmem>>) offsets(%arg5 : memref<128xi32, #tpu.memory_space<vmem>>) semaphore(%arg9 : memref<!tpu.dma_semaphore, #tpu.memory_space<semaphore_mem>>)
      "tpu.region"() ({
        %run_scoped3A = tpu.sem_alloc : memref<!tpu.dma_semaphore, #tpu.memory_space<semaphore_mem>>
        %dma_start3A_45 = tpu.memref_slice %arg3[%add3A_23] : memref<262144xi32, #tpu.memory_space<hbm>> -> memref<128xi32, #tpu.memory_space<hbm>>
        %dma_start3A_46 = tpu.memref_slice %arg3[%add3A_23] : memref<262144xi32, #tpu.memory_space<hbm>> -> memref<128xi32, #tpu.memory_space<hbm>>
        tpu.enqueue_dma source(%dma_start3A_46 : memref<128xi32, #tpu.memory_space<hbm>>) target(%arg6 : memref<128xi32, #tpu.memory_space<vmem>>) target_semaphore(%run_scoped3A : memref<!tpu.dma_semaphore, #tpu.memory_space<semaphore_mem>>)
        %dma_wait3A_47 = tpu.memref_slice %arg3[%add3A_23] : memref<262144xi32, #tpu.memory_space<hbm>> -> memref<128xi32, #tpu.memory_space<hbm>>
        %dma_wait3A_48 = tpu.memref_slice %arg3[%add3A_23] : memref<262144xi32, #tpu.memory_space<hbm>> -> memref<128xi32, #tpu.memory_space<hbm>>
        tpu.wait_dma2 semaphore(%run_scoped3A : memref<!tpu.dma_semaphore, #tpu.memory_space<semaphore_mem>>) src(%dma_wait3A_48 : memref<128xi32, #tpu.memory_space<hbm>>) dst(%arg6 : memref<128xi32, #tpu.memory_space<vmem>>)
        tpu.yield
      }) : () -> ()
      %dma_start3A_28 = arith.constant 0 : i32
      %dma_start3A_29 = arith.constant 0 : i32
      %dma_start3A_30 = tpu.memref_slice %arg2[%dma_start3A_28, %dma_start3A_29] : memref<4096x128xf32, #tpu.memory_space<hbm>> -> memref<4096x128xf32, #tpu.memory_space<hbm>>
      tpu.enqueue_indirect_dma source(%dma_start3A_30 : memref<4096x128xf32, #tpu.memory_space<hbm>>) target(%arg8 : memref<128x128xf32, #tpu.memory_space<vmem>>) offsets(%arg6 : memref<128xi32, #tpu.memory_space<vmem>>) semaphore(%arg10 : memref<!tpu.dma_semaphore, #tpu.memory_space<semaphore_mem>>)
      %dma_wait3A_31 = arith.constant 0 : i32
      %dma_wait3A_32 = arith.constant 0 : i32
      %dma_wait3A_33 = tpu.memref_slice %arg2[%dma_wait3A_31, %dma_wait3A_32] : memref<4096x128xf32, #tpu.memory_space<hbm>> -> memref<4096x128xf32, #tpu.memory_space<hbm>>
      tpu.wait_indirect_dma semaphore(%arg9 : memref<!tpu.dma_semaphore, #tpu.memory_space<semaphore_mem>>) src(%dma_wait3A_33 : memref<4096x128xf32, #tpu.memory_space<hbm>>) dst(%arg7 : memref<128x128xf32, #tpu.memory_space<vmem>>)
      %dma_start3A_34 = arith.constant 0 : i32
      %dma_start3A_35 = tpu.memref_slice %arg4[%add3A_21, %dma_start3A_34] : memref<262144x128xf32, #tpu.memory_space<hbm>> -> memref<128x128xf32, #tpu.memory_space<hbm>>
      %dma_start3A_36 = arith.constant 0 : i32
      %dma_start3A_37 = tpu.memref_slice %arg4[%add3A_21, %dma_start3A_36] : memref<262144x128xf32, #tpu.memory_space<hbm>> -> memref<128x128xf32, #tpu.memory_space<hbm>>
      tpu.enqueue_dma source(%arg7 : memref<128x128xf32, #tpu.memory_space<vmem>>) target(%dma_start3A_37 : memref<128x128xf32, #tpu.memory_space<hbm>>) target_semaphore(%arg11 : memref<!tpu.dma_semaphore, #tpu.memory_space<semaphore_mem>>)
      %dma_wait3A_38 = arith.constant 0 : i32
      %dma_wait3A_39 = arith.constant 0 : i32
      %dma_wait3A_40 = tpu.memref_slice %arg2[%dma_wait3A_38, %dma_wait3A_39] : memref<4096x128xf32, #tpu.memory_space<hbm>> -> memref<4096x128xf32, #tpu.memory_space<hbm>>
      tpu.wait_indirect_dma semaphore(%arg10 : memref<!tpu.dma_semaphore, #tpu.memory_space<semaphore_mem>>) src(%dma_wait3A_40 : memref<4096x128xf32, #tpu.memory_space<hbm>>) dst(%arg8 : memref<128x128xf32, #tpu.memory_space<vmem>>)
      %dma_start3A_41 = arith.constant 0 : i32
      %dma_start3A_42 = tpu.memref_slice %arg4[%add3A_23, %dma_start3A_41] : memref<262144x128xf32, #tpu.memory_space<hbm>> -> memref<128x128xf32, #tpu.memory_space<hbm>>
      %dma_start3A_43 = arith.constant 0 : i32
      %dma_start3A_44 = tpu.memref_slice %arg4[%add3A_23, %dma_start3A_43] : memref<262144x128xf32, #tpu.memory_space<hbm>> -> memref<128x128xf32, #tpu.memory_space<hbm>>
      tpu.enqueue_dma source(%arg8 : memref<128x128xf32, #tpu.memory_space<vmem>>) target(%dma_start3A_44 : memref<128x128xf32, #tpu.memory_space<hbm>>) target_semaphore(%arg12 : memref<!tpu.dma_semaphore, #tpu.memory_space<semaphore_mem>>)
    }
    %scan3A_6 = arith.constant 32 : i32
    %dma_wait3A = arith.constant 0 : i32
    %dma_wait3A_7 = tpu.memref_slice %arg4[%mul3A_2, %dma_wait3A] : memref<262144x128xf32, #tpu.memory_space<hbm>> -> memref<128x128xf32, #tpu.memory_space<hbm>>
    %dma_wait3A_8 = arith.constant 0 : i32
    %dma_wait3A_9 = tpu.memref_slice %arg4[%mul3A_2, %dma_wait3A_8] : memref<262144x128xf32, #tpu.memory_space<hbm>> -> memref<128x128xf32, #tpu.memory_space<hbm>>
    tpu.wait_dma2 semaphore(%arg11 : memref<!tpu.dma_semaphore, #tpu.memory_space<semaphore_mem>>) src(%arg7 : memref<128x128xf32, #tpu.memory_space<vmem>>) dst(%dma_wait3A_9 : memref<128x128xf32, #tpu.memory_space<hbm>>)
    %dma_wait3A_10 = arith.constant 0 : i32
    %dma_wait3A_11 = tpu.memref_slice %arg4[%mul3A_2, %dma_wait3A_10] : memref<262144x128xf32, #tpu.memory_space<hbm>> -> memref<128x128xf32, #tpu.memory_space<hbm>>
    %dma_wait3A_12 = arith.constant 0 : i32
    %dma_wait3A_13 = tpu.memref_slice %arg4[%mul3A_2, %dma_wait3A_12] : memref<262144x128xf32, #tpu.memory_space<hbm>> -> memref<128x128xf32, #tpu.memory_space<hbm>>
    tpu.wait_dma2 semaphore(%arg12 : memref<!tpu.dma_semaphore, #tpu.memory_space<semaphore_mem>>) src(%arg8 : memref<128x128xf32, #tpu.memory_space<vmem>>) dst(%dma_wait3A_13 : memref<128x128xf32, #tpu.memory_space<hbm>>)
    return
  }
}

#map = affine_map<(d0, d1) -> (0, 0)>
#map1 = affine_map<(d0, d1) -> (0)>
module attributes {stable_mosaic.version = 14 : i64} {
  func.func @gk(%arg0: i32, %arg1: i32, %arg2: memref<4096x128xf32, #tpu.memory_space<hbm>>, %arg3: memref<262144xi32, #tpu.memory_space<hbm>>, %arg4: memref<262144x128xf32, #tpu.memory_space<hbm>>, %arg5: memref<128xi32, #tpu.memory_space<vmem>>, %arg6: memref<128xi32, #tpu.memory_space<vmem>>, %arg7: memref<128x128xf32, #tpu.memory_space<vmem>>, %arg8: memref<128x128xf32, #tpu.memory_space<vmem>>, %arg9: memref<!tpu.dma_semaphore, #tpu.memory_space<semaphore_mem>>, %arg10: memref<!tpu.dma_semaphore, #tpu.memory_space<semaphore_mem>>, %arg11: memref<!tpu.dma_semaphore, #tpu.memory_space<semaphore_mem>>, %arg12: memref<!tpu.dma_semaphore, #tpu.memory_space<semaphore_mem>>) attributes {dimension_semantics = [#tpu.dimension_semantics<core_parallel>, #tpu.dimension_semantics<subcore_parallel>], iteration_bounds = array<i64: 2, 16>, scalar_prefetch = 0 : i64, scratch_operands = 8 : i64, tpu.core_type = #tpu.core_type<sc_vector_subcore>, window_params = [{transform_indices = #map}, {transform_indices = #map1}, {transform_indices = #map}]} {
    %mul3A = arith.constant 2 : i32
    %mul3A_0 = arith.muli %arg1, %mul3A : i32
    %add3A = arith.addi %mul3A_0, %arg0 : i32
    %mul3A_1 = arith.constant 8192 : i32
    %mul3A_2 = arith.muli %add3A, %mul3A_1 : i32
    %scan3A = arith.constant 0 : i32
    %scan3A_3 = arith.constant 32 : i32
    %scan3A_4 = arith.addi %scan3A, %scan3A_3 : i32
    %scan3A_5 = arith.constant 1 : i32
    scf.for %scan3A_14 = %scan3A to %scan3A_4 step %scan3A_5  : i32 {
      %mul3A_15 = arith.constant 2 : i32
      %mul3A_16 = arith.muli %scan3A_14, %mul3A_15 : i32
      %add3A_17 = arith.constant 0 : i32
      %add3A_18 = arith.addi %add3A_17, %mul3A_16 : i32
      %mul3A_19 = arith.constant 128 : i32
      %mul3A_20 = arith.muli %add3A_18, %mul3A_19 : i32
      %add3A_21 = arith.addi %mul3A_2, %mul3A_20 : i32
      %add3A_22 = arith.constant 128 : i32
      %add3A_23 = arith.addi %add3A_21, %add3A_22 : i32
      %gt3A = arith.constant 0 : i32
      %gt3A_24 = arith.cmpi sgt, %add3A_18, %gt3A : i32
      %convert_element_type3A = arith.extui %gt3A_24 : i1 to i32
      %cond3A = arith.constant 0 : i32
      %cond3A_25 = arith.cmpi ne, %convert_element_type3A, %cond3A : i32
      scf.if %cond3A_25 {
        %dma_wait3A_45 = arith.constant 0 : i32
        %dma_wait3A_46 = tpu.memref_slice %arg4[%mul3A_2, %dma_wait3A_45] : memref<262144x128xf32, #tpu.memory_space<hbm>> -> memref<128x128xf32, #tpu.memory_space<hbm>>
        %dma_wait3A_47 = arith.constant 0 : i32
        %dma_wait3A_48 = tpu.memref_slice %arg4[%mul3A_2, %dma_wait3A_47] : memref<262144x128xf32, #tpu.memory_space<hbm>> -> memref<128x128xf32, #tpu.memory_space<hbm>>
        tpu.wait_dma2 semaphore(%arg11 : memref<!tpu.dma_semaphore, #tpu.memory_space<semaphore_mem>>) src(%arg7 : memref<128x128xf32, #tpu.memory_space<vmem>>) dst(%dma_wait3A_48 : memref<128x128xf32, #tpu.memory_space<hbm>>)
        %dma_wait3A_49 = arith.constant 0 : i32
        %dma_wait3A_50 = tpu.memref_slice %arg4[%mul3A_2, %dma_wait3A_49] : memref<262144x128xf32, #tpu.memory_space<hbm>> -> memref<128x128xf32, #tpu.memory_space<hbm>>
        %dma_wait3A_51 = arith.constant 0 : i32
        %dma_wait3A_52 = tpu.memref_slice %arg4[%mul3A_2, %dma_wait3A_51] : memref<262144x128xf32, #tpu.memory_space<hbm>> -> memref<128x128xf32, #tpu.memory_space<hbm>>
        tpu.wait_dma2 semaphore(%arg12 : memref<!tpu.dma_semaphore, #tpu.memory_space<semaphore_mem>>) src(%arg8 : memref<128x128xf32, #tpu.memory_space<vmem>>) dst(%dma_wait3A_52 : memref<128x128xf32, #tpu.memory_space<hbm>>)
      } else {
      }
      "tpu.region"() ({
        %run_scoped3A = tpu.sem_alloc : memref<!tpu.dma_semaphore, #tpu.memory_space<semaphore_mem>>
        %dma_start3A_45 = tpu.memref_slice %arg3[%add3A_21] : memref<262144xi32, #tpu.memory_space<hbm>> -> memref<128xi32, #tpu.memory_space<hbm>>
        %dma_start3A_46 = tpu.memref_slice %arg3[%add3A_21] : memref<262144xi32, #tpu.memory_space<hbm>> -> memref<128xi32, #tpu.memory_space<hbm>>
        tpu.enqueue_dma source(%dma_start3A_46 : memref<128xi32, #tpu.memory_space<hbm>>) target(%arg5 : memref<128xi32, #tpu.memory_space<vmem>>) target_semaphore(%run_scoped3A : memref<!tpu.dma_semaphore, #tpu.memory_space<semaphore_mem>>)
        %dma_wait3A_47 = tpu.memref_slice %arg3[%add3A_21] : memref<262144xi32, #tpu.memory_space<hbm>> -> memref<128xi32, #tpu.memory_space<hbm>>
        %dma_wait3A_48 = tpu.memref_slice %arg3[%add3A_21] : memref<262144xi32, #tpu.memory_space<hbm>> -> memref<128xi32, #tpu.memory_space<hbm>>
        tpu.wait_dma2 semaphore(%run_scoped3A : memref<!tpu.dma_semaphore, #tpu.memory_space<semaphore_mem>>) src(%dma_wait3A_48 : memref<128xi32, #tpu.memory_space<hbm>>) dst(%arg5 : memref<128xi32, #tpu.memory_space<vmem>>)
        tpu.yield
      }) : () -> ()
      %dma_start3A = arith.constant 0 : i32
      %dma_start3A_26 = arith.constant 0 : i32
      %dma_start3A_27 = tpu.memref_slice %arg2[%dma_start3A, %dma_start3A_26] : memref<4096x128xf32, #tpu.memory_space<hbm>> -> memref<4096x128xf32, #tpu.memory_space<hbm>>
      tpu.enqueue_indirect_dma source(%dma_start3A_27 : memref<4096x128xf32, #tpu.memory_space<hbm>>) target(%arg7 : memref<128x128xf32, #tpu.memory_space<vmem>>) offsets(%arg5 : memref<128xi32, #tpu.memory_space<vmem>>) semaphore(%arg9 : memref<!tpu.dma_semaphore, #tpu.memory_space<semaphore_mem>>)
      "tpu.region"() ({
        %run_scoped3A = tpu.sem_alloc : memref<!tpu.dma_semaphore, #tpu.memory_space<semaphore_mem>>
        %dma_start3A_45 = tpu.memref_slice %arg3[%add3A_23] : memref<262144xi32, #tpu.memory_space<hbm>> -> memref<128xi32, #tpu.memory_space<hbm>>
        %dma_start3A_46 = tpu.memref_slice %arg3[%add3A_23] : memref<262144xi32, #tpu.memory_space<hbm>> -> memref<128xi32, #tpu.memory_space<hbm>>
        tpu.enqueue_dma source(%dma_start3A_46 : memref<128xi32, #tpu.memory_space<hbm>>) target(%arg6 : memref<128xi32, #tpu.memory_space<vmem>>) target_semaphore(%run_scoped3A : memref<!tpu.dma_semaphore, #tpu.memory_space<semaphore_mem>>)
        %dma_wait3A_47 = tpu.memref_slice %arg3[%add3A_23] : memref<262144xi32, #tpu.memory_space<hbm>> -> memref<128xi32, #tpu.memory_space<hbm>>
        %dma_wait3A_48 = tpu.memref_slice %arg3[%add3A_23] : memref<262144xi32, #tpu.memory_space<hbm>> -> memref<128xi32, #tpu.memory_space<hbm>>
        tpu.wait_dma2 semaphore(%run_scoped3A : memref<!tpu.dma_semaphore, #tpu.memory_space<semaphore_mem>>) src(%dma_wait3A_48 : memref<128xi32, #tpu.memory_space<hbm>>) dst(%arg6 : memref<128xi32, #tpu.memory_space<vmem>>)
        tpu.yield
      }) : () -> ()
      %dma_start3A_28 = arith.constant 0 : i32
      %dma_start3A_29 = arith.constant 0 : i32
      %dma_start3A_30 = tpu.memref_slice %arg2[%dma_start3A_28, %dma_start3A_29] : memref<4096x128xf32, #tpu.memory_space<hbm>> -> memref<4096x128xf32, #tpu.memory_space<hbm>>
      tpu.enqueue_indirect_dma source(%dma_start3A_30 : memref<4096x128xf32, #tpu.memory_space<hbm>>) target(%arg8 : memref<128x128xf32, #tpu.memory_space<vmem>>) offsets(%arg6 : memref<128xi32, #tpu.memory_space<vmem>>) semaphore(%arg10 : memref<!tpu.dma_semaphore, #tpu.memory_space<semaphore_mem>>)
      %dma_wait3A_31 = arith.constant 0 : i32
      %dma_wait3A_32 = arith.constant 0 : i32
      %dma_wait3A_33 = tpu.memref_slice %arg2[%dma_wait3A_31, %dma_wait3A_32] : memref<4096x128xf32, #tpu.memory_space<hbm>> -> memref<4096x128xf32, #tpu.memory_space<hbm>>
      tpu.wait_indirect_dma semaphore(%arg9 : memref<!tpu.dma_semaphore, #tpu.memory_space<semaphore_mem>>) src(%dma_wait3A_33 : memref<4096x128xf32, #tpu.memory_space<hbm>>) dst(%arg7 : memref<128x128xf32, #tpu.memory_space<vmem>>)
      %dma_start3A_34 = arith.constant 0 : i32
      %dma_start3A_35 = tpu.memref_slice %arg4[%add3A_21, %dma_start3A_34] : memref<262144x128xf32, #tpu.memory_space<hbm>> -> memref<128x128xf32, #tpu.memory_space<hbm>>
      %dma_start3A_36 = arith.constant 0 : i32
      %dma_start3A_37 = tpu.memref_slice %arg4[%add3A_21, %dma_start3A_36] : memref<262144x128xf32, #tpu.memory_space<hbm>> -> memref<128x128xf32, #tpu.memory_space<hbm>>
      tpu.enqueue_dma source(%arg7 : memref<128x128xf32, #tpu.memory_space<vmem>>) target(%dma_start3A_37 : memref<128x128xf32, #tpu.memory_space<hbm>>) target_semaphore(%arg11 : memref<!tpu.dma_semaphore, #tpu.memory_space<semaphore_mem>>)
      %dma_wait3A_38 = arith.constant 0 : i32
      %dma_wait3A_39 = arith.constant 0 : i32
      %dma_wait3A_40 = tpu.memref_slice %arg2[%dma_wait3A_38, %dma_wait3A_39] : memref<4096x128xf32, #tpu.memory_space<hbm>> -> memref<4096x128xf32, #tpu.memory_space<hbm>>
      tpu.wait_indirect_dma semaphore(%arg10 : memref<!tpu.dma_semaphore, #tpu.memory_space<semaphore_mem>>) src(%dma_wait3A_40 : memref<4096x128xf32, #tpu.memory_space<hbm>>) dst(%arg8 : memref<128x128xf32, #tpu.memory_space<vmem>>)
      %dma_start3A_41 = arith.constant 0 : i32
      %dma_start3A_42 = tpu.memref_slice %arg4[%add3A_23, %dma_start3A_41] : memref<262144x128xf32, #tpu.memory_space<hbm>> -> memref<128x128xf32, #tpu.memory_space<hbm>>
      %dma_start3A_43 = arith.constant 0 : i32
      %dma_start3A_44 = tpu.memref_slice %arg4[%add3A_23, %dma_start3A_43] : memref<262144x128xf32, #tpu.memory_space<hbm>> -> memref<128x128xf32, #tpu.memory_space<hbm>>
      tpu.enqueue_dma source(%arg8 : memref<128x128xf32, #tpu.memory_space<vmem>>) target(%dma_start3A_44 : memref<128x128xf32, #tpu.memory_space<hbm>>) target_semaphore(%arg12 : memref<!tpu.dma_semaphore, #tpu.memory_space<semaphore_mem>>)
    }
    %scan3A_6 = arith.constant 32 : i32
    %dma_wait3A = arith.constant 0 : i32
    %dma_wait3A_7 = tpu.memref_slice %arg4[%mul3A_2, %dma_wait3A] : memref<262144x128xf32, #tpu.memory_space<hbm>> -> memref<128x128xf32, #tpu.memory_space<hbm>>
    %dma_wait3A_8 = arith.constant 0 : i32
    %dma_wait3A_9 = tpu.memref_slice %arg4[%mul3A_2, %dma_wait3A_8] : memref<262144x128xf32, #tpu.memory_space<hbm>> -> memref<128x128xf32, #tpu.memory_space<hbm>>
    tpu.wait_dma2 semaphore(%arg11 : memref<!tpu.dma_semaphore, #tpu.memory_space<semaphore_mem>>) src(%arg7 : memref<128x128xf32, #tpu.memory_space<vmem>>) dst(%dma_wait3A_9 : memref<128x128xf32, #tpu.memory_space<hbm>>)
    %dma_wait3A_10 = arith.constant 0 : i32
    %dma_wait3A_11 = tpu.memref_slice %arg4[%mul3A_2, %dma_wait3A_10] : memref<262144x128xf32, #tpu.memory_space<hbm>> -> memref<128x128xf32, #tpu.memory_space<hbm>>
    %dma_wait3A_12 = arith.constant 0 : i32
    %dma_wait3A_13 = tpu.memref_slice %arg4[%mul3A_2, %dma_wait3A_12] : memref<262144x128xf32, #tpu.memory_space<hbm>> -> memref<128x128xf32, #tpu.memory_space<hbm>>
    tpu.wait_dma2 semaphore(%arg12 : memref<!tpu.dma_semaphore, #tpu.memory_space<semaphore_mem>>) src(%arg8 : memref<128x128xf32, #tpu.memory_space<vmem>>) dst(%dma_wait3A_13 : memref<128x128xf32, #tpu.memory_space<hbm>>)
    return
  }
}

#map = affine_map<(d0, d1) -> (0, 0)>
#map1 = affine_map<(d0, d1) -> (0)>
module attributes {stable_mosaic.version = 14 : i64} {
  func.func @gk(%arg0: i32, %arg1: i32, %arg2: memref<4096x128xf32, #tpu.memory_space<hbm>>, %arg3: memref<262144xi32, #tpu.memory_space<hbm>>, %arg4: memref<262144x128xf32, #tpu.memory_space<hbm>>, %arg5: memref<128xi32, #tpu.memory_space<vmem>>, %arg6: memref<128xi32, #tpu.memory_space<vmem>>, %arg7: memref<128x128xf32, #tpu.memory_space<vmem>>, %arg8: memref<128x128xf32, #tpu.memory_space<vmem>>, %arg9: memref<!tpu.dma_semaphore, #tpu.memory_space<semaphore_mem>>, %arg10: memref<!tpu.dma_semaphore, #tpu.memory_space<semaphore_mem>>, %arg11: memref<!tpu.dma_semaphore, #tpu.memory_space<semaphore_mem>>, %arg12: memref<!tpu.dma_semaphore, #tpu.memory_space<semaphore_mem>>) attributes {dimension_semantics = [#tpu.dimension_semantics<core_parallel>, #tpu.dimension_semantics<subcore_parallel>], iteration_bounds = array<i64: 2, 16>, scalar_prefetch = 0 : i64, scratch_operands = 8 : i64, tpu.core_type = #tpu.core_type<sc_vector_subcore>, window_params = [{transform_indices = #map}, {transform_indices = #map1}, {transform_indices = #map}]} {
    %mul3A = arith.constant 2 : i32
    %mul3A_0 = arith.muli %arg1, %mul3A : i32
    %add3A = arith.addi %mul3A_0, %arg0 : i32
    %mul3A_1 = arith.constant 8192 : i32
    %mul3A_2 = arith.muli %add3A, %mul3A_1 : i32
    %scan3A = arith.constant 0 : i32
    %scan3A_3 = arith.constant 32 : i32
    %scan3A_4 = arith.addi %scan3A, %scan3A_3 : i32
    %scan3A_5 = arith.constant 1 : i32
    scf.for %scan3A_14 = %scan3A to %scan3A_4 step %scan3A_5  : i32 {
      %mul3A_15 = arith.constant 2 : i32
      %mul3A_16 = arith.muli %scan3A_14, %mul3A_15 : i32
      %add3A_17 = arith.constant 0 : i32
      %add3A_18 = arith.addi %add3A_17, %mul3A_16 : i32
      %mul3A_19 = arith.constant 128 : i32
      %mul3A_20 = arith.muli %add3A_18, %mul3A_19 : i32
      %add3A_21 = arith.addi %mul3A_2, %mul3A_20 : i32
      %add3A_22 = arith.constant 128 : i32
      %add3A_23 = arith.addi %add3A_21, %add3A_22 : i32
      %gt3A = arith.constant 0 : i32
      %gt3A_24 = arith.cmpi sgt, %add3A_18, %gt3A : i32
      %convert_element_type3A = arith.extui %gt3A_24 : i1 to i32
      %cond3A = arith.constant 0 : i32
      %cond3A_25 = arith.cmpi ne, %convert_element_type3A, %cond3A : i32
      scf.if %cond3A_25 {
        %dma_wait3A_45 = arith.constant 0 : i32
        %dma_wait3A_46 = tpu.memref_slice %arg4[%mul3A_2, %dma_wait3A_45] : memref<262144x128xf32, #tpu.memory_space<hbm>> -> memref<128x128xf32, #tpu.memory_space<hbm>>
        %dma_wait3A_47 = arith.constant 0 : i32
        %dma_wait3A_48 = tpu.memref_slice %arg4[%mul3A_2, %dma_wait3A_47] : memref<262144x128xf32, #tpu.memory_space<hbm>> -> memref<128x128xf32, #tpu.memory_space<hbm>>
        tpu.wait_dma2 semaphore(%arg11 : memref<!tpu.dma_semaphore, #tpu.memory_space<semaphore_mem>>) src(%arg7 : memref<128x128xf32, #tpu.memory_space<vmem>>) dst(%dma_wait3A_48 : memref<128x128xf32, #tpu.memory_space<hbm>>)
        %dma_wait3A_49 = arith.constant 0 : i32
        %dma_wait3A_50 = tpu.memref_slice %arg4[%mul3A_2, %dma_wait3A_49] : memref<262144x128xf32, #tpu.memory_space<hbm>> -> memref<128x128xf32, #tpu.memory_space<hbm>>
        %dma_wait3A_51 = arith.constant 0 : i32
        %dma_wait3A_52 = tpu.memref_slice %arg4[%mul3A_2, %dma_wait3A_51] : memref<262144x128xf32, #tpu.memory_space<hbm>> -> memref<128x128xf32, #tpu.memory_space<hbm>>
        tpu.wait_dma2 semaphore(%arg12 : memref<!tpu.dma_semaphore, #tpu.memory_space<semaphore_mem>>) src(%arg8 : memref<128x128xf32, #tpu.memory_space<vmem>>) dst(%dma_wait3A_52 : memref<128x128xf32, #tpu.memory_space<hbm>>)
      } else {
      }
      "tpu.region"() ({
        %run_scoped3A = tpu.sem_alloc : memref<!tpu.dma_semaphore, #tpu.memory_space<semaphore_mem>>
        %dma_start3A_45 = tpu.memref_slice %arg3[%add3A_21] : memref<262144xi32, #tpu.memory_space<hbm>> -> memref<128xi32, #tpu.memory_space<hbm>>
        %dma_start3A_46 = tpu.memref_slice %arg3[%add3A_21] : memref<262144xi32, #tpu.memory_space<hbm>> -> memref<128xi32, #tpu.memory_space<hbm>>
        tpu.enqueue_dma source(%dma_start3A_46 : memref<128xi32, #tpu.memory_space<hbm>>) target(%arg5 : memref<128xi32, #tpu.memory_space<vmem>>) target_semaphore(%run_scoped3A : memref<!tpu.dma_semaphore, #tpu.memory_space<semaphore_mem>>)
        %dma_wait3A_47 = tpu.memref_slice %arg3[%add3A_21] : memref<262144xi32, #tpu.memory_space<hbm>> -> memref<128xi32, #tpu.memory_space<hbm>>
        %dma_wait3A_48 = tpu.memref_slice %arg3[%add3A_21] : memref<262144xi32, #tpu.memory_space<hbm>> -> memref<128xi32, #tpu.memory_space<hbm>>
        tpu.wait_dma2 semaphore(%run_scoped3A : memref<!tpu.dma_semaphore, #tpu.memory_space<semaphore_mem>>) src(%dma_wait3A_48 : memref<128xi32, #tpu.memory_space<hbm>>) dst(%arg5 : memref<128xi32, #tpu.memory_space<vmem>>)
        tpu.yield
      }) : () -> ()
      %dma_start3A = arith.constant 0 : i32
      %dma_start3A_26 = arith.constant 0 : i32
      %dma_start3A_27 = tpu.memref_slice %arg2[%dma_start3A, %dma_start3A_26] : memref<4096x128xf32, #tpu.memory_space<hbm>> -> memref<4096x128xf32, #tpu.memory_space<hbm>>
      tpu.enqueue_indirect_dma source(%dma_start3A_27 : memref<4096x128xf32, #tpu.memory_space<hbm>>) target(%arg7 : memref<128x128xf32, #tpu.memory_space<vmem>>) offsets(%arg5 : memref<128xi32, #tpu.memory_space<vmem>>) semaphore(%arg9 : memref<!tpu.dma_semaphore, #tpu.memory_space<semaphore_mem>>)
      "tpu.region"() ({
        %run_scoped3A = tpu.sem_alloc : memref<!tpu.dma_semaphore, #tpu.memory_space<semaphore_mem>>
        %dma_start3A_45 = tpu.memref_slice %arg3[%add3A_23] : memref<262144xi32, #tpu.memory_space<hbm>> -> memref<128xi32, #tpu.memory_space<hbm>>
        %dma_start3A_46 = tpu.memref_slice %arg3[%add3A_23] : memref<262144xi32, #tpu.memory_space<hbm>> -> memref<128xi32, #tpu.memory_space<hbm>>
        tpu.enqueue_dma source(%dma_start3A_46 : memref<128xi32, #tpu.memory_space<hbm>>) target(%arg6 : memref<128xi32, #tpu.memory_space<vmem>>) target_semaphore(%run_scoped3A : memref<!tpu.dma_semaphore, #tpu.memory_space<semaphore_mem>>)
        %dma_wait3A_47 = tpu.memref_slice %arg3[%add3A_23] : memref<262144xi32, #tpu.memory_space<hbm>> -> memref<128xi32, #tpu.memory_space<hbm>>
        %dma_wait3A_48 = tpu.memref_slice %arg3[%add3A_23] : memref<262144xi32, #tpu.memory_space<hbm>> -> memref<128xi32, #tpu.memory_space<hbm>>
        tpu.wait_dma2 semaphore(%run_scoped3A : memref<!tpu.dma_semaphore, #tpu.memory_space<semaphore_mem>>) src(%dma_wait3A_48 : memref<128xi32, #tpu.memory_space<hbm>>) dst(%arg6 : memref<128xi32, #tpu.memory_space<vmem>>)
        tpu.yield
      }) : () -> ()
      %dma_start3A_28 = arith.constant 0 : i32
      %dma_start3A_29 = arith.constant 0 : i32
      %dma_start3A_30 = tpu.memref_slice %arg2[%dma_start3A_28, %dma_start3A_29] : memref<4096x128xf32, #tpu.memory_space<hbm>> -> memref<4096x128xf32, #tpu.memory_space<hbm>>
      tpu.enqueue_indirect_dma source(%dma_start3A_30 : memref<4096x128xf32, #tpu.memory_space<hbm>>) target(%arg8 : memref<128x128xf32, #tpu.memory_space<vmem>>) offsets(%arg6 : memref<128xi32, #tpu.memory_space<vmem>>) semaphore(%arg10 : memref<!tpu.dma_semaphore, #tpu.memory_space<semaphore_mem>>)
      %dma_wait3A_31 = arith.constant 0 : i32
      %dma_wait3A_32 = arith.constant 0 : i32
      %dma_wait3A_33 = tpu.memref_slice %arg2[%dma_wait3A_31, %dma_wait3A_32] : memref<4096x128xf32, #tpu.memory_space<hbm>> -> memref<4096x128xf32, #tpu.memory_space<hbm>>
      tpu.wait_indirect_dma semaphore(%arg9 : memref<!tpu.dma_semaphore, #tpu.memory_space<semaphore_mem>>) src(%dma_wait3A_33 : memref<4096x128xf32, #tpu.memory_space<hbm>>) dst(%arg7 : memref<128x128xf32, #tpu.memory_space<vmem>>)
      %dma_start3A_34 = arith.constant 0 : i32
      %dma_start3A_35 = tpu.memref_slice %arg4[%add3A_21, %dma_start3A_34] : memref<262144x128xf32, #tpu.memory_space<hbm>> -> memref<128x128xf32, #tpu.memory_space<hbm>>
      %dma_start3A_36 = arith.constant 0 : i32
      %dma_start3A_37 = tpu.memref_slice %arg4[%add3A_21, %dma_start3A_36] : memref<262144x128xf32, #tpu.memory_space<hbm>> -> memref<128x128xf32, #tpu.memory_space<hbm>>
      tpu.enqueue_dma source(%arg7 : memref<128x128xf32, #tpu.memory_space<vmem>>) target(%dma_start3A_37 : memref<128x128xf32, #tpu.memory_space<hbm>>) target_semaphore(%arg11 : memref<!tpu.dma_semaphore, #tpu.memory_space<semaphore_mem>>)
      %dma_wait3A_38 = arith.constant 0 : i32
      %dma_wait3A_39 = arith.constant 0 : i32
      %dma_wait3A_40 = tpu.memref_slice %arg2[%dma_wait3A_38, %dma_wait3A_39] : memref<4096x128xf32, #tpu.memory_space<hbm>> -> memref<4096x128xf32, #tpu.memory_space<hbm>>
      tpu.wait_indirect_dma semaphore(%arg10 : memref<!tpu.dma_semaphore, #tpu.memory_space<semaphore_mem>>) src(%dma_wait3A_40 : memref<4096x128xf32, #tpu.memory_space<hbm>>) dst(%arg8 : memref<128x128xf32, #tpu.memory_space<vmem>>)
      %dma_start3A_41 = arith.constant 0 : i32
      %dma_start3A_42 = tpu.memref_slice %arg4[%add3A_23, %dma_start3A_41] : memref<262144x128xf32, #tpu.memory_space<hbm>> -> memref<128x128xf32, #tpu.memory_space<hbm>>
      %dma_start3A_43 = arith.constant 0 : i32
      %dma_start3A_44 = tpu.memref_slice %arg4[%add3A_23, %dma_start3A_43] : memref<262144x128xf32, #tpu.memory_space<hbm>> -> memref<128x128xf32, #tpu.memory_space<hbm>>
      tpu.enqueue_dma source(%arg8 : memref<128x128xf32, #tpu.memory_space<vmem>>) target(%dma_start3A_44 : memref<128x128xf32, #tpu.memory_space<hbm>>) target_semaphore(%arg12 : memref<!tpu.dma_semaphore, #tpu.memory_space<semaphore_mem>>)
    }
    %scan3A_6 = arith.constant 32 : i32
    %dma_wait3A = arith.constant 0 : i32
    %dma_wait3A_7 = tpu.memref_slice %arg4[%mul3A_2, %dma_wait3A] : memref<262144x128xf32, #tpu.memory_space<hbm>> -> memref<128x128xf32, #tpu.memory_space<hbm>>
    %dma_wait3A_8 = arith.constant 0 : i32
    %dma_wait3A_9 = tpu.memref_slice %arg4[%mul3A_2, %dma_wait3A_8] : memref<262144x128xf32, #tpu.memory_space<hbm>> -> memref<128x128xf32, #tpu.memory_space<hbm>>
    tpu.wait_dma2 semaphore(%arg11 : memref<!tpu.dma_semaphore, #tpu.memory_space<semaphore_mem>>) src(%arg7 : memref<128x128xf32, #tpu.memory_space<vmem>>) dst(%dma_wait3A_9 : memref<128x128xf32, #tpu.memory_space<hbm>>)
    %dma_wait3A_10 = arith.constant 0 : i32
    %dma_wait3A_11 = tpu.memref_slice %arg4[%mul3A_2, %dma_wait3A_10] : memref<262144x128xf32, #tpu.memory_space<hbm>> -> memref<128x128xf32, #tpu.memory_space<hbm>>
    %dma_wait3A_12 = arith.constant 0 : i32
    %dma_wait3A_13 = tpu.memref_slice %arg4[%mul3A_2, %dma_wait3A_12] : memref<262144x128xf32, #tpu.memory_space<hbm>> -> memref<128x128xf32, #tpu.memory_space<hbm>>
    tpu.wait_dma2 semaphore(%arg12 : memref<!tpu.dma_semaphore, #tpu.memory_space<semaphore_mem>>) src(%arg8 : memref<128x128xf32, #tpu.memory_space<vmem>>) dst(%dma_wait3A_13 : memref<128x128xf32, #tpu.memory_space<hbm>>)
    return
  }
}

#map = affine_map<(d0, d1) -> (0, 0)>
#map1 = affine_map<(d0, d1) -> (0)>
module attributes {stable_mosaic.version = 14 : i64} {
  func.func @gk(%arg0: i32, %arg1: i32, %arg2: memref<4096x128xf32, #tpu.memory_space<hbm>>, %arg3: memref<262144xi32, #tpu.memory_space<hbm>>, %arg4: memref<262144x128xf32, #tpu.memory_space<hbm>>, %arg5: memref<128xi32, #tpu.memory_space<vmem>>, %arg6: memref<128xi32, #tpu.memory_space<vmem>>, %arg7: memref<128x128xf32, #tpu.memory_space<vmem>>, %arg8: memref<128x128xf32, #tpu.memory_space<vmem>>, %arg9: memref<!tpu.dma_semaphore, #tpu.memory_space<semaphore_mem>>, %arg10: memref<!tpu.dma_semaphore, #tpu.memory_space<semaphore_mem>>, %arg11: memref<!tpu.dma_semaphore, #tpu.memory_space<semaphore_mem>>, %arg12: memref<!tpu.dma_semaphore, #tpu.memory_space<semaphore_mem>>) attributes {dimension_semantics = [#tpu.dimension_semantics<core_parallel>, #tpu.dimension_semantics<subcore_parallel>], iteration_bounds = array<i64: 2, 16>, scalar_prefetch = 0 : i64, scratch_operands = 8 : i64, tpu.core_type = #tpu.core_type<sc_vector_subcore>, window_params = [{transform_indices = #map}, {transform_indices = #map1}, {transform_indices = #map}]} {
    %mul3A = arith.constant 2 : i32
    %mul3A_0 = arith.muli %arg1, %mul3A : i32
    %add3A = arith.addi %mul3A_0, %arg0 : i32
    %mul3A_1 = arith.constant 8192 : i32
    %mul3A_2 = arith.muli %add3A, %mul3A_1 : i32
    %scan3A = arith.constant 0 : i32
    %scan3A_3 = arith.constant 32 : i32
    %scan3A_4 = arith.addi %scan3A, %scan3A_3 : i32
    %scan3A_5 = arith.constant 1 : i32
    scf.for %scan3A_14 = %scan3A to %scan3A_4 step %scan3A_5  : i32 {
      %mul3A_15 = arith.constant 2 : i32
      %mul3A_16 = arith.muli %scan3A_14, %mul3A_15 : i32
      %add3A_17 = arith.constant 0 : i32
      %add3A_18 = arith.addi %add3A_17, %mul3A_16 : i32
      %mul3A_19 = arith.constant 128 : i32
      %mul3A_20 = arith.muli %add3A_18, %mul3A_19 : i32
      %add3A_21 = arith.addi %mul3A_2, %mul3A_20 : i32
      %add3A_22 = arith.constant 128 : i32
      %add3A_23 = arith.addi %add3A_21, %add3A_22 : i32
      %gt3A = arith.constant 0 : i32
      %gt3A_24 = arith.cmpi sgt, %add3A_18, %gt3A : i32
      %convert_element_type3A = arith.extui %gt3A_24 : i1 to i32
      %cond3A = arith.constant 0 : i32
      %cond3A_25 = arith.cmpi ne, %convert_element_type3A, %cond3A : i32
      scf.if %cond3A_25 {
        %dma_wait3A_45 = arith.constant 0 : i32
        %dma_wait3A_46 = tpu.memref_slice %arg4[%mul3A_2, %dma_wait3A_45] : memref<262144x128xf32, #tpu.memory_space<hbm>> -> memref<128x128xf32, #tpu.memory_space<hbm>>
        %dma_wait3A_47 = arith.constant 0 : i32
        %dma_wait3A_48 = tpu.memref_slice %arg4[%mul3A_2, %dma_wait3A_47] : memref<262144x128xf32, #tpu.memory_space<hbm>> -> memref<128x128xf32, #tpu.memory_space<hbm>>
        tpu.wait_dma2 semaphore(%arg11 : memref<!tpu.dma_semaphore, #tpu.memory_space<semaphore_mem>>) src(%arg7 : memref<128x128xf32, #tpu.memory_space<vmem>>) dst(%dma_wait3A_48 : memref<128x128xf32, #tpu.memory_space<hbm>>)
        %dma_wait3A_49 = arith.constant 0 : i32
        %dma_wait3A_50 = tpu.memref_slice %arg4[%mul3A_2, %dma_wait3A_49] : memref<262144x128xf32, #tpu.memory_space<hbm>> -> memref<128x128xf32, #tpu.memory_space<hbm>>
        %dma_wait3A_51 = arith.constant 0 : i32
        %dma_wait3A_52 = tpu.memref_slice %arg4[%mul3A_2, %dma_wait3A_51] : memref<262144x128xf32, #tpu.memory_space<hbm>> -> memref<128x128xf32, #tpu.memory_space<hbm>>
        tpu.wait_dma2 semaphore(%arg12 : memref<!tpu.dma_semaphore, #tpu.memory_space<semaphore_mem>>) src(%arg8 : memref<128x128xf32, #tpu.memory_space<vmem>>) dst(%dma_wait3A_52 : memref<128x128xf32, #tpu.memory_space<hbm>>)
      } else {
      }
      "tpu.region"() ({
        %run_scoped3A = tpu.sem_alloc : memref<!tpu.dma_semaphore, #tpu.memory_space<semaphore_mem>>
        %dma_start3A_45 = tpu.memref_slice %arg3[%add3A_21] : memref<262144xi32, #tpu.memory_space<hbm>> -> memref<128xi32, #tpu.memory_space<hbm>>
        %dma_start3A_46 = tpu.memref_slice %arg3[%add3A_21] : memref<262144xi32, #tpu.memory_space<hbm>> -> memref<128xi32, #tpu.memory_space<hbm>>
        tpu.enqueue_dma source(%dma_start3A_46 : memref<128xi32, #tpu.memory_space<hbm>>) target(%arg5 : memref<128xi32, #tpu.memory_space<vmem>>) target_semaphore(%run_scoped3A : memref<!tpu.dma_semaphore, #tpu.memory_space<semaphore_mem>>)
        %dma_wait3A_47 = tpu.memref_slice %arg3[%add3A_21] : memref<262144xi32, #tpu.memory_space<hbm>> -> memref<128xi32, #tpu.memory_space<hbm>>
        %dma_wait3A_48 = tpu.memref_slice %arg3[%add3A_21] : memref<262144xi32, #tpu.memory_space<hbm>> -> memref<128xi32, #tpu.memory_space<hbm>>
        tpu.wait_dma2 semaphore(%run_scoped3A : memref<!tpu.dma_semaphore, #tpu.memory_space<semaphore_mem>>) src(%dma_wait3A_48 : memref<128xi32, #tpu.memory_space<hbm>>) dst(%arg5 : memref<128xi32, #tpu.memory_space<vmem>>)
        tpu.yield
      }) : () -> ()
      %dma_start3A = arith.constant 0 : i32
      %dma_start3A_26 = arith.constant 0 : i32
      %dma_start3A_27 = tpu.memref_slice %arg2[%dma_start3A, %dma_start3A_26] : memref<4096x128xf32, #tpu.memory_space<hbm>> -> memref<4096x128xf32, #tpu.memory_space<hbm>>
      tpu.enqueue_indirect_dma source(%dma_start3A_27 : memref<4096x128xf32, #tpu.memory_space<hbm>>) target(%arg7 : memref<128x128xf32, #tpu.memory_space<vmem>>) offsets(%arg5 : memref<128xi32, #tpu.memory_space<vmem>>) semaphore(%arg9 : memref<!tpu.dma_semaphore, #tpu.memory_space<semaphore_mem>>)
      "tpu.region"() ({
        %run_scoped3A = tpu.sem_alloc : memref<!tpu.dma_semaphore, #tpu.memory_space<semaphore_mem>>
        %dma_start3A_45 = tpu.memref_slice %arg3[%add3A_23] : memref<262144xi32, #tpu.memory_space<hbm>> -> memref<128xi32, #tpu.memory_space<hbm>>
        %dma_start3A_46 = tpu.memref_slice %arg3[%add3A_23] : memref<262144xi32, #tpu.memory_space<hbm>> -> memref<128xi32, #tpu.memory_space<hbm>>
        tpu.enqueue_dma source(%dma_start3A_46 : memref<128xi32, #tpu.memory_space<hbm>>) target(%arg6 : memref<128xi32, #tpu.memory_space<vmem>>) target_semaphore(%run_scoped3A : memref<!tpu.dma_semaphore, #tpu.memory_space<semaphore_mem>>)
        %dma_wait3A_47 = tpu.memref_slice %arg3[%add3A_23] : memref<262144xi32, #tpu.memory_space<hbm>> -> memref<128xi32, #tpu.memory_space<hbm>>
        %dma_wait3A_48 = tpu.memref_slice %arg3[%add3A_23] : memref<262144xi32, #tpu.memory_space<hbm>> -> memref<128xi32, #tpu.memory_space<hbm>>
        tpu.wait_dma2 semaphore(%run_scoped3A : memref<!tpu.dma_semaphore, #tpu.memory_space<semaphore_mem>>) src(%dma_wait3A_48 : memref<128xi32, #tpu.memory_space<hbm>>) dst(%arg6 : memref<128xi32, #tpu.memory_space<vmem>>)
        tpu.yield
      }) : () -> ()
      %dma_start3A_28 = arith.constant 0 : i32
      %dma_start3A_29 = arith.constant 0 : i32
      %dma_start3A_30 = tpu.memref_slice %arg2[%dma_start3A_28, %dma_start3A_29] : memref<4096x128xf32, #tpu.memory_space<hbm>> -> memref<4096x128xf32, #tpu.memory_space<hbm>>
      tpu.enqueue_indirect_dma source(%dma_start3A_30 : memref<4096x128xf32, #tpu.memory_space<hbm>>) target(%arg8 : memref<128x128xf32, #tpu.memory_space<vmem>>) offsets(%arg6 : memref<128xi32, #tpu.memory_space<vmem>>) semaphore(%arg10 : memref<!tpu.dma_semaphore, #tpu.memory_space<semaphore_mem>>)
      %dma_wait3A_31 = arith.constant 0 : i32
      %dma_wait3A_32 = arith.constant 0 : i32
      %dma_wait3A_33 = tpu.memref_slice %arg2[%dma_wait3A_31, %dma_wait3A_32] : memref<4096x128xf32, #tpu.memory_space<hbm>> -> memref<4096x128xf32, #tpu.memory_space<hbm>>
      tpu.wait_indirect_dma semaphore(%arg9 : memref<!tpu.dma_semaphore, #tpu.memory_space<semaphore_mem>>) src(%dma_wait3A_33 : memref<4096x128xf32, #tpu.memory_space<hbm>>) dst(%arg7 : memref<128x128xf32, #tpu.memory_space<vmem>>)
      %dma_start3A_34 = arith.constant 0 : i32
      %dma_start3A_35 = tpu.memref_slice %arg4[%add3A_21, %dma_start3A_34] : memref<262144x128xf32, #tpu.memory_space<hbm>> -> memref<128x128xf32, #tpu.memory_space<hbm>>
      %dma_start3A_36 = arith.constant 0 : i32
      %dma_start3A_37 = tpu.memref_slice %arg4[%add3A_21, %dma_start3A_36] : memref<262144x128xf32, #tpu.memory_space<hbm>> -> memref<128x128xf32, #tpu.memory_space<hbm>>
      tpu.enqueue_dma source(%arg7 : memref<128x128xf32, #tpu.memory_space<vmem>>) target(%dma_start3A_37 : memref<128x128xf32, #tpu.memory_space<hbm>>) target_semaphore(%arg11 : memref<!tpu.dma_semaphore, #tpu.memory_space<semaphore_mem>>)
      %dma_wait3A_38 = arith.constant 0 : i32
      %dma_wait3A_39 = arith.constant 0 : i32
      %dma_wait3A_40 = tpu.memref_slice %arg2[%dma_wait3A_38, %dma_wait3A_39] : memref<4096x128xf32, #tpu.memory_space<hbm>> -> memref<4096x128xf32, #tpu.memory_space<hbm>>
      tpu.wait_indirect_dma semaphore(%arg10 : memref<!tpu.dma_semaphore, #tpu.memory_space<semaphore_mem>>) src(%dma_wait3A_40 : memref<4096x128xf32, #tpu.memory_space<hbm>>) dst(%arg8 : memref<128x128xf32, #tpu.memory_space<vmem>>)
      %dma_start3A_41 = arith.constant 0 : i32
      %dma_start3A_42 = tpu.memref_slice %arg4[%add3A_23, %dma_start3A_41] : memref<262144x128xf32, #tpu.memory_space<hbm>> -> memref<128x128xf32, #tpu.memory_space<hbm>>
      %dma_start3A_43 = arith.constant 0 : i32
      %dma_start3A_44 = tpu.memref_slice %arg4[%add3A_23, %dma_start3A_43] : memref<262144x128xf32, #tpu.memory_space<hbm>> -> memref<128x128xf32, #tpu.memory_space<hbm>>
      tpu.enqueue_dma source(%arg8 : memref<128x128xf32, #tpu.memory_space<vmem>>) target(%dma_start3A_44 : memref<128x128xf32, #tpu.memory_space<hbm>>) target_semaphore(%arg12 : memref<!tpu.dma_semaphore, #tpu.memory_space<semaphore_mem>>)
    }
    %scan3A_6 = arith.constant 32 : i32
    %dma_wait3A = arith.constant 0 : i32
    %dma_wait3A_7 = tpu.memref_slice %arg4[%mul3A_2, %dma_wait3A] : memref<262144x128xf32, #tpu.memory_space<hbm>> -> memref<128x128xf32, #tpu.memory_space<hbm>>
    %dma_wait3A_8 = arith.constant 0 : i32
    %dma_wait3A_9 = tpu.memref_slice %arg4[%mul3A_2, %dma_wait3A_8] : memref<262144x128xf32, #tpu.memory_space<hbm>> -> memref<128x128xf32, #tpu.memory_space<hbm>>
    tpu.wait_dma2 semaphore(%arg11 : memref<!tpu.dma_semaphore, #tpu.memory_space<semaphore_mem>>) src(%arg7 : memref<128x128xf32, #tpu.memory_space<vmem>>) dst(%dma_wait3A_9 : memref<128x128xf32, #tpu.memory_space<hbm>>)
    %dma_wait3A_10 = arith.constant 0 : i32
    %dma_wait3A_11 = tpu.memref_slice %arg4[%mul3A_2, %dma_wait3A_10] : memref<262144x128xf32, #tpu.memory_space<hbm>> -> memref<128x128xf32, #tpu.memory_space<hbm>>
    %dma_wait3A_12 = arith.constant 0 : i32
    %dma_wait3A_13 = tpu.memref_slice %arg4[%mul3A_2, %dma_wait3A_12] : memref<262144x128xf32, #tpu.memory_space<hbm>> -> memref<128x128xf32, #tpu.memory_space<hbm>>
    tpu.wait_dma2 semaphore(%arg12 : memref<!tpu.dma_semaphore, #tpu.memory_space<semaphore_mem>>) src(%arg8 : memref<128x128xf32, #tpu.memory_space<vmem>>) dst(%dma_wait3A_13 : memref<128x128xf32, #tpu.memory_space<hbm>>)
    return
  }
}

#map = affine_map<(d0, d1) -> (0, 0)>
#map1 = affine_map<(d0, d1) -> (0)>
module attributes {stable_mosaic.version = 14 : i64} {
  func.func @gk(%arg0: i32, %arg1: i32, %arg2: memref<4096x128xf32, #tpu.memory_space<hbm>>, %arg3: memref<262144xi32, #tpu.memory_space<hbm>>, %arg4: memref<262144x128xf32, #tpu.memory_space<hbm>>, %arg5: memref<128xi32, #tpu.memory_space<vmem>>, %arg6: memref<128xi32, #tpu.memory_space<vmem>>, %arg7: memref<128x128xf32, #tpu.memory_space<vmem>>, %arg8: memref<128x128xf32, #tpu.memory_space<vmem>>, %arg9: memref<!tpu.dma_semaphore, #tpu.memory_space<semaphore_mem>>, %arg10: memref<!tpu.dma_semaphore, #tpu.memory_space<semaphore_mem>>, %arg11: memref<!tpu.dma_semaphore, #tpu.memory_space<semaphore_mem>>, %arg12: memref<!tpu.dma_semaphore, #tpu.memory_space<semaphore_mem>>) attributes {dimension_semantics = [#tpu.dimension_semantics<core_parallel>, #tpu.dimension_semantics<subcore_parallel>], iteration_bounds = array<i64: 2, 16>, scalar_prefetch = 0 : i64, scratch_operands = 8 : i64, tpu.core_type = #tpu.core_type<sc_vector_subcore>, window_params = [{transform_indices = #map}, {transform_indices = #map1}, {transform_indices = #map}]} {
    %mul3A = arith.constant 2 : i32
    %mul3A_0 = arith.muli %arg1, %mul3A : i32
    %add3A = arith.addi %mul3A_0, %arg0 : i32
    %mul3A_1 = arith.constant 8192 : i32
    %mul3A_2 = arith.muli %add3A, %mul3A_1 : i32
    %scan3A = arith.constant 0 : i32
    %scan3A_3 = arith.constant 32 : i32
    %scan3A_4 = arith.addi %scan3A, %scan3A_3 : i32
    %scan3A_5 = arith.constant 1 : i32
    scf.for %scan3A_14 = %scan3A to %scan3A_4 step %scan3A_5  : i32 {
      %mul3A_15 = arith.constant 2 : i32
      %mul3A_16 = arith.muli %scan3A_14, %mul3A_15 : i32
      %add3A_17 = arith.constant 0 : i32
      %add3A_18 = arith.addi %add3A_17, %mul3A_16 : i32
      %mul3A_19 = arith.constant 128 : i32
      %mul3A_20 = arith.muli %add3A_18, %mul3A_19 : i32
      %add3A_21 = arith.addi %mul3A_2, %mul3A_20 : i32
      %add3A_22 = arith.constant 128 : i32
      %add3A_23 = arith.addi %add3A_21, %add3A_22 : i32
      %gt3A = arith.constant 0 : i32
      %gt3A_24 = arith.cmpi sgt, %add3A_18, %gt3A : i32
      %convert_element_type3A = arith.extui %gt3A_24 : i1 to i32
      %cond3A = arith.constant 0 : i32
      %cond3A_25 = arith.cmpi ne, %convert_element_type3A, %cond3A : i32
      scf.if %cond3A_25 {
        %dma_wait3A_45 = arith.constant 0 : i32
        %dma_wait3A_46 = tpu.memref_slice %arg4[%mul3A_2, %dma_wait3A_45] : memref<262144x128xf32, #tpu.memory_space<hbm>> -> memref<128x128xf32, #tpu.memory_space<hbm>>
        %dma_wait3A_47 = arith.constant 0 : i32
        %dma_wait3A_48 = tpu.memref_slice %arg4[%mul3A_2, %dma_wait3A_47] : memref<262144x128xf32, #tpu.memory_space<hbm>> -> memref<128x128xf32, #tpu.memory_space<hbm>>
        tpu.wait_dma2 semaphore(%arg11 : memref<!tpu.dma_semaphore, #tpu.memory_space<semaphore_mem>>) src(%arg7 : memref<128x128xf32, #tpu.memory_space<vmem>>) dst(%dma_wait3A_48 : memref<128x128xf32, #tpu.memory_space<hbm>>)
        %dma_wait3A_49 = arith.constant 0 : i32
        %dma_wait3A_50 = tpu.memref_slice %arg4[%mul3A_2, %dma_wait3A_49] : memref<262144x128xf32, #tpu.memory_space<hbm>> -> memref<128x128xf32, #tpu.memory_space<hbm>>
        %dma_wait3A_51 = arith.constant 0 : i32
        %dma_wait3A_52 = tpu.memref_slice %arg4[%mul3A_2, %dma_wait3A_51] : memref<262144x128xf32, #tpu.memory_space<hbm>> -> memref<128x128xf32, #tpu.memory_space<hbm>>
        tpu.wait_dma2 semaphore(%arg12 : memref<!tpu.dma_semaphore, #tpu.memory_space<semaphore_mem>>) src(%arg8 : memref<128x128xf32, #tpu.memory_space<vmem>>) dst(%dma_wait3A_52 : memref<128x128xf32, #tpu.memory_space<hbm>>)
      } else {
      }
      "tpu.region"() ({
        %run_scoped3A = tpu.sem_alloc : memref<!tpu.dma_semaphore, #tpu.memory_space<semaphore_mem>>
        %dma_start3A_45 = tpu.memref_slice %arg3[%add3A_21] : memref<262144xi32, #tpu.memory_space<hbm>> -> memref<128xi32, #tpu.memory_space<hbm>>
        %dma_start3A_46 = tpu.memref_slice %arg3[%add3A_21] : memref<262144xi32, #tpu.memory_space<hbm>> -> memref<128xi32, #tpu.memory_space<hbm>>
        tpu.enqueue_dma source(%dma_start3A_46 : memref<128xi32, #tpu.memory_space<hbm>>) target(%arg5 : memref<128xi32, #tpu.memory_space<vmem>>) target_semaphore(%run_scoped3A : memref<!tpu.dma_semaphore, #tpu.memory_space<semaphore_mem>>)
        %dma_wait3A_47 = tpu.memref_slice %arg3[%add3A_21] : memref<262144xi32, #tpu.memory_space<hbm>> -> memref<128xi32, #tpu.memory_space<hbm>>
        %dma_wait3A_48 = tpu.memref_slice %arg3[%add3A_21] : memref<262144xi32, #tpu.memory_space<hbm>> -> memref<128xi32, #tpu.memory_space<hbm>>
        tpu.wait_dma2 semaphore(%run_scoped3A : memref<!tpu.dma_semaphore, #tpu.memory_space<semaphore_mem>>) src(%dma_wait3A_48 : memref<128xi32, #tpu.memory_space<hbm>>) dst(%arg5 : memref<128xi32, #tpu.memory_space<vmem>>)
        tpu.yield
      }) : () -> ()
      %dma_start3A = arith.constant 0 : i32
      %dma_start3A_26 = arith.constant 0 : i32
      %dma_start3A_27 = tpu.memref_slice %arg2[%dma_start3A, %dma_start3A_26] : memref<4096x128xf32, #tpu.memory_space<hbm>> -> memref<4096x128xf32, #tpu.memory_space<hbm>>
      tpu.enqueue_indirect_dma source(%dma_start3A_27 : memref<4096x128xf32, #tpu.memory_space<hbm>>) target(%arg7 : memref<128x128xf32, #tpu.memory_space<vmem>>) offsets(%arg5 : memref<128xi32, #tpu.memory_space<vmem>>) semaphore(%arg9 : memref<!tpu.dma_semaphore, #tpu.memory_space<semaphore_mem>>)
      "tpu.region"() ({
        %run_scoped3A = tpu.sem_alloc : memref<!tpu.dma_semaphore, #tpu.memory_space<semaphore_mem>>
        %dma_start3A_45 = tpu.memref_slice %arg3[%add3A_23] : memref<262144xi32, #tpu.memory_space<hbm>> -> memref<128xi32, #tpu.memory_space<hbm>>
        %dma_start3A_46 = tpu.memref_slice %arg3[%add3A_23] : memref<262144xi32, #tpu.memory_space<hbm>> -> memref<128xi32, #tpu.memory_space<hbm>>
        tpu.enqueue_dma source(%dma_start3A_46 : memref<128xi32, #tpu.memory_space<hbm>>) target(%arg6 : memref<128xi32, #tpu.memory_space<vmem>>) target_semaphore(%run_scoped3A : memref<!tpu.dma_semaphore, #tpu.memory_space<semaphore_mem>>)
        %dma_wait3A_47 = tpu.memref_slice %arg3[%add3A_23] : memref<262144xi32, #tpu.memory_space<hbm>> -> memref<128xi32, #tpu.memory_space<hbm>>
        %dma_wait3A_48 = tpu.memref_slice %arg3[%add3A_23] : memref<262144xi32, #tpu.memory_space<hbm>> -> memref<128xi32, #tpu.memory_space<hbm>>
        tpu.wait_dma2 semaphore(%run_scoped3A : memref<!tpu.dma_semaphore, #tpu.memory_space<semaphore_mem>>) src(%dma_wait3A_48 : memref<128xi32, #tpu.memory_space<hbm>>) dst(%arg6 : memref<128xi32, #tpu.memory_space<vmem>>)
        tpu.yield
      }) : () -> ()
      %dma_start3A_28 = arith.constant 0 : i32
      %dma_start3A_29 = arith.constant 0 : i32
      %dma_start3A_30 = tpu.memref_slice %arg2[%dma_start3A_28, %dma_start3A_29] : memref<4096x128xf32, #tpu.memory_space<hbm>> -> memref<4096x128xf32, #tpu.memory_space<hbm>>
      tpu.enqueue_indirect_dma source(%dma_start3A_30 : memref<4096x128xf32, #tpu.memory_space<hbm>>) target(%arg8 : memref<128x128xf32, #tpu.memory_space<vmem>>) offsets(%arg6 : memref<128xi32, #tpu.memory_space<vmem>>) semaphore(%arg10 : memref<!tpu.dma_semaphore, #tpu.memory_space<semaphore_mem>>)
      %dma_wait3A_31 = arith.constant 0 : i32
      %dma_wait3A_32 = arith.constant 0 : i32
      %dma_wait3A_33 = tpu.memref_slice %arg2[%dma_wait3A_31, %dma_wait3A_32] : memref<4096x128xf32, #tpu.memory_space<hbm>> -> memref<4096x128xf32, #tpu.memory_space<hbm>>
      tpu.wait_indirect_dma semaphore(%arg9 : memref<!tpu.dma_semaphore, #tpu.memory_space<semaphore_mem>>) src(%dma_wait3A_33 : memref<4096x128xf32, #tpu.memory_space<hbm>>) dst(%arg7 : memref<128x128xf32, #tpu.memory_space<vmem>>)
      %dma_start3A_34 = arith.constant 0 : i32
      %dma_start3A_35 = tpu.memref_slice %arg4[%add3A_21, %dma_start3A_34] : memref<262144x128xf32, #tpu.memory_space<hbm>> -> memref<128x128xf32, #tpu.memory_space<hbm>>
      %dma_start3A_36 = arith.constant 0 : i32
      %dma_start3A_37 = tpu.memref_slice %arg4[%add3A_21, %dma_start3A_36] : memref<262144x128xf32, #tpu.memory_space<hbm>> -> memref<128x128xf32, #tpu.memory_space<hbm>>
      tpu.enqueue_dma source(%arg7 : memref<128x128xf32, #tpu.memory_space<vmem>>) target(%dma_start3A_37 : memref<128x128xf32, #tpu.memory_space<hbm>>) target_semaphore(%arg11 : memref<!tpu.dma_semaphore, #tpu.memory_space<semaphore_mem>>)
      %dma_wait3A_38 = arith.constant 0 : i32
      %dma_wait3A_39 = arith.constant 0 : i32
      %dma_wait3A_40 = tpu.memref_slice %arg2[%dma_wait3A_38, %dma_wait3A_39] : memref<4096x128xf32, #tpu.memory_space<hbm>> -> memref<4096x128xf32, #tpu.memory_space<hbm>>
      tpu.wait_indirect_dma semaphore(%arg10 : memref<!tpu.dma_semaphore, #tpu.memory_space<semaphore_mem>>) src(%dma_wait3A_40 : memref<4096x128xf32, #tpu.memory_space<hbm>>) dst(%arg8 : memref<128x128xf32, #tpu.memory_space<vmem>>)
      %dma_start3A_41 = arith.constant 0 : i32
      %dma_start3A_42 = tpu.memref_slice %arg4[%add3A_23, %dma_start3A_41] : memref<262144x128xf32, #tpu.memory_space<hbm>> -> memref<128x128xf32, #tpu.memory_space<hbm>>
      %dma_start3A_43 = arith.constant 0 : i32
      %dma_start3A_44 = tpu.memref_slice %arg4[%add3A_23, %dma_start3A_43] : memref<262144x128xf32, #tpu.memory_space<hbm>> -> memref<128x128xf32, #tpu.memory_space<hbm>>
      tpu.enqueue_dma source(%arg8 : memref<128x128xf32, #tpu.memory_space<vmem>>) target(%dma_start3A_44 : memref<128x128xf32, #tpu.memory_space<hbm>>) target_semaphore(%arg12 : memref<!tpu.dma_semaphore, #tpu.memory_space<semaphore_mem>>)
    }
    %scan3A_6 = arith.constant 32 : i32
    %dma_wait3A = arith.constant 0 : i32
    %dma_wait3A_7 = tpu.memref_slice %arg4[%mul3A_2, %dma_wait3A] : memref<262144x128xf32, #tpu.memory_space<hbm>> -> memref<128x128xf32, #tpu.memory_space<hbm>>
    %dma_wait3A_8 = arith.constant 0 : i32
    %dma_wait3A_9 = tpu.memref_slice %arg4[%mul3A_2, %dma_wait3A_8] : memref<262144x128xf32, #tpu.memory_space<hbm>> -> memref<128x128xf32, #tpu.memory_space<hbm>>
    tpu.wait_dma2 semaphore(%arg11 : memref<!tpu.dma_semaphore, #tpu.memory_space<semaphore_mem>>) src(%arg7 : memref<128x128xf32, #tpu.memory_space<vmem>>) dst(%dma_wait3A_9 : memref<128x128xf32, #tpu.memory_space<hbm>>)
    %dma_wait3A_10 = arith.constant 0 : i32
    %dma_wait3A_11 = tpu.memref_slice %arg4[%mul3A_2, %dma_wait3A_10] : memref<262144x128xf32, #tpu.memory_space<hbm>> -> memref<128x128xf32, #tpu.memory_space<hbm>>
    %dma_wait3A_12 = arith.constant 0 : i32
    %dma_wait3A_13 = tpu.memref_slice %arg4[%mul3A_2, %dma_wait3A_12] : memref<262144x128xf32, #tpu.memory_space<hbm>> -> memref<128x128xf32, #tpu.memory_space<hbm>>
    tpu.wait_dma2 semaphore(%arg12 : memref<!tpu.dma_semaphore, #tpu.memory_space<semaphore_mem>>) src(%arg8 : memref<128x128xf32, #tpu.memory_space<vmem>>) dst(%dma_wait3A_13 : memref<128x128xf32, #tpu.memory_space<hbm>>)
    return
  }
}

module attributes {stable_mosaic.version = 14 : i64} {
  func.func @_graph_kernel(%arg0: i32, %arg1: memref<32xi32, #tpu.memory_space<smem>>, %arg2: memref<32xi32, #tpu.memory_space<smem>>, %arg3: memref<128x3xf32, #tpu.memory_space<vmem>>, %arg4: memref<128x1xf32, #tpu.memory_space<vmem>>, %arg5: memref<128x1xf32, #tpu.memory_space<vmem>>, %arg6: memref<32x3x128xf32, #tpu.memory_space<vmem>>, %arg7: memref<128x64xi32, #tpu.memory_space<vmem>>, %arg8: memref<128x64xf32, #tpu.memory_space<vmem>>, %arg9: memref<128x64xf32, #tpu.memory_space<vmem>>, %arg10: memref<32x128x128xf32, #tpu.memory_space<vmem>>) attributes {dimension_semantics = [#tpu.dimension_semantics<arbitrary>], iteration_bounds = array<i64: 32>, scalar_prefetch = 2 : i64, scratch_operands = 1 : i64, tpu.core_type = #tpu.core_type<tc>, window_params = [{transform_indices = @transform_0, window_bounds = array<i64: 128, 3>}, {transform_indices = @transform_1, window_bounds = array<i64: 128, 1>}, {transform_indices = @transform_2, window_bounds = array<i64: 128, 1>}, {pipeline_mode = #tpu.pipeline_mode<synchronous>, transform_indices = @transform_3, window_bounds = array<i64: 32, 3, 128>}, {transform_indices = @transform_4, window_bounds = array<i64: 128, 64>}, {transform_indices = @transform_5, window_bounds = array<i64: 128, 64>}, {transform_indices = @transform_6, window_bounds = array<i64: 128, 64>}]} {
    %get3A = arith.index_cast %arg0 : i32 to index
    %get3A_0 = memref.load %arg1[%get3A] : memref<32xi32, #tpu.memory_space<smem>>
    %get3A_1 = arith.index_cast %arg0 : i32 to index
    %get3A_2 = memref.load %arg2[%get3A_1] : memref<32xi32, #tpu.memory_space<smem>>
    %get3A_3 = arith.constant 0 : index
    %get3A_4 = arith.constant 0 : index
    %get3A_5 = vector.load %arg3[%get3A_3, %get3A_4] : memref<128x3xf32, #tpu.memory_space<vmem>>, vector<128x1xf32>
    %get3A_6 = arith.constant 0 : index
    %get3A_7 = arith.constant 1 : index
    %get3A_8 = vector.load %arg3[%get3A_6, %get3A_7] : memref<128x3xf32, #tpu.memory_space<vmem>>, vector<128x1xf32>
    %get3A_9 = arith.constant 0 : index
    %get3A_10 = arith.constant 2 : index
    %get3A_11 = vector.load %arg3[%get3A_9, %get3A_10] : memref<128x3xf32, #tpu.memory_space<vmem>>, vector<128x1xf32>
    %get3A_12 = arith.constant 0 : index
    %get3A_13 = arith.constant 0 : index
    %get3A_14 = vector.load %arg4[%get3A_12, %get3A_13] : memref<128x1xf32, #tpu.memory_space<vmem>>, vector<128x1xf32>
    %get3A_15 = arith.constant 0 : index
    %get3A_16 = arith.constant 0 : index
    %get3A_17 = vector.load %arg5[%get3A_15, %get3A_16] : memref<128x1xf32, #tpu.memory_space<vmem>>, vector<128x1xf32>
    %mul3A = arith.constant 128 : i32
    %mul3A_18 = arith.muli %arg0, %mul3A : i32
    %convert_element_type3A = arith.sitofp %mul3A_18 : i32 to f32
    %iota3A = tpu.iota {dimensions = array<i32: 0>} : vector<128x1xi32>
    %convert_element_type3A_19 = arith.sitofp %iota3A : vector<128x1xi32> to vector<128x1xf32>
    %add3A = vector.broadcast %convert_element_type3A : f32 to vector<128x1xf32>
    %add3A_20 = arith.addf %add3A, %convert_element_type3A_19 : vector<128x1xf32>
    %iota3A_21 = tpu.iota {dimensions = array<i32: 1>} : vector<128x128xi32>
    %convert_element_type3A_22 = arith.sitofp %iota3A_21 : vector<128x128xi32> to vector<128x128xf32>
    %broadcast_in_dim3A = arith.constant -3.000000e+38 : f32
    %broadcast_in_dim3A_23 = vector.broadcast %broadcast_in_dim3A : f32 to vector<128x1xf32>
    %broadcast_in_dim3A_24 = arith.constant 0.000000e+00 : f32
    %broadcast_in_dim3A_25 = vector.broadcast %broadcast_in_dim3A_24 : f32 to vector<128x1xf32>
    %while3A = arith.constant -1.000000e+09 : f32
    %while3A_26 = arith.subi %get3A_2, %get3A_0 : i32
    %while3A_27 = arith.addi %get3A_0, %while3A_26 : i32
    %while3A_28 = arith.constant 1 : i32
    %while3A_29 = arith.divsi %while3A_26, %while3A_28 : i32
    %while3A_30 = arith.muli %while3A_29, %while3A_28 : i32
    %while3A_31 = arith.addi %get3A_0, %while3A_30 : i32
    %while3A_32 = arith.constant 1 : i32
    %while3A_33:2 = scf.for %while3A_84 = %get3A_0 to %while3A_31 step %while3A_32 iter_args(%while3A_85 = %broadcast_in_dim3A_23, %while3A_86 = %broadcast_in_dim3A_25) -> (vector<128x1xf32>, vector<128x1xf32>)  : i32 {
      %convert_element_type3A_87 = arith.sitofp %while3A_84 : i32 to f32
      %mul3A_88 = arith.constant 1.280000e+02 : f32
      %mul3A_89 = arith.mulf %convert_element_type3A_87, %mul3A_88 : f32
      %add3A_90 = vector.broadcast %mul3A_89 : f32 to vector<128x128xf32>
      %add3A_91 = arith.addf %convert_element_type3A_22, %add3A_90 : vector<128x128xf32>
      %get3A_92 = arith.index_cast %while3A_84 : i32 to index
      %get3A_93 = arith.constant 0 : index
      %get3A_94 = arith.constant 0 : index
      %get3A_95 = vector.load %arg6[%get3A_92, %get3A_93, %get3A_94] : memref<32x3x128xf32, #tpu.memory_space<vmem>>, vector<1x1x128xf32>
      %get3A_96 = vector.shape_cast %get3A_95 : vector<1x1x128xf32> to vector<1x128xf32>
      %get3A_97 = arith.index_cast %while3A_84 : i32 to index
      %get3A_98 = arith.constant 1 : index
      %get3A_99 = arith.constant 0 : index
      %get3A_100 = vector.load %arg6[%get3A_97, %get3A_98, %get3A_99] : memref<32x3x128xf32, #tpu.memory_space<vmem>>, vector<1x1x128xf32>
      %get3A_101 = vector.shape_cast %get3A_100 : vector<1x1x128xf32> to vector<1x128xf32>
      %get3A_102 = arith.index_cast %while3A_84 : i32 to index
      %get3A_103 = arith.constant 2 : index
      %get3A_104 = arith.constant 0 : index
      %get3A_105 = vector.load %arg6[%get3A_102, %get3A_103, %get3A_104] : memref<32x3x128xf32, #tpu.memory_space<vmem>>, vector<1x1x128xf32>
      %get3A_106 = vector.shape_cast %get3A_105 : vector<1x1x128xf32> to vector<1x128xf32>
      %sub3A_107 = vector.broadcast %get3A_5 : vector<128x1xf32> to vector<128x128xf32>
      %sub3A_108 = vector.broadcast %get3A_96 : vector<1x128xf32> to vector<128x128xf32>
      %sub3A_109 = arith.subf %sub3A_107, %sub3A_108 : vector<128x128xf32>
      %sub3A_110 = vector.broadcast %get3A_8 : vector<128x1xf32> to vector<128x128xf32>
      %sub3A_111 = vector.broadcast %get3A_101 : vector<1x128xf32> to vector<128x128xf32>
      %sub3A_112 = arith.subf %sub3A_110, %sub3A_111 : vector<128x128xf32>
      %sub3A_113 = vector.broadcast %get3A_11 : vector<128x1xf32> to vector<128x128xf32>
      %sub3A_114 = vector.broadcast %get3A_106 : vector<1x128xf32> to vector<128x128xf32>
      %sub3A_115 = arith.subf %sub3A_113, %sub3A_114 : vector<128x128xf32>
      %mul3A_116 = arith.mulf %sub3A_109, %sub3A_109 : vector<128x128xf32>
      %mul3A_117 = arith.mulf %sub3A_112, %sub3A_112 : vector<128x128xf32>
      %add3A_118 = arith.addf %mul3A_116, %mul3A_117 : vector<128x128xf32>
      %mul3A_119 = arith.mulf %sub3A_115, %sub3A_115 : vector<128x128xf32>
      %add3A_120 = arith.addf %add3A_118, %mul3A_119 : vector<128x128xf32>
      %max3A = arith.constant 9.99999996E-13 : f32
      %max3A_121 = vector.broadcast %max3A : f32 to vector<128x128xf32>
      %max3A_122 = arith.maximumf %add3A_120, %max3A_121 : vector<128x128xf32>
      %sqrt3A = math.sqrt %max3A_122 : vector<128x128xf32>
      %ge3A = vector.broadcast %get3A_14 : vector<128x1xf32> to vector<128x128xf32>
      %ge3A_123 = arith.cmpf oge, %add3A_91, %ge3A : vector<128x128xf32>
      %lt3A = vector.broadcast %get3A_17 : vector<128x1xf32> to vector<128x128xf32>
      %lt3A_124 = arith.cmpf olt, %add3A_91, %lt3A : vector<128x128xf32>
      %and3A = arith.andi %ge3A_123, %lt3A_124 : vector<128x128xi1>
      %ne3A = vector.broadcast %add3A_20 : vector<128x1xf32> to vector<128x128xf32>
      %ne3A_125 = arith.cmpf one, %add3A_91, %ne3A : vector<128x128xf32>
      %and3A_126 = arith.andi %and3A, %ne3A_125 : vector<128x128xi1>
      %lt3A_127 = arith.constant 1.000000e+01 : f32
      %lt3A_128 = vector.broadcast %lt3A_127 : f32 to vector<128x128xf32>
      %lt3A_129 = arith.cmpf olt, %sqrt3A, %lt3A_128 : vector<128x128xf32>
      %and3A_130 = arith.andi %and3A_126, %lt3A_129 : vector<128x128xi1>
      %neg3A_131 = arith.constant 0.000000e+00 : f32
      %neg3A_132 = vector.broadcast %neg3A_131 : f32 to vector<128x128xf32>
      %neg3A_133 = arith.subf %neg3A_132, %sqrt3A : vector<128x128xf32>
      %broadcast_in_dim3A_134 = vector.broadcast %while3A : f32 to vector<128x128xf32>
      %select_n3A_135 = arith.select %and3A_130, %neg3A_133, %broadcast_in_dim3A_134 : vector<128x128xi1>, vector<128x128xf32>
      %swap3A_136 = arith.index_cast %while3A_84 : i32 to index
      %swap3A_137 = arith.constant 0 : index
      %swap3A_138 = arith.constant 0 : index
      %swap3A_139 = vector.load %arg10[%swap3A_136, %swap3A_137, %swap3A_138] : memref<32x128x128xf32, #tpu.memory_space<vmem>>, vector<1x128x128xf32>
      %swap3A_140 = vector.shape_cast %swap3A_139 : vector<1x128x128xf32> to vector<128x128xf32>
      %swap3A_141 = vector.shape_cast %select_n3A_135 : vector<128x128xf32> to vector<1x128x128xf32>
      tpu.vector_store %arg10[%swap3A_136, %swap3A_137, %swap3A_138], %swap3A_141 {strides = array<i32>} : memref<32x128x128xf32, #tpu.memory_space<vmem>>, vector<1x128x128xf32>,
      %reduce_max3A = arith.constant dense<0xFF800000> : vector<128xf32>
      %reduce_max3A_142 = vector.multi_reduction <maximumf>, %select_n3A_135, %reduce_max3A [1] : vector<128x128xf32> to vector<128xf32>
      %broadcast_in_dim3A_143 = vector.shape_cast %reduce_max3A_142 : vector<128xf32> to vector<128x1xf32>
      %eq3A_144 = vector.broadcast %broadcast_in_dim3A_143 : vector<128x1xf32> to vector<128x128xf32>
      %eq3A_145 = arith.cmpf oeq, %select_n3A_135, %eq3A_144 : vector<128x128xf32>
      %jit3A_146 = arith.constant 1.07374182E+9 : f32
      %broadcast_in_dim3A_147 = vector.broadcast %jit3A_146 : f32 to vector<128x128xf32>
      %select_n3A_148 = arith.select %eq3A_145, %add3A_91, %broadcast_in_dim3A_147 : vector<128x128xi1>, vector<128x128xf32>
      %reduce_min3A = arith.constant dense<0x7F800000> : vector<128xf32>
      %reduce_min3A_149 = vector.multi_reduction <minimumf>, %select_n3A_148, %reduce_min3A [1] : vector<128x128xf32> to vector<128xf32>
      %broadcast_in_dim3A_150 = vector.shape_cast %reduce_min3A_149 : vector<128xf32> to vector<128x1xf32>
      %gt3A_151 = arith.cmpf ogt, %broadcast_in_dim3A_143, %while3A_85 : vector<128x1xf32>
      %select_n3A_152 = arith.select %gt3A_151, %broadcast_in_dim3A_143, %while3A_85 : vector<128x1xi1>, vector<128x1xf32>
      %select_n3A_153 = arith.select %gt3A_151, %broadcast_in_dim3A_150, %while3A_86 : vector<128x1xi1>, vector<128x1xf32>
      scf.yield %select_n3A_152, %select_n3A_153 : vector<128x1xf32>, vector<128x1xf32>
    }
    %while3A_34 = arith.constant 1 : i32
    %while3A_35:2 = scf.for %while3A_84 = %while3A_31 to %while3A_27 step %while3A_34 iter_args(%while3A_85 = %while3A_33#0, %while3A_86 = %while3A_33#1) -> (vector<128x1xf32>, vector<128x1xf32>)  : i32 {
      %convert_element_type3A_87 = arith.sitofp %while3A_84 : i32 to f32
      %mul3A_88 = arith.constant 1.280000e+02 : f32
      %mul3A_89 = arith.mulf %convert_element_type3A_87, %mul3A_88 : f32
      %add3A_90 = vector.broadcast %mul3A_89 : f32 to vector<128x128xf32>
      %add3A_91 = arith.addf %convert_element_type3A_22, %add3A_90 : vector<128x128xf32>
      %get3A_92 = arith.index_cast %while3A_84 : i32 to index
      %get3A_93 = arith.constant 0 : index
      %get3A_94 = arith.constant 0 : index
      %get3A_95 = vector.load %arg6[%get3A_92, %get3A_93, %get3A_94] : memref<32x3x128xf32, #tpu.memory_space<vmem>>, vector<1x1x128xf32>
      %get3A_96 = vector.shape_cast %get3A_95 : vector<1x1x128xf32> to vector<1x128xf32>
      %get3A_97 = arith.index_cast %while3A_84 : i32 to index
      %get3A_98 = arith.constant 1 : index
      %get3A_99 = arith.constant 0 : index
      %get3A_100 = vector.load %arg6[%get3A_97, %get3A_98, %get3A_99] : memref<32x3x128xf32, #tpu.memory_space<vmem>>, vector<1x1x128xf32>
      %get3A_101 = vector.shape_cast %get3A_100 : vector<1x1x128xf32> to vector<1x128xf32>
      %get3A_102 = arith.index_cast %while3A_84 : i32 to index
      %get3A_103 = arith.constant 2 : index
      %get3A_104 = arith.constant 0 : index
      %get3A_105 = vector.load %arg6[%get3A_102, %get3A_103, %get3A_104] : memref<32x3x128xf32, #tpu.memory_space<vmem>>, vector<1x1x128xf32>
      %get3A_106 = vector.shape_cast %get3A_105 : vector<1x1x128xf32> to vector<1x128xf32>
      %sub3A_107 = vector.broadcast %get3A_5 : vector<128x1xf32> to vector<128x128xf32>
      %sub3A_108 = vector.broadcast %get3A_96 : vector<1x128xf32> to vector<128x128xf32>
      %sub3A_109 = arith.subf %sub3A_107, %sub3A_108 : vector<128x128xf32>
      %sub3A_110 = vector.broadcast %get3A_8 : vector<128x1xf32> to vector<128x128xf32>
      %sub3A_111 = vector.broadcast %get3A_101 : vector<1x128xf32> to vector<128x128xf32>
      %sub3A_112 = arith.subf %sub3A_110, %sub3A_111 : vector<128x128xf32>
      %sub3A_113 = vector.broadcast %get3A_11 : vector<128x1xf32> to vector<128x128xf32>
      %sub3A_114 = vector.broadcast %get3A_106 : vector<1x128xf32> to vector<128x128xf32>
      %sub3A_115 = arith.subf %sub3A_113, %sub3A_114 : vector<128x128xf32>
      %mul3A_116 = arith.mulf %sub3A_109, %sub3A_109 : vector<128x128xf32>
      %mul3A_117 = arith.mulf %sub3A_112, %sub3A_112 : vector<128x128xf32>
      %add3A_118 = arith.addf %mul3A_116, %mul3A_117 : vector<128x128xf32>
      %mul3A_119 = arith.mulf %sub3A_115, %sub3A_115 : vector<128x128xf32>
      %add3A_120 = arith.addf %add3A_118, %mul3A_119 : vector<128x128xf32>
      %max3A = arith.constant 9.99999996E-13 : f32
      %max3A_121 = vector.broadcast %max3A : f32 to vector<128x128xf32>
      %max3A_122 = arith.maximumf %add3A_120, %max3A_121 : vector<128x128xf32>
      %sqrt3A = math.sqrt %max3A_122 : vector<128x128xf32>
      %ge3A = vector.broadcast %get3A_14 : vector<128x1xf32> to vector<128x128xf32>
      %ge3A_123 = arith.cmpf oge, %add3A_91, %ge3A : vector<128x128xf32>
      %lt3A = vector.broadcast %get3A_17 : vector<128x1xf32> to vector<128x128xf32>
      %lt3A_124 = arith.cmpf olt, %add3A_91, %lt3A : vector<128x128xf32>
      %and3A = arith.andi %ge3A_123, %lt3A_124 : vector<128x128xi1>
      %ne3A = vector.broadcast %add3A_20 : vector<128x1xf32> to vector<128x128xf32>
      %ne3A_125 = arith.cmpf one, %add3A_91, %ne3A : vector<128x128xf32>
      %and3A_126 = arith.andi %and3A, %ne3A_125 : vector<128x128xi1>
      %lt3A_127 = arith.constant 1.000000e+01 : f32
      %lt3A_128 = vector.broadcast %lt3A_127 : f32 to vector<128x128xf32>
      %lt3A_129 = arith.cmpf olt, %sqrt3A, %lt3A_128 : vector<128x128xf32>
      %and3A_130 = arith.andi %and3A_126, %lt3A_129 : vector<128x128xi1>
      %neg3A_131 = arith.constant 0.000000e+00 : f32
      %neg3A_132 = vector.broadcast %neg3A_131 : f32 to vector<128x128xf32>
      %neg3A_133 = arith.subf %neg3A_132, %sqrt3A : vector<128x128xf32>
      %broadcast_in_dim3A_134 = vector.broadcast %while3A : f32 to vector<128x128xf32>
      %select_n3A_135 = arith.select %and3A_130, %neg3A_133, %broadcast_in_dim3A_134 : vector<128x128xi1>, vector<128x128xf32>
      %swap3A_136 = arith.index_cast %while3A_84 : i32 to index
      %swap3A_137 = arith.constant 0 : index
      %swap3A_138 = arith.constant 0 : index
      %swap3A_139 = vector.load %arg10[%swap3A_136, %swap3A_137, %swap3A_138] : memref<32x128x128xf32, #tpu.memory_space<vmem>>, vector<1x128x128xf32>
      %swap3A_140 = vector.shape_cast %swap3A_139 : vector<1x128x128xf32> to vector<128x128xf32>
      %swap3A_141 = vector.shape_cast %select_n3A_135 : vector<128x128xf32> to vector<1x128x128xf32>
      tpu.vector_store %arg10[%swap3A_136, %swap3A_137, %swap3A_138], %swap3A_141 {strides = array<i32>} : memref<32x128x128xf32, #tpu.memory_space<vmem>>, vector<1x128x128xf32>,
      %reduce_max3A = arith.constant dense<0xFF800000> : vector<128xf32>
      %reduce_max3A_142 = vector.multi_reduction <maximumf>, %select_n3A_135, %reduce_max3A [1] : vector<128x128xf32> to vector<128xf32>
      %broadcast_in_dim3A_143 = vector.shape_cast %reduce_max3A_142 : vector<128xf32> to vector<128x1xf32>
      %eq3A_144 = vector.broadcast %broadcast_in_dim3A_143 : vector<128x1xf32> to vector<128x128xf32>
      %eq3A_145 = arith.cmpf oeq, %select_n3A_135, %eq3A_144 : vector<128x128xf32>
      %jit3A_146 = arith.constant 1.07374182E+9 : f32
      %broadcast_in_dim3A_147 = vector.broadcast %jit3A_146 : f32 to vector<128x128xf32>
      %select_n3A_148 = arith.select %eq3A_145, %add3A_91, %broadcast_in_dim3A_147 : vector<128x128xi1>, vector<128x128xf32>
      %reduce_min3A = arith.constant dense<0x7F800000> : vector<128xf32>
      %reduce_min3A_149 = vector.multi_reduction <minimumf>, %select_n3A_148, %reduce_min3A [1] : vector<128x128xf32> to vector<128xf32>
      %broadcast_in_dim3A_150 = vector.shape_cast %reduce_min3A_149 : vector<128xf32> to vector<128x1xf32>
      %gt3A_151 = arith.cmpf ogt, %broadcast_in_dim3A_143, %while3A_85 : vector<128x1xf32>
      %select_n3A_152 = arith.select %gt3A_151, %broadcast_in_dim3A_143, %while3A_85 : vector<128x1xi1>, vector<128x1xf32>
      %select_n3A_153 = arith.select %gt3A_151, %broadcast_in_dim3A_150, %while3A_86 : vector<128x1xi1>, vector<128x1xf32>
      scf.yield %select_n3A_152, %select_n3A_153 : vector<128x1xf32>, vector<128x1xf32>
    }
    %iota3A_36 = tpu.iota {dimensions = array<i32: 1>} : vector<128x64xi32>
    %convert_element_type3A_37 = arith.sitofp %iota3A_36 : vector<128x64xi32> to vector<128x64xf32>
    %eq3A = arith.constant 0.000000e+00 : f32
    %eq3A_38 = vector.broadcast %eq3A : f32 to vector<128x64xf32>
    %eq3A_39 = arith.cmpf oeq, %convert_element_type3A_37, %eq3A_38 : vector<128x64xf32>
    %jit3A = arith.constant -1.000000e+09 : f32
    %broadcast_in_dim3A_40 = vector.shape_cast %while3A_35#0 : vector<128x1xf32> to vector<128x1xf32>
    %broadcast_in_dim3A_41 = vector.broadcast %broadcast_in_dim3A_40 : vector<128x1xf32> to vector<128x64xf32>
    %broadcast_in_dim3A_42 = vector.broadcast %jit3A : f32 to vector<128x64xf32>
    %select_n3A = arith.select %eq3A_39, %broadcast_in_dim3A_41, %broadcast_in_dim3A_42 : vector<128x64xi1>, vector<128x64xf32>
    %eq3A_43 = arith.constant 0.000000e+00 : f32
    %eq3A_44 = vector.broadcast %eq3A_43 : f32 to vector<128x64xf32>
    %eq3A_45 = arith.cmpf oeq, %convert_element_type3A_37, %eq3A_44 : vector<128x64xf32>
    %jit3A_46 = arith.constant 0.000000e+00 : f32
    %broadcast_in_dim3A_47 = vector.shape_cast %while3A_35#1 : vector<128x1xf32> to vector<128x1xf32>
    %broadcast_in_dim3A_48 = vector.broadcast %broadcast_in_dim3A_47 : vector<128x1xf32> to vector<128x64xf32>
    %broadcast_in_dim3A_49 = vector.broadcast %jit3A_46 : f32 to vector<128x64xf32>
    %select_n3A_50 = arith.select %eq3A_45, %broadcast_in_dim3A_48, %broadcast_in_dim3A_49 : vector<128x64xi1>, vector<128x64xf32>
    %sub3A = arith.subi %get3A_2, %get3A_0 : i32
    %le3A = arith.constant 4 : i32
    %le3A_51 = arith.cmpi sle, %sub3A, %le3A : i32
    %convert_element_type3A_52 = arith.extui %le3A_51 : i1 to i32
    %cond3A = arith.constant -1.000000e+09 : f32
    %cond3A_53 = arith.constant 0 : i32
    %cond3A_54 = arith.cmpi ne, %convert_element_type3A_52, %cond3A_53 : i32
    %cond3A_55:2 = scf.if %cond3A_54 -> (vector<128x64xf32>, vector<128x64xf32>) {
      %scan3A = arith.constant 1 : i32
      %scan3A_84 = arith.constant 63 : i32
      %scan3A_85 = arith.addi %scan3A, %scan3A_84 : i32
      %scan3A_86 = arith.constant 1 : i32
      %scan3A_87:3 = scf.for %scan3A_89 = %scan3A to %scan3A_85 step %scan3A_86 iter_args(%scan3A_90 = %while3A_35#0, %scan3A_91 = %select_n3A, %scan3A_92 = %select_n3A_50) -> (vector<128x1xf32>, vector<128x64xf32>, vector<128x64xf32>)  : i32 {
        %add3A_93 = arith.constant 0 : i32
        %add3A_94 = arith.addi %get3A_0, %add3A_93 : i32
        %min3A = arith.constant 31 : i32
        %min3A_95 = arith.minsi %add3A_94, %min3A : i32
        %add3A_96 = arith.constant 0 : i32
        %add3A_97 = arith.addi %get3A_0, %add3A_96 : i32
        %lt3A = arith.cmpi slt, %add3A_97, %get3A_2 : i32
        %convert_element_type3A_98 = arith.sitofp %min3A_95 : i32 to f32
        %mul3A_99 = arith.constant 1.280000e+02 : f32
        %mul3A_100 = arith.mulf %convert_element_type3A_98, %mul3A_99 : f32
        %add3A_101 = vector.broadcast %mul3A_100 : f32 to vector<128x128xf32>
        %add3A_102 = arith.addf %convert_element_type3A_22, %add3A_101 : vector<128x128xf32>
        %get3A_103 = arith.index_cast %min3A_95 : i32 to index
        %get3A_104 = arith.constant 0 : index
        %get3A_105 = arith.constant 0 : index
        %get3A_106 = vector.load %arg10[%get3A_103, %get3A_104, %get3A_105] : memref<32x128x128xf32, #tpu.memory_space<vmem>>, vector<1x128x128xf32>
        %get3A_107 = vector.shape_cast %get3A_106 : vector<1x128x128xf32> to vector<128x128xf32>
        %lt3A_108 = vector.broadcast %scan3A_90 : vector<128x1xf32> to vector<128x128xf32>
        %lt3A_109 = arith.cmpf olt, %get3A_107, %lt3A_108 : vector<128x128xf32>
        %and3A = vector.broadcast %lt3A : i1 to vector<128x128xi1>
        %and3A_110 = arith.andi %lt3A_109, %and3A : vector<128x128xi1>
        %broadcast_in_dim3A_111 = vector.broadcast %cond3A : f32 to vector<128x128xf32>
        %select_n3A_112 = arith.select %and3A_110, %get3A_107, %broadcast_in_dim3A_111 : vector<128x128xi1>, vector<128x128xf32>
        %reduce_max3A = arith.constant dense<0xFF800000> : vector<128xf32>
        %reduce_max3A_113 = vector.multi_reduction <maximumf>, %select_n3A_112, %reduce_max3A [1] : vector<128x128xf32> to vector<128xf32>
        %broadcast_in_dim3A_114 = vector.shape_cast %reduce_max3A_113 : vector<128xf32> to vector<128x1xf32>
        %eq3A_115 = vector.broadcast %broadcast_in_dim3A_114 : vector<128x1xf32> to vector<128x128xf32>
        %eq3A_116 = arith.cmpf oeq, %select_n3A_112, %eq3A_115 : vector<128x128xf32>
        %jit3A_117 = arith.constant 1.07374182E+9 : f32
        %broadcast_in_dim3A_118 = vector.broadcast %jit3A_117 : f32 to vector<128x128xf32>
        %select_n3A_119 = arith.select %eq3A_116, %add3A_102, %broadcast_in_dim3A_118 : vector<128x128xi1>, vector<128x128xf32>
        %reduce_min3A = arith.constant dense<0x7F800000> : vector<128xf32>
        %reduce_min3A_120 = vector.multi_reduction <minimumf>, %select_n3A_119, %reduce_min3A [1] : vector<128x128xf32> to vector<128xf32>
        %broadcast_in_dim3A_121 = vector.shape_cast %reduce_min3A_120 : vector<128xf32> to vector<128x1xf32>
        %gt3A_122 = arith.cmpf ogt, %broadcast_in_dim3A_114, %broadcast_in_dim3A_23 : vector<128x1xf32>
        %select_n3A_123 = arith.select %gt3A_122, %broadcast_in_dim3A_114, %broadcast_in_dim3A_23 : vector<128x1xi1>, vector<128x1xf32>
        %select_n3A_124 = arith.select %gt3A_122, %broadcast_in_dim3A_121, %broadcast_in_dim3A_25 : vector<128x1xi1>, vector<128x1xf32>
        %add3A_125 = arith.constant 1 : i32
        %add3A_126 = arith.addi %get3A_0, %add3A_125 : i32
        %min3A_127 = arith.constant 31 : i32
        %min3A_128 = arith.minsi %add3A_126, %min3A_127 : i32
        %add3A_129 = arith.constant 1 : i32
        %add3A_130 = arith.addi %get3A_0, %add3A_129 : i32
        %lt3A_131 = arith.cmpi slt, %add3A_130, %get3A_2 : i32
        %convert_element_type3A_132 = arith.sitofp %min3A_128 : i32 to f32
        %mul3A_133 = arith.constant 1.280000e+02 : f32
        %mul3A_134 = arith.mulf %convert_element_type3A_132, %mul3A_133 : f32
        %add3A_135 = vector.broadcast %mul3A_134 : f32 to vector<128x128xf32>
        %add3A_136 = arith.addf %convert_element_type3A_22, %add3A_135 : vector<128x128xf32>
        %get3A_137 = arith.index_cast %min3A_128 : i32 to index
        %get3A_138 = arith.constant 0 : index
        %get3A_139 = arith.constant 0 : index
        %get3A_140 = vector.load %arg10[%get3A_137, %get3A_138, %get3A_139] : memref<32x128x128xf32, #tpu.memory_space<vmem>>, vector<1x128x128xf32>
        %get3A_141 = vector.shape_cast %get3A_140 : vector<1x128x128xf32> to vector<128x128xf32>
        %lt3A_142 = vector.broadcast %scan3A_90 : vector<128x1xf32> to vector<128x128xf32>
        %lt3A_143 = arith.cmpf olt, %get3A_141, %lt3A_142 : vector<128x128xf32>
        %and3A_144 = vector.broadcast %lt3A_131 : i1 to vector<128x128xi1>
        %and3A_145 = arith.andi %lt3A_143, %and3A_144 : vector<128x128xi1>
        %broadcast_in_dim3A_146 = vector.broadcast %cond3A : f32 to vector<128x128xf32>
        %select_n3A_147 = arith.select %and3A_145, %get3A_141, %broadcast_in_dim3A_146 : vector<128x128xi1>, vector<128x128xf32>
        %reduce_max3A_148 = arith.constant dense<0xFF800000> : vector<128xf32>
        %reduce_max3A_149 = vector.multi_reduction <maximumf>, %select_n3A_147, %reduce_max3A_148 [1] : vector<128x128xf32> to vector<128xf32>
        %broadcast_in_dim3A_150 = vector.shape_cast %reduce_max3A_149 : vector<128xf32> to vector<128x1xf32>
        %eq3A_151 = vector.broadcast %broadcast_in_dim3A_150 : vector<128x1xf32> to vector<128x128xf32>
        %eq3A_152 = arith.cmpf oeq, %select_n3A_147, %eq3A_151 : vector<128x128xf32>
        %jit3A_153 = arith.constant 1.07374182E+9 : f32
        %broadcast_in_dim3A_154 = vector.broadcast %jit3A_153 : f32 to vector<128x128xf32>
        %select_n3A_155 = arith.select %eq3A_152, %add3A_136, %broadcast_in_dim3A_154 : vector<128x128xi1>, vector<128x128xf32>
        %reduce_min3A_156 = arith.constant dense<0x7F800000> : vector<128xf32>
        %reduce_min3A_157 = vector.multi_reduction <minimumf>, %select_n3A_155, %reduce_min3A_156 [1] : vector<128x128xf32> to vector<128xf32>
        %broadcast_in_dim3A_158 = vector.shape_cast %reduce_min3A_157 : vector<128xf32> to vector<128x1xf32>
        %gt3A_159 = arith.cmpf ogt, %broadcast_in_dim3A_150, %select_n3A_123 : vector<128x1xf32>
        %select_n3A_160 = arith.select %gt3A_159, %broadcast_in_dim3A_150, %select_n3A_123 : vector<128x1xi1>, vector<128x1xf32>
        %select_n3A_161 = arith.select %gt3A_159, %broadcast_in_dim3A_158, %select_n3A_124 : vector<128x1xi1>, vector<128x1xf32>
        %add3A_162 = arith.constant 2 : i32
        %add3A_163 = arith.addi %get3A_0, %add3A_162 : i32
        %min3A_164 = arith.constant 31 : i32
        %min3A_165 = arith.minsi %add3A_163, %min3A_164 : i32
        %add3A_166 = arith.constant 2 : i32
        %add3A_167 = arith.addi %get3A_0, %add3A_166 : i32
        %lt3A_168 = arith.cmpi slt, %add3A_167, %get3A_2 : i32
        %convert_element_type3A_169 = arith.sitofp %min3A_165 : i32 to f32
        %mul3A_170 = arith.constant 1.280000e+02 : f32
        %mul3A_171 = arith.mulf %convert_element_type3A_169, %mul3A_170 : f32
        %add3A_172 = vector.broadcast %mul3A_171 : f32 to vector<128x128xf32>
        %add3A_173 = arith.addf %convert_element_type3A_22, %add3A_172 : vector<128x128xf32>
        %get3A_174 = arith.index_cast %min3A_165 : i32 to index
        %get3A_175 = arith.constant 0 : index
        %get3A_176 = arith.constant 0 : index
        %get3A_177 = vector.load %arg10[%get3A_174, %get3A_175, %get3A_176] : memref<32x128x128xf32, #tpu.memory_space<vmem>>, vector<1x128x128xf32>
        %get3A_178 = vector.shape_cast %get3A_177 : vector<1x128x128xf32> to vector<128x128xf32>
        %lt3A_179 = vector.broadcast %scan3A_90 : vector<128x1xf32> to vector<128x128xf32>
        %lt3A_180 = arith.cmpf olt, %get3A_178, %lt3A_179 : vector<128x128xf32>
        %and3A_181 = vector.broadcast %lt3A_168 : i1 to vector<128x128xi1>
        %and3A_182 = arith.andi %lt3A_180, %and3A_181 : vector<128x128xi1>
        %broadcast_in_dim3A_183 = vector.broadcast %cond3A : f32 to vector<128x128xf32>
        %select_n3A_184 = arith.select %and3A_182, %get3A_178, %broadcast_in_dim3A_183 : vector<128x128xi1>, vector<128x128xf32>
        %reduce_max3A_185 = arith.constant dense<0xFF800000> : vector<128xf32>
        %reduce_max3A_186 = vector.multi_reduction <maximumf>, %select_n3A_184, %reduce_max3A_185 [1] : vector<128x128xf32> to vector<128xf32>
        %broadcast_in_dim3A_187 = vector.shape_cast %reduce_max3A_186 : vector<128xf32> to vector<128x1xf32>
        %eq3A_188 = vector.broadcast %broadcast_in_dim3A_187 : vector<128x1xf32> to vector<128x128xf32>
        %eq3A_189 = arith.cmpf oeq, %select_n3A_184, %eq3A_188 : vector<128x128xf32>
        %jit3A_190 = arith.constant 1.07374182E+9 : f32
        %broadcast_in_dim3A_191 = vector.broadcast %jit3A_190 : f32 to vector<128x128xf32>
        %select_n3A_192 = arith.select %eq3A_189, %add3A_173, %broadcast_in_dim3A_191 : vector<128x128xi1>, vector<128x128xf32>
        %reduce_min3A_193 = arith.constant dense<0x7F800000> : vector<128xf32>
        %reduce_min3A_194 = vector.multi_reduction <minimumf>, %select_n3A_192, %reduce_min3A_193 [1] : vector<128x128xf32> to vector<128xf32>
        %broadcast_in_dim3A_195 = vector.shape_cast %reduce_min3A_194 : vector<128xf32> to vector<128x1xf32>
        %gt3A_196 = arith.cmpf ogt, %broadcast_in_dim3A_187, %select_n3A_160 : vector<128x1xf32>
        %select_n3A_197 = arith.select %gt3A_196, %broadcast_in_dim3A_187, %select_n3A_160 : vector<128x1xi1>, vector<128x1xf32>
        %select_n3A_198 = arith.select %gt3A_196, %broadcast_in_dim3A_195, %select_n3A_161 : vector<128x1xi1>, vector<128x1xf32>
        %add3A_199 = arith.constant 3 : i32
        %add3A_200 = arith.addi %get3A_0, %add3A_199 : i32
        %min3A_201 = arith.constant 31 : i32
        %min3A_202 = arith.minsi %add3A_200, %min3A_201 : i32
        %add3A_203 = arith.constant 3 : i32
        %add3A_204 = arith.addi %get3A_0, %add3A_203 : i32
        %lt3A_205 = arith.cmpi slt, %add3A_204, %get3A_2 : i32
        %convert_element_type3A_206 = arith.sitofp %min3A_202 : i32 to f32
        %mul3A_207 = arith.constant 1.280000e+02 : f32
        %mul3A_208 = arith.mulf %convert_element_type3A_206, %mul3A_207 : f32
        %add3A_209 = vector.broadcast %mul3A_208 : f32 to vector<128x128xf32>
        %add3A_210 = arith.addf %convert_element_type3A_22, %add3A_209 : vector<128x128xf32>
        %get3A_211 = arith.index_cast %min3A_202 : i32 to index
        %get3A_212 = arith.constant 0 : index
        %get3A_213 = arith.constant 0 : index
        %get3A_214 = vector.load %arg10[%get3A_211, %get3A_212, %get3A_213] : memref<32x128x128xf32, #tpu.memory_space<vmem>>, vector<1x128x128xf32>
        %get3A_215 = vector.shape_cast %get3A_214 : vector<1x128x128xf32> to vector<128x128xf32>
        %lt3A_216 = vector.broadcast %scan3A_90 : vector<128x1xf32> to vector<128x128xf32>
        %lt3A_217 = arith.cmpf olt, %get3A_215, %lt3A_216 : vector<128x128xf32>
        %and3A_218 = vector.broadcast %lt3A_205 : i1 to vector<128x128xi1>
        %and3A_219 = arith.andi %lt3A_217, %and3A_218 : vector<128x128xi1>
        %broadcast_in_dim3A_220 = vector.broadcast %cond3A : f32 to vector<128x128xf32>
        %select_n3A_221 = arith.select %and3A_219, %get3A_215, %broadcast_in_dim3A_220 : vector<128x128xi1>, vector<128x128xf32>
        %reduce_max3A_222 = arith.constant dense<0xFF800000> : vector<128xf32>
        %reduce_max3A_223 = vector.multi_reduction <maximumf>, %select_n3A_221, %reduce_max3A_222 [1] : vector<128x128xf32> to vector<128xf32>
        %broadcast_in_dim3A_224 = vector.shape_cast %reduce_max3A_223 : vector<128xf32> to vector<128x1xf32>
        %eq3A_225 = vector.broadcast %broadcast_in_dim3A_224 : vector<128x1xf32> to vector<128x128xf32>
        %eq3A_226 = arith.cmpf oeq, %select_n3A_221, %eq3A_225 : vector<128x128xf32>
        %jit3A_227 = arith.constant 1.07374182E+9 : f32
        %broadcast_in_dim3A_228 = vector.broadcast %jit3A_227 : f32 to vector<128x128xf32>
        %select_n3A_229 = arith.select %eq3A_226, %add3A_210, %broadcast_in_dim3A_228 : vector<128x128xi1>, vector<128x128xf32>
        %reduce_min3A_230 = arith.constant dense<0x7F800000> : vector<128xf32>
        %reduce_min3A_231 = vector.multi_reduction <minimumf>, %select_n3A_229, %reduce_min3A_230 [1] : vector<128x128xf32> to vector<128xf32>
        %broadcast_in_dim3A_232 = vector.shape_cast %reduce_min3A_231 : vector<128xf32> to vector<128x1xf32>
        %gt3A_233 = arith.cmpf ogt, %broadcast_in_dim3A_224, %select_n3A_197 : vector<128x1xf32>
        %select_n3A_234 = arith.select %gt3A_233, %broadcast_in_dim3A_224, %select_n3A_197 : vector<128x1xi1>, vector<128x1xf32>
        %select_n3A_235 = arith.select %gt3A_233, %broadcast_in_dim3A_232, %select_n3A_198 : vector<128x1xi1>, vector<128x1xf32>
        %convert_element_type3A_236 = arith.sitofp %scan3A_89 : i32 to f32
        %eq3A_237 = vector.broadcast %convert_element_type3A_236 : f32 to vector<128x64xf32>
        %eq3A_238 = arith.cmpf oeq, %convert_element_type3A_37, %eq3A_237 : vector<128x64xf32>
        %broadcast_in_dim3A_239 = vector.shape_cast %select_n3A_234 : vector<128x1xf32> to vector<128x1xf32>
        %broadcast_in_dim3A_240 = vector.broadcast %broadcast_in_dim3A_239 : vector<128x1xf32> to vector<128x64xf32>
        %select_n3A_241 = arith.select %eq3A_238, %broadcast_in_dim3A_240, %scan3A_91 : vector<128x64xi1>, vector<128x64xf32>
        %broadcast_in_dim3A_242 = vector.shape_cast %select_n3A_235 : vector<128x1xf32> to vector<128x1xf32>
        %broadcast_in_dim3A_243 = vector.broadcast %broadcast_in_dim3A_242 : vector<128x1xf32> to vector<128x64xf32>
        %select_n3A_244 = arith.select %eq3A_238, %broadcast_in_dim3A_243, %scan3A_92 : vector<128x64xi1>, vector<128x64xf32>
        scf.yield %select_n3A_234, %select_n3A_241, %select_n3A_244 : vector<128x1xf32>, vector<128x64xf32>, vector<128x64xf32>
      }
      %scan3A_88 = arith.constant 63 : i32
      scf.yield %scan3A_87#1, %scan3A_87#2 : vector<128x64xf32>, vector<128x64xf32>
    } else {
      %scan3A = arith.constant 1 : i32
      %scan3A_84 = arith.constant 63 : i32
      %scan3A_85 = arith.addi %scan3A, %scan3A_84 : i32
      %scan3A_86 = arith.constant 1 : i32
      %scan3A_87:3 = scf.for %scan3A_89 = %scan3A to %scan3A_85 step %scan3A_86 iter_args(%scan3A_90 = %while3A_35#0, %scan3A_91 = %select_n3A, %scan3A_92 = %select_n3A_50) -> (vector<128x1xf32>, vector<128x64xf32>, vector<128x64xf32>)  : i32 {
        %while3A_93 = arith.subi %get3A_2, %get3A_0 : i32
        %while3A_94 = arith.addi %get3A_0, %while3A_93 : i32
        %while3A_95 = arith.constant 1 : i32
        %while3A_96 = arith.divsi %while3A_93, %while3A_95 : i32
        %while3A_97 = arith.muli %while3A_96, %while3A_95 : i32
        %while3A_98 = arith.addi %get3A_0, %while3A_97 : i32
        %while3A_99 = arith.constant 1 : i32
        %while3A_100:2 = scf.for %while3A_112 = %get3A_0 to %while3A_98 step %while3A_99 iter_args(%while3A_113 = %broadcast_in_dim3A_23, %while3A_114 = %broadcast_in_dim3A_25) -> (vector<128x1xf32>, vector<128x1xf32>)  : i32 {
          %convert_element_type3A_115 = arith.sitofp %while3A_112 : i32 to f32
          %mul3A_116 = arith.constant 1.280000e+02 : f32
          %mul3A_117 = arith.mulf %convert_element_type3A_115, %mul3A_116 : f32
          %add3A_118 = vector.broadcast %mul3A_117 : f32 to vector<128x128xf32>
          %add3A_119 = arith.addf %convert_element_type3A_22, %add3A_118 : vector<128x128xf32>
          %get3A_120 = arith.index_cast %while3A_112 : i32 to index
          %get3A_121 = arith.constant 0 : index
          %get3A_122 = arith.constant 0 : index
          %get3A_123 = vector.load %arg10[%get3A_120, %get3A_121, %get3A_122] : memref<32x128x128xf32, #tpu.memory_space<vmem>>, vector<1x128x128xf32>
          %get3A_124 = vector.shape_cast %get3A_123 : vector<1x128x128xf32> to vector<128x128xf32>
          %lt3A = vector.broadcast %scan3A_90 : vector<128x1xf32> to vector<128x128xf32>
          %lt3A_125 = arith.cmpf olt, %get3A_124, %lt3A : vector<128x128xf32>
          %get3A_126 = arith.index_cast %while3A_112 : i32 to index
          %get3A_127 = arith.constant 0 : index
          %get3A_128 = arith.constant 0 : index
          %get3A_129 = vector.load %arg10[%get3A_126, %get3A_127, %get3A_128] : memref<32x128x128xf32, #tpu.memory_space<vmem>>, vector<1x128x128xf32>
          %get3A_130 = vector.shape_cast %get3A_129 : vector<1x128x128xf32> to vector<128x128xf32>
          %broadcast_in_dim3A_131 = vector.broadcast %cond3A : f32 to vector<128x128xf32>
          %select_n3A_132 = arith.select %lt3A_125, %get3A_130, %broadcast_in_dim3A_131 : vector<128x128xi1>, vector<128x128xf32>
          %reduce_max3A = arith.constant dense<0xFF800000> : vector<128xf32>
          %reduce_max3A_133 = vector.multi_reduction <maximumf>, %select_n3A_132, %reduce_max3A [1] : vector<128x128xf32> to vector<128xf32>
          %broadcast_in_dim3A_134 = vector.shape_cast %reduce_max3A_133 : vector<128xf32> to vector<128x1xf32>
          %eq3A_135 = vector.broadcast %broadcast_in_dim3A_134 : vector<128x1xf32> to vector<128x128xf32>
          %eq3A_136 = arith.cmpf oeq, %select_n3A_132, %eq3A_135 : vector<128x128xf32>
          %jit3A_137 = arith.constant 1.07374182E+9 : f32
          %broadcast_in_dim3A_138 = vector.broadcast %jit3A_137 : f32 to vector<128x128xf32>
          %select_n3A_139 = arith.select %eq3A_136, %add3A_119, %broadcast_in_dim3A_138 : vector<128x128xi1>, vector<128x128xf32>
          %reduce_min3A = arith.constant dense<0x7F800000> : vector<128xf32>
          %reduce_min3A_140 = vector.multi_reduction <minimumf>, %select_n3A_139, %reduce_min3A [1] : vector<128x128xf32> to vector<128xf32>
          %broadcast_in_dim3A_141 = vector.shape_cast %reduce_min3A_140 : vector<128xf32> to vector<128x1xf32>
          %gt3A_142 = arith.cmpf ogt, %broadcast_in_dim3A_134, %while3A_113 : vector<128x1xf32>
          %select_n3A_143 = arith.select %gt3A_142, %broadcast_in_dim3A_134, %while3A_113 : vector<128x1xi1>, vector<128x1xf32>
          %select_n3A_144 = arith.select %gt3A_142, %broadcast_in_dim3A_141, %while3A_114 : vector<128x1xi1>, vector<128x1xf32>
          scf.yield %select_n3A_143, %select_n3A_144 : vector<128x1xf32>, vector<128x1xf32>
        }
        %while3A_101 = arith.constant 1 : i32
        %while3A_102:2 = scf.for %while3A_112 = %while3A_98 to %while3A_94 step %while3A_101 iter_args(%while3A_113 = %while3A_100#0, %while3A_114 = %while3A_100#1) -> (vector<128x1xf32>, vector<128x1xf32>)  : i32 {
          %convert_element_type3A_115 = arith.sitofp %while3A_112 : i32 to f32
          %mul3A_116 = arith.constant 1.280000e+02 : f32
          %mul3A_117 = arith.mulf %convert_element_type3A_115, %mul3A_116 : f32
          %add3A_118 = vector.broadcast %mul3A_117 : f32 to vector<128x128xf32>
          %add3A_119 = arith.addf %convert_element_type3A_22, %add3A_118 : vector<128x128xf32>
          %get3A_120 = arith.index_cast %while3A_112 : i32 to index
          %get3A_121 = arith.constant 0 : index
          %get3A_122 = arith.constant 0 : index
          %get3A_123 = vector.load %arg10[%get3A_120, %get3A_121, %get3A_122] : memref<32x128x128xf32, #tpu.memory_space<vmem>>, vector<1x128x128xf32>
          %get3A_124 = vector.shape_cast %get3A_123 : vector<1x128x128xf32> to vector<128x128xf32>
          %lt3A = vector.broadcast %scan3A_90 : vector<128x1xf32> to vector<128x128xf32>
          %lt3A_125 = arith.cmpf olt, %get3A_124, %lt3A : vector<128x128xf32>
          %get3A_126 = arith.index_cast %while3A_112 : i32 to index
          %get3A_127 = arith.constant 0 : index
          %get3A_128 = arith.constant 0 : index
          %get3A_129 = vector.load %arg10[%get3A_126, %get3A_127, %get3A_128] : memref<32x128x128xf32, #tpu.memory_space<vmem>>, vector<1x128x128xf32>
          %get3A_130 = vector.shape_cast %get3A_129 : vector<1x128x128xf32> to vector<128x128xf32>
          %broadcast_in_dim3A_131 = vector.broadcast %cond3A : f32 to vector<128x128xf32>
          %select_n3A_132 = arith.select %lt3A_125, %get3A_130, %broadcast_in_dim3A_131 : vector<128x128xi1>, vector<128x128xf32>
          %reduce_max3A = arith.constant dense<0xFF800000> : vector<128xf32>
          %reduce_max3A_133 = vector.multi_reduction <maximumf>, %select_n3A_132, %reduce_max3A [1] : vector<128x128xf32> to vector<128xf32>
          %broadcast_in_dim3A_134 = vector.shape_cast %reduce_max3A_133 : vector<128xf32> to vector<128x1xf32>
          %eq3A_135 = vector.broadcast %broadcast_in_dim3A_134 : vector<128x1xf32> to vector<128x128xf32>
          %eq3A_136 = arith.cmpf oeq, %select_n3A_132, %eq3A_135 : vector<128x128xf32>
          %jit3A_137 = arith.constant 1.07374182E+9 : f32
          %broadcast_in_dim3A_138 = vector.broadcast %jit3A_137 : f32 to vector<128x128xf32>
          %select_n3A_139 = arith.select %eq3A_136, %add3A_119, %broadcast_in_dim3A_138 : vector<128x128xi1>, vector<128x128xf32>
          %reduce_min3A = arith.constant dense<0x7F800000> : vector<128xf32>
          %reduce_min3A_140 = vector.multi_reduction <minimumf>, %select_n3A_139, %reduce_min3A [1] : vector<128x128xf32> to vector<128xf32>
          %broadcast_in_dim3A_141 = vector.shape_cast %reduce_min3A_140 : vector<128xf32> to vector<128x1xf32>
          %gt3A_142 = arith.cmpf ogt, %broadcast_in_dim3A_134, %while3A_113 : vector<128x1xf32>
          %select_n3A_143 = arith.select %gt3A_142, %broadcast_in_dim3A_134, %while3A_113 : vector<128x1xi1>, vector<128x1xf32>
          %select_n3A_144 = arith.select %gt3A_142, %broadcast_in_dim3A_141, %while3A_114 : vector<128x1xi1>, vector<128x1xf32>
          scf.yield %select_n3A_143, %select_n3A_144 : vector<128x1xf32>, vector<128x1xf32>
        }
        %convert_element_type3A_103 = arith.sitofp %scan3A_89 : i32 to f32
        %eq3A_104 = vector.broadcast %convert_element_type3A_103 : f32 to vector<128x64xf32>
        %eq3A_105 = arith.cmpf oeq, %convert_element_type3A_37, %eq3A_104 : vector<128x64xf32>
        %broadcast_in_dim3A_106 = vector.shape_cast %while3A_102#0 : vector<128x1xf32> to vector<128x1xf32>
        %broadcast_in_dim3A_107 = vector.broadcast %broadcast_in_dim3A_106 : vector<128x1xf32> to vector<128x64xf32>
        %select_n3A_108 = arith.select %eq3A_105, %broadcast_in_dim3A_107, %scan3A_91 : vector<128x64xi1>, vector<128x64xf32>
        %broadcast_in_dim3A_109 = vector.shape_cast %while3A_102#1 : vector<128x1xf32> to vector<128x1xf32>
        %broadcast_in_dim3A_110 = vector.broadcast %broadcast_in_dim3A_109 : vector<128x1xf32> to vector<128x64xf32>
        %select_n3A_111 = arith.select %eq3A_105, %broadcast_in_dim3A_110, %scan3A_92 : vector<128x64xi1>, vector<128x64xf32>
        scf.yield %while3A_102#0, %select_n3A_108, %select_n3A_111 : vector<128x1xf32>, vector<128x64xf32>, vector<128x64xf32>
      }
      %scan3A_88 = arith.constant 63 : i32
      scf.yield %scan3A_87#1, %scan3A_87#2 : vector<128x64xf32>, vector<128x64xf32>
    }
    %gt3A = arith.constant -1.000000e+08 : f32
    %gt3A_56 = vector.broadcast %gt3A : f32 to vector<128x64xf32>
    %gt3A_57 = arith.cmpf ogt, %cond3A_55#0, %gt3A_56 : vector<128x64xf32>
    %neg3A = arith.constant 0.000000e+00 : f32
    %neg3A_58 = vector.broadcast %neg3A : f32 to vector<128x64xf32>
    %neg3A_59 = arith.subf %neg3A_58, %cond3A_55#0 : vector<128x64xf32>
    %jit3A_60 = arith.constant 1.000000e+01 : f32
    %broadcast_in_dim3A_61 = vector.broadcast %jit3A_60 : f32 to vector<128x64xf32>
    %select_n3A_62 = arith.select %gt3A_57, %neg3A_59, %broadcast_in_dim3A_61 : vector<128x64xi1>, vector<128x64xf32>
    %swap3A = arith.constant 0 : index
    %swap3A_63 = arith.constant 0 : index
    %swap3A_64 = vector.load %arg8[%swap3A, %swap3A_63] : memref<128x64xf32, #tpu.memory_space<vmem>>, vector<128x64xf32>
    tpu.vector_store %arg8[%swap3A, %swap3A_63], %select_n3A_62 {strides = array<i32>} : memref<128x64xf32, #tpu.memory_space<vmem>>, vector<128x64xf32>,
    %mul3A_65 = arith.constant 0.314159274 : f32
    %mul3A_66 = vector.broadcast %mul3A_65 : f32 to vector<128x64xf32>
    %mul3A_67 = arith.mulf %select_n3A_62, %mul3A_66 : vector<128x64xf32>
    %cos3A = math.cos %mul3A_67 : vector<128x64xf32>
    %add3A_68 = arith.constant 1.000000e+00 : f32
    %add3A_69 = vector.broadcast %add3A_68 : f32 to vector<128x64xf32>
    %add3A_70 = arith.addf %cos3A, %add3A_69 : vector<128x64xf32>
    %mul3A_71 = arith.constant 5.000000e-01 : f32
    %mul3A_72 = vector.broadcast %mul3A_71 : f32 to vector<128x64xf32>
    %mul3A_73 = arith.mulf %mul3A_72, %add3A_70 : vector<128x64xf32>
    %convert_element_type3A_74 = arith.extui %gt3A_57 : vector<128x64xi1> to vector<128x64xi32>
    %convert_element_type3A_75 = arith.sitofp %convert_element_type3A_74 : vector<128x64xi32> to vector<128x64xf32>
    %mul3A_76 = arith.mulf %mul3A_73, %convert_element_type3A_75 : vector<128x64xf32>
    %swap3A_77 = arith.constant 0 : index
    %swap3A_78 = arith.constant 0 : index
    %swap3A_79 = vector.load %arg9[%swap3A_77, %swap3A_78] : memref<128x64xf32, #tpu.memory_space<vmem>>, vector<128x64xf32>
    tpu.vector_store %arg9[%swap3A_77, %swap3A_78], %mul3A_76 {strides = array<i32>} : memref<128x64xf32, #tpu.memory_space<vmem>>, vector<128x64xf32>,
    %convert_element_type3A_80 = arith.fptosi %cond3A_55#1 : vector<128x64xf32> to vector<128x64xi32>
    %swap3A_81 = arith.constant 0 : index
    %swap3A_82 = arith.constant 0 : index
    %swap3A_83 = vector.load %arg7[%swap3A_81, %swap3A_82] : memref<128x64xi32, #tpu.memory_space<vmem>>, vector<128x64xi32>
    tpu.vector_store %arg7[%swap3A_81, %swap3A_82], %convert_element_type3A_80 {strides = array<i32>} : memref<128x64xi32, #tpu.memory_space<vmem>>, vector<128x64xi32>,
    return
  }
  func.func @transform_0(%arg0: i32, %arg1: memref<32xi32, #tpu.memory_space<smem>>, %arg2: memref<32xi32, #tpu.memory_space<smem>>) -> (i32, i32) {
    %c0_i32 = arith.constant 0 : i32
    %c0_i32_0 = arith.constant 0 : i32
    return %arg0, %c0_i32 : i32, i32
  }
  func.func @transform_1(%arg0: i32, %arg1: memref<32xi32, #tpu.memory_space<smem>>, %arg2: memref<32xi32, #tpu.memory_space<smem>>) -> (i32, i32) {
    %c0_i32 = arith.constant 0 : i32
    %c0_i32_0 = arith.constant 0 : i32
    return %arg0, %c0_i32 : i32, i32
  }
  func.func @transform_2(%arg0: i32, %arg1: memref<32xi32, #tpu.memory_space<smem>>, %arg2: memref<32xi32, #tpu.memory_space<smem>>) -> (i32, i32) {
    %c0_i32 = arith.constant 0 : i32
    %c0_i32_0 = arith.constant 0 : i32
    return %arg0, %c0_i32 : i32, i32
  }
  func.func @transform_3(%arg0: i32, %arg1: memref<32xi32, #tpu.memory_space<smem>>, %arg2: memref<32xi32, #tpu.memory_space<smem>>) -> (i32, i32, i32) {
    %c0_i32 = arith.constant 0 : i32
    %c0_i32_0 = arith.constant 0 : i32
    %c0_i32_1 = arith.constant 0 : i32
    %c0_i32_2 = arith.constant 0 : i32
    return %c0_i32, %c0_i32_0, %c0_i32_1 : i32, i32, i32
  }
  func.func @transform_4(%arg0: i32, %arg1: memref<32xi32, #tpu.memory_space<smem>>, %arg2: memref<32xi32, #tpu.memory_space<smem>>) -> (i32, i32) {
    %c0_i32 = arith.constant 0 : i32
    %c0_i32_0 = arith.constant 0 : i32
    return %arg0, %c0_i32 : i32, i32
  }
  func.func @transform_5(%arg0: i32, %arg1: memref<32xi32, #tpu.memory_space<smem>>, %arg2: memref<32xi32, #tpu.memory_space<smem>>) -> (i32, i32) {
    %c0_i32 = arith.constant 0 : i32
    %c0_i32_0 = arith.constant 0 : i32
    return %arg0, %c0_i32 : i32, i32
  }
  func.func @transform_6(%arg0: i32, %arg1: memref<32xi32, #tpu.memory_space<smem>>, %arg2: memref<32xi32, #tpu.memory_space<smem>>) -> (i32, i32) {
    %c0_i32 = arith.constant 0 : i32
    %c0_i32_0 = arith.constant 0 : i32
    return %arg0, %c0_i32 : i32, i32
  }
}

module attributes {stable_mosaic.version = 14 : i64} {
  func.func @_init_kernel(%arg0: memref<4096x1xf32, #tpu.memory_space<vmem>>, %arg1: memref<128x128xf32, #tpu.memory_space<vmem>>, %arg2: memref<128x128xf32, #tpu.memory_space<vmem>>, %arg3: memref<4096x128xf32, #tpu.memory_space<vmem>>, %arg4: memref<4096x128xf32, #tpu.memory_space<vmem>>) attributes {dimension_semantics = [], scalar_prefetch = 0 : i64, scratch_operands = 0 : i64, tpu.core_type = #tpu.core_type<tc>} {
    %get3A = arith.constant 0 : index
    %get3A_0 = arith.constant 0 : index
    %get3A_1 = vector.load %arg0[%get3A, %get3A_0] : memref<4096x1xf32, #tpu.memory_space<vmem>>, vector<4096x1xf32>
    %iota3A = tpu.iota {dimensions = array<i32: 1>} : vector<4096x128xi32>
    %convert_element_type3A = arith.sitofp %iota3A : vector<4096x128xi32> to vector<4096x128xf32>
    %eq3A = vector.broadcast %get3A_1 : vector<4096x1xf32> to vector<4096x128xf32>
    %eq3A_2 = arith.cmpf oeq, %convert_element_type3A, %eq3A : vector<4096x128xf32>
    %convert_element_type3A_3 = arith.extui %eq3A_2 : vector<4096x128xi1> to vector<4096x128xi32>
    %convert_element_type3A_4 = arith.sitofp %convert_element_type3A_3 : vector<4096x128xi32> to vector<4096x128xf32>
    %get3A_5 = arith.constant 0 : index
    %get3A_6 = arith.constant 0 : index
    %get3A_7 = vector.load %arg1[%get3A_5, %get3A_6] : memref<128x128xf32, #tpu.memory_space<vmem>>, vector<128x128xf32>
    %dot_general3A = arith.constant dense<0.000000e+00> : vector<4096x128xf32>
    %dot_general3A_8 = tpu.matmul %convert_element_type3A_4, %get3A_7, %dot_general3A {dimension_numbers = #tpu.dot_dimension_numbers<[1], [0], [0], [1], [0, 0, 1, 1], [], []>, transpose_lhs_hint = false} : vector<4096x128xf32>, vector<128x128xf32>, vector<4096x128xf32> -> vector<4096x128xf32>
    %swap3A = arith.constant 0 : index
    %swap3A_9 = arith.constant 0 : index
    %swap3A_10 = vector.load %arg3[%swap3A, %swap3A_9] : memref<4096x128xf32, #tpu.memory_space<vmem>>, vector<4096x128xf32>
    tpu.vector_store %arg3[%swap3A, %swap3A_9], %dot_general3A_8 {strides = array<i32>} : memref<4096x128xf32, #tpu.memory_space<vmem>>, vector<4096x128xf32>,
    %get3A_11 = arith.constant 0 : index
    %get3A_12 = arith.constant 0 : index
    %get3A_13 = vector.load %arg2[%get3A_11, %get3A_12] : memref<128x128xf32, #tpu.memory_space<vmem>>, vector<128x128xf32>
    %dot_general3A_14 = arith.constant dense<0.000000e+00> : vector<4096x128xf32>
    %dot_general3A_15 = tpu.matmul %dot_general3A_8, %get3A_13, %dot_general3A_14 {dimension_numbers = #tpu.dot_dimension_numbers<[1], [0], [0], [1], [0, 0, 1, 1], [], []>, transpose_lhs_hint = false} : vector<4096x128xf32>, vector<128x128xf32>, vector<4096x128xf32> -> vector<4096x128xf32>
    %swap3A_16 = arith.constant 0 : index
    %swap3A_17 = arith.constant 0 : index
    %swap3A_18 = vector.load %arg4[%swap3A_16, %swap3A_17] : memref<4096x128xf32, #tpu.memory_space<vmem>>, vector<4096x128xf32>
    tpu.vector_store %arg4[%swap3A_16, %swap3A_17], %dot_general3A_15 {strides = array<i32>} : memref<4096x128xf32, #tpu.memory_space<vmem>>, vector<4096x128xf32>,
    return
  }
}

module attributes {stable_mosaic.version = 14 : i64} {
  func.func @_layer_kernel(%arg0: i32, %arg1: memref<8192x1xf32, #tpu.memory_space<vmem>>, %arg2: memref<8192x1xf32, #tpu.memory_space<vmem>>, %arg3: memref<8192x128xf32, #tpu.memory_space<vmem>>, %arg4: memref<128x128xf32, #tpu.memory_space<vmem>>, %arg5: memref<1x64xf32, #tpu.memory_space<vmem>>, %arg6: memref<64x128xf32, #tpu.memory_space<vmem>>, %arg7: memref<1x128xf32, #tpu.memory_space<vmem>>, %arg8: memref<128x128xf32, #tpu.memory_space<vmem>>, %arg9: memref<1x128xf32, #tpu.memory_space<vmem>>, %arg10: memref<128x128xf32, #tpu.memory_space<vmem>>, %arg11: memref<1x128xf32, #tpu.memory_space<vmem>>, %arg12: memref<128x128xf32, #tpu.memory_space<vmem>>, %arg13: memref<1x128xf32, #tpu.memory_space<vmem>>, %arg14: memref<128x128xf32, #tpu.memory_space<vmem>>, %arg15: memref<128x128xf32, #tpu.memory_space<vmem>>, %arg16: memref<128x128xf32, #tpu.memory_space<vmem>>) attributes {dimension_semantics = [#tpu.dimension_semantics<arbitrary>], iteration_bounds = array<i64: 32>, scalar_prefetch = 0 : i64, scratch_operands = 0 : i64, tpu.core_type = #tpu.core_type<tc>, window_params = [{transform_indices = @transform_0, window_bounds = array<i64: 8192, 1>}, {transform_indices = @transform_1, window_bounds = array<i64: 8192, 1>}, {transform_indices = @transform_2, window_bounds = array<i64: 8192, 128>}, {transform_indices = @transform_3, window_bounds = array<i64: 128, 128>}, {pipeline_mode = #tpu.pipeline_mode<synchronous>, transform_indices = @transform_4, window_bounds = array<i64: 1, 64>}, {pipeline_mode = #tpu.pipeline_mode<synchronous>, transform_indices = @transform_5, window_bounds = array<i64: 64, 128>}, {pipeline_mode = #tpu.pipeline_mode<synchronous>, transform_indices = @transform_6, window_bounds = array<i64: 1, 128>}, {pipeline_mode = #tpu.pipeline_mode<synchronous>, transform_indices = @transform_7, window_bounds = array<i64: 128, 128>}, {pipeline_mode = #tpu.pipeline_mode<synchronous>, transform_indices = @transform_8, window_bounds = array<i64: 1, 128>}, {pipeline_mode = #tpu.pipeline_mode<synchronous>, transform_indices = @transform_9, window_bounds = array<i64: 128, 128>}, {pipeline_mode = #tpu.pipeline_mode<synchronous>, transform_indices = @transform_10, window_bounds = array<i64: 1, 128>}, {pipeline_mode = #tpu.pipeline_mode<synchronous>, transform_indices = @transform_11, window_bounds = array<i64: 128, 128>}, {pipeline_mode = #tpu.pipeline_mode<synchronous>, transform_indices = @transform_12, window_bounds = array<i64: 1, 128>}, {pipeline_mode = #tpu.pipeline_mode<synchronous>, transform_indices = @transform_13, window_bounds = array<i64: 128, 128>}, {transform_indices = @transform_14, window_bounds = array<i64: 128, 128>}, {transform_indices = @transform_15, window_bounds = array<i64: 128, 128>}]} {
    %get3A = arith.constant 0 : index
    %get3A_0 = arith.constant 0 : index
    %get3A_1 = vector.load %arg1[%get3A, %get3A_0] : memref<8192x1xf32, #tpu.memory_space<vmem>>, vector<8192x1xf32>
    %get3A_2 = arith.constant 0 : index
    %get3A_3 = arith.constant 0 : index
    %get3A_4 = vector.load %arg2[%get3A_2, %get3A_3] : memref<8192x1xf32, #tpu.memory_space<vmem>>, vector<8192x1xf32>
    %get3A_5 = arith.constant 0 : index
    %get3A_6 = arith.constant 0 : index
    %get3A_7 = vector.load %arg5[%get3A_5, %get3A_6] : memref<1x64xf32, #tpu.memory_space<vmem>>, vector<1x64xf32>
    %sub3A = vector.broadcast %get3A_1 : vector<8192x1xf32> to vector<8192x64xf32>
    %sub3A_8 = vector.broadcast %get3A_7 : vector<1x64xf32> to vector<8192x64xf32>
    %sub3A_9 = arith.subf %sub3A, %sub3A_8 : vector<8192x64xf32>
    %mul3A = arith.constant -1.200500e+01 : f32
    %mul3A_10 = vector.broadcast %mul3A : f32 to vector<8192x64xf32>
    %mul3A_11 = arith.mulf %mul3A_10, %sub3A_9 : vector<8192x64xf32>
    %mul3A_12 = arith.mulf %mul3A_11, %sub3A_9 : vector<8192x64xf32>
    %exp3A = math.exp %mul3A_12 : vector<8192x64xf32>
    %get3A_13 = arith.constant 0 : index
    %get3A_14 = arith.constant 0 : index
    %get3A_15 = vector.load %arg6[%get3A_13, %get3A_14] : memref<64x128xf32, #tpu.memory_space<vmem>>, vector<64x128xf32>
    %dot_general3A = arith.constant dense<0.000000e+00> : vector<8192x128xf32>
    %dot_general3A_16 = tpu.matmul %exp3A, %get3A_15, %dot_general3A {dimension_numbers = #tpu.dot_dimension_numbers<[1], [0], [0], [1], [0, 0, 1, 1], [], []>, transpose_lhs_hint = false} : vector<8192x64xf32>, vector<64x128xf32>, vector<8192x128xf32> -> vector<8192x128xf32>
    %get3A_17 = arith.constant 0 : index
    %get3A_18 = arith.constant 0 : index
    %get3A_19 = vector.load %arg7[%get3A_17, %get3A_18] : memref<1x128xf32, #tpu.memory_space<vmem>>, vector<1x128xf32>
    %add3A = vector.broadcast %get3A_19 : vector<1x128xf32> to vector<8192x128xf32>
    %add3A_20 = arith.addf %dot_general3A_16, %add3A : vector<8192x128xf32>
    %max3A = arith.constant 0.000000e+00 : f32
    %max3A_21 = vector.broadcast %max3A : f32 to vector<8192x128xf32>
    %max3A_22 = arith.maximumf %add3A_20, %max3A_21 : vector<8192x128xf32>
    %abs3A = math.absf %add3A_20 : vector<8192x128xf32>
    %neg3A = arith.constant 0.000000e+00 : f32
    %neg3A_23 = vector.broadcast %neg3A : f32 to vector<8192x128xf32>
    %neg3A_24 = arith.subf %neg3A_23, %abs3A : vector<8192x128xf32>
    %exp3A_25 = math.exp %neg3A_24 : vector<8192x128xf32>
    %add3A_26 = arith.constant 1.000000e+00 : f32
    %add3A_27 = vector.broadcast %add3A_26 : f32 to vector<8192x128xf32>
    %add3A_28 = arith.addf %add3A_27, %exp3A_25 : vector<8192x128xf32>
    %log3A = math.log %add3A_28 : vector<8192x128xf32>
    %add3A_29 = arith.addf %max3A_22, %log3A : vector<8192x128xf32>
    %sub3A_30 = arith.constant 0.693147182 : f32
    %sub3A_31 = vector.broadcast %sub3A_30 : f32 to vector<8192x128xf32>
    %sub3A_32 = arith.subf %add3A_29, %sub3A_31 : vector<8192x128xf32>
    %get3A_33 = arith.constant 0 : index
    %get3A_34 = arith.constant 0 : index
    %get3A_35 = vector.load %arg8[%get3A_33, %get3A_34] : memref<128x128xf32, #tpu.memory_space<vmem>>, vector<128x128xf32>
    %dot_general3A_36 = arith.constant dense<0.000000e+00> : vector<8192x128xf32>
    %dot_general3A_37 = tpu.matmul %sub3A_32, %get3A_35, %dot_general3A_36 {dimension_numbers = #tpu.dot_dimension_numbers<[1], [0], [0], [1], [0, 0, 1, 1], [], []>, transpose_lhs_hint = false} : vector<8192x128xf32>, vector<128x128xf32>, vector<8192x128xf32> -> vector<8192x128xf32>
    %get3A_38 = arith.constant 0 : index
    %get3A_39 = arith.constant 0 : index
    %get3A_40 = vector.load %arg9[%get3A_38, %get3A_39] : memref<1x128xf32, #tpu.memory_space<vmem>>, vector<1x128xf32>
    %add3A_41 = vector.broadcast %get3A_40 : vector<1x128xf32> to vector<8192x128xf32>
    %add3A_42 = arith.addf %dot_general3A_37, %add3A_41 : vector<8192x128xf32>
    %get3A_43 = arith.constant 0 : index
    %get3A_44 = arith.constant 0 : index
    %get3A_45 = vector.load %arg3[%get3A_43, %get3A_44] : memref<8192x128xf32, #tpu.memory_space<vmem>>, vector<8192x128xf32>
    %mul3A_46 = vector.broadcast %get3A_4 : vector<8192x1xf32> to vector<8192x128xf32>
    %mul3A_47 = arith.mulf %add3A_42, %mul3A_46 : vector<8192x128xf32>
    %mul3A_48 = arith.mulf %get3A_45, %mul3A_47 : vector<8192x128xf32>
    %reshape3A = vector.shape_cast %mul3A_48 : vector<8192x128xf32> to vector<128x64x128xf32>
    %reduce_sum3A = arith.constant dense<0.000000e+00> : vector<128x128xf32>
    %reduce_sum3A_49 = vector.multi_reduction <add>, %reshape3A, %reduce_sum3A [1] : vector<128x64x128xf32> to vector<128x128xf32>
    %get3A_50 = arith.constant 0 : index
    %get3A_51 = arith.constant 0 : index
    %get3A_52 = vector.load %arg10[%get3A_50, %get3A_51] : memref<128x128xf32, #tpu.memory_space<vmem>>, vector<128x128xf32>
    %dot_general3A_53 = arith.constant dense<0.000000e+00> : vector<128x128xf32>
    %dot_general3A_54 = tpu.matmul %reduce_sum3A_49, %get3A_52, %dot_general3A_53 {dimension_numbers = #tpu.dot_dimension_numbers<[1], [0], [0], [1], [0, 0, 1, 1], [], []>, transpose_lhs_hint = false} : vector<128x128xf32>, vector<128x128xf32>, vector<128x128xf32> -> vector<128x128xf32>
    %get3A_55 = arith.constant 0 : index
    %get3A_56 = arith.constant 0 : index
    %get3A_57 = vector.load %arg11[%get3A_55, %get3A_56] : memref<1x128xf32, #tpu.memory_space<vmem>>, vector<1x128xf32>
    %add3A_58 = vector.broadcast %get3A_57 : vector<1x128xf32> to vector<128x128xf32>
    %add3A_59 = arith.addf %dot_general3A_54, %add3A_58 : vector<128x128xf32>
    %max3A_60 = arith.constant 0.000000e+00 : f32
    %max3A_61 = vector.broadcast %max3A_60 : f32 to vector<128x128xf32>
    %max3A_62 = arith.maximumf %add3A_59, %max3A_61 : vector<128x128xf32>
    %abs3A_63 = math.absf %add3A_59 : vector<128x128xf32>
    %neg3A_64 = arith.constant 0.000000e+00 : f32
    %neg3A_65 = vector.broadcast %neg3A_64 : f32 to vector<128x128xf32>
    %neg3A_66 = arith.subf %neg3A_65, %abs3A_63 : vector<128x128xf32>
    %exp3A_67 = math.exp %neg3A_66 : vector<128x128xf32>
    %add3A_68 = arith.constant 1.000000e+00 : f32
    %add3A_69 = vector.broadcast %add3A_68 : f32 to vector<128x128xf32>
    %add3A_70 = arith.addf %add3A_69, %exp3A_67 : vector<128x128xf32>
    %log3A_71 = math.log %add3A_70 : vector<128x128xf32>
    %add3A_72 = arith.addf %max3A_62, %log3A_71 : vector<128x128xf32>
    %sub3A_73 = arith.constant 0.693147182 : f32
    %sub3A_74 = vector.broadcast %sub3A_73 : f32 to vector<128x128xf32>
    %sub3A_75 = arith.subf %add3A_72, %sub3A_74 : vector<128x128xf32>
    %get3A_76 = arith.constant 0 : index
    %get3A_77 = arith.constant 0 : index
    %get3A_78 = vector.load %arg12[%get3A_76, %get3A_77] : memref<128x128xf32, #tpu.memory_space<vmem>>, vector<128x128xf32>
    %dot_general3A_79 = arith.constant dense<0.000000e+00> : vector<128x128xf32>
    %dot_general3A_80 = tpu.matmul %sub3A_75, %get3A_78, %dot_general3A_79 {dimension_numbers = #tpu.dot_dimension_numbers<[1], [0], [0], [1], [0, 0, 1, 1], [], []>, transpose_lhs_hint = false} : vector<128x128xf32>, vector<128x128xf32>, vector<128x128xf32> -> vector<128x128xf32>
    %get3A_81 = arith.constant 0 : index
    %get3A_82 = arith.constant 0 : index
    %get3A_83 = vector.load %arg13[%get3A_81, %get3A_82] : memref<1x128xf32, #tpu.memory_space<vmem>>, vector<1x128xf32>
    %add3A_84 = vector.broadcast %get3A_83 : vector<1x128xf32> to vector<128x128xf32>
    %add3A_85 = arith.addf %dot_general3A_80, %add3A_84 : vector<128x128xf32>
    %get3A_86 = arith.constant 0 : index
    %get3A_87 = arith.constant 0 : index
    %get3A_88 = vector.load %arg4[%get3A_86, %get3A_87] : memref<128x128xf32, #tpu.memory_space<vmem>>, vector<128x128xf32>
    %add3A_89 = arith.addf %get3A_88, %add3A_85 : vector<128x128xf32>
    %swap3A = arith.constant 0 : index
    %swap3A_90 = arith.constant 0 : index
    %swap3A_91 = vector.load %arg15[%swap3A, %swap3A_90] : memref<128x128xf32, #tpu.memory_space<vmem>>, vector<128x128xf32>
    tpu.vector_store %arg15[%swap3A, %swap3A_90], %add3A_89 {strides = array<i32>} : memref<128x128xf32, #tpu.memory_space<vmem>>, vector<128x128xf32>,
    %get3A_92 = arith.constant 0 : index
    %get3A_93 = arith.constant 0 : index
    %get3A_94 = vector.load %arg14[%get3A_92, %get3A_93] : memref<128x128xf32, #tpu.memory_space<vmem>>, vector<128x128xf32>
    %dot_general3A_95 = arith.constant dense<0.000000e+00> : vector<128x128xf32>
    %dot_general3A_96 = tpu.matmul %add3A_89, %get3A_94, %dot_general3A_95 {dimension_numbers = #tpu.dot_dimension_numbers<[1], [0], [0], [1], [0, 0, 1, 1], [], []>, transpose_lhs_hint = false} : vector<128x128xf32>, vector<128x128xf32>, vector<128x128xf32> -> vector<128x128xf32>
    %swap3A_97 = arith.constant 0 : index
    %swap3A_98 = arith.constant 0 : index
    %swap3A_99 = vector.load %arg16[%swap3A_97, %swap3A_98] : memref<128x128xf32, #tpu.memory_space<vmem>>, vector<128x128xf32>
    tpu.vector_store %arg16[%swap3A_97, %swap3A_98], %dot_general3A_96 {strides = array<i32>} : memref<128x128xf32, #tpu.memory_space<vmem>>, vector<128x128xf32>,
    return
  }
  func.func @transform_0(%arg0: i32) -> (i32, i32) {
    %c0_i32 = arith.constant 0 : i32
    %c0_i32_0 = arith.constant 0 : i32
    return %arg0, %c0_i32 : i32, i32
  }
  func.func @transform_1(%arg0: i32) -> (i32, i32) {
    %c0_i32 = arith.constant 0 : i32
    %c0_i32_0 = arith.constant 0 : i32
    return %arg0, %c0_i32 : i32, i32
  }
  func.func @transform_2(%arg0: i32) -> (i32, i32) {
    %c0_i32 = arith.constant 0 : i32
    %c0_i32_0 = arith.constant 0 : i32
    return %arg0, %c0_i32 : i32, i32
  }
  func.func @transform_3(%arg0: i32) -> (i32, i32) {
    %c0_i32 = arith.constant 0 : i32
    %c0_i32_0 = arith.constant 0 : i32
    return %arg0, %c0_i32 : i32, i32
  }
  func.func @transform_4(%arg0: i32) -> (i32, i32) {
    %c0_i32 = arith.constant 0 : i32
    %c0_i32_0 = arith.constant 0 : i32
    %c0_i32_1 = arith.constant 0 : i32
    return %c0_i32, %c0_i32_0 : i32, i32
  }
  func.func @transform_5(%arg0: i32) -> (i32, i32) {
    %c0_i32 = arith.constant 0 : i32
    %c0_i32_0 = arith.constant 0 : i32
    %c0_i32_1 = arith.constant 0 : i32
    return %c0_i32, %c0_i32_0 : i32, i32
  }
  func.func @transform_6(%arg0: i32) -> (i32, i32) {
    %c0_i32 = arith.constant 0 : i32
    %c0_i32_0 = arith.constant 0 : i32
    %c0_i32_1 = arith.constant 0 : i32
    return %c0_i32, %c0_i32_0 : i32, i32
  }
  func.func @transform_7(%arg0: i32) -> (i32, i32) {
    %c0_i32 = arith.constant 0 : i32
    %c0_i32_0 = arith.constant 0 : i32
    %c0_i32_1 = arith.constant 0 : i32
    return %c0_i32, %c0_i32_0 : i32, i32
  }
  func.func @transform_8(%arg0: i32) -> (i32, i32) {
    %c0_i32 = arith.constant 0 : i32
    %c0_i32_0 = arith.constant 0 : i32
    %c0_i32_1 = arith.constant 0 : i32
    return %c0_i32, %c0_i32_0 : i32, i32
  }
  func.func @transform_9(%arg0: i32) -> (i32, i32) {
    %c0_i32 = arith.constant 0 : i32
    %c0_i32_0 = arith.constant 0 : i32
    %c0_i32_1 = arith.constant 0 : i32
    return %c0_i32, %c0_i32_0 : i32, i32
  }
  func.func @transform_10(%arg0: i32) -> (i32, i32) {
    %c0_i32 = arith.constant 0 : i32
    %c0_i32_0 = arith.constant 0 : i32
    %c0_i32_1 = arith.constant 0 : i32
    return %c0_i32, %c0_i32_0 : i32, i32
  }
  func.func @transform_11(%arg0: i32) -> (i32, i32) {
    %c0_i32 = arith.constant 0 : i32
    %c0_i32_0 = arith.constant 0 : i32
    %c0_i32_1 = arith.constant 0 : i32
    return %c0_i32, %c0_i32_0 : i32, i32
  }
  func.func @transform_12(%arg0: i32) -> (i32, i32) {
    %c0_i32 = arith.constant 0 : i32
    %c0_i32_0 = arith.constant 0 : i32
    %c0_i32_1 = arith.constant 0 : i32
    return %c0_i32, %c0_i32_0 : i32, i32
  }
  func.func @transform_13(%arg0: i32) -> (i32, i32) {
    %c0_i32 = arith.constant 0 : i32
    %c0_i32_0 = arith.constant 0 : i32
    %c0_i32_1 = arith.constant 0 : i32
    return %c0_i32, %c0_i32_0 : i32, i32
  }
  func.func @transform_14(%arg0: i32) -> (i32, i32) {
    %c0_i32 = arith.constant 0 : i32
    %c0_i32_0 = arith.constant 0 : i32
    return %arg0, %c0_i32 : i32, i32
  }
  func.func @transform_15(%arg0: i32) -> (i32, i32) {
    %c0_i32 = arith.constant 0 : i32
    %c0_i32_0 = arith.constant 0 : i32
    return %arg0, %c0_i32 : i32, i32
  }
}

module attributes {stable_mosaic.version = 14 : i64} {
  func.func @_layer_kernel(%arg0: i32, %arg1: memref<8192x1xf32, #tpu.memory_space<vmem>>, %arg2: memref<8192x1xf32, #tpu.memory_space<vmem>>, %arg3: memref<8192x128xf32, #tpu.memory_space<vmem>>, %arg4: memref<128x128xf32, #tpu.memory_space<vmem>>, %arg5: memref<1x64xf32, #tpu.memory_space<vmem>>, %arg6: memref<64x128xf32, #tpu.memory_space<vmem>>, %arg7: memref<1x128xf32, #tpu.memory_space<vmem>>, %arg8: memref<128x128xf32, #tpu.memory_space<vmem>>, %arg9: memref<1x128xf32, #tpu.memory_space<vmem>>, %arg10: memref<128x128xf32, #tpu.memory_space<vmem>>, %arg11: memref<1x128xf32, #tpu.memory_space<vmem>>, %arg12: memref<128x128xf32, #tpu.memory_space<vmem>>, %arg13: memref<1x128xf32, #tpu.memory_space<vmem>>, %arg14: memref<128x128xf32, #tpu.memory_space<vmem>>, %arg15: memref<128x128xf32, #tpu.memory_space<vmem>>, %arg16: memref<128x128xf32, #tpu.memory_space<vmem>>) attributes {dimension_semantics = [#tpu.dimension_semantics<arbitrary>], iteration_bounds = array<i64: 32>, scalar_prefetch = 0 : i64, scratch_operands = 0 : i64, tpu.core_type = #tpu.core_type<tc>, window_params = [{transform_indices = @transform_0, window_bounds = array<i64: 8192, 1>}, {transform_indices = @transform_1, window_bounds = array<i64: 8192, 1>}, {transform_indices = @transform_2, window_bounds = array<i64: 8192, 128>}, {transform_indices = @transform_3, window_bounds = array<i64: 128, 128>}, {pipeline_mode = #tpu.pipeline_mode<synchronous>, transform_indices = @transform_4, window_bounds = array<i64: 1, 64>}, {pipeline_mode = #tpu.pipeline_mode<synchronous>, transform_indices = @transform_5, window_bounds = array<i64: 64, 128>}, {pipeline_mode = #tpu.pipeline_mode<synchronous>, transform_indices = @transform_6, window_bounds = array<i64: 1, 128>}, {pipeline_mode = #tpu.pipeline_mode<synchronous>, transform_indices = @transform_7, window_bounds = array<i64: 128, 128>}, {pipeline_mode = #tpu.pipeline_mode<synchronous>, transform_indices = @transform_8, window_bounds = array<i64: 1, 128>}, {pipeline_mode = #tpu.pipeline_mode<synchronous>, transform_indices = @transform_9, window_bounds = array<i64: 128, 128>}, {pipeline_mode = #tpu.pipeline_mode<synchronous>, transform_indices = @transform_10, window_bounds = array<i64: 1, 128>}, {pipeline_mode = #tpu.pipeline_mode<synchronous>, transform_indices = @transform_11, window_bounds = array<i64: 128, 128>}, {pipeline_mode = #tpu.pipeline_mode<synchronous>, transform_indices = @transform_12, window_bounds = array<i64: 1, 128>}, {pipeline_mode = #tpu.pipeline_mode<synchronous>, transform_indices = @transform_13, window_bounds = array<i64: 128, 128>}, {transform_indices = @transform_14, window_bounds = array<i64: 128, 128>}, {transform_indices = @transform_15, window_bounds = array<i64: 128, 128>}]} {
    %get3A = arith.constant 0 : index
    %get3A_0 = arith.constant 0 : index
    %get3A_1 = vector.load %arg1[%get3A, %get3A_0] : memref<8192x1xf32, #tpu.memory_space<vmem>>, vector<8192x1xf32>
    %get3A_2 = arith.constant 0 : index
    %get3A_3 = arith.constant 0 : index
    %get3A_4 = vector.load %arg2[%get3A_2, %get3A_3] : memref<8192x1xf32, #tpu.memory_space<vmem>>, vector<8192x1xf32>
    %get3A_5 = arith.constant 0 : index
    %get3A_6 = arith.constant 0 : index
    %get3A_7 = vector.load %arg5[%get3A_5, %get3A_6] : memref<1x64xf32, #tpu.memory_space<vmem>>, vector<1x64xf32>
    %sub3A = vector.broadcast %get3A_1 : vector<8192x1xf32> to vector<8192x64xf32>
    %sub3A_8 = vector.broadcast %get3A_7 : vector<1x64xf32> to vector<8192x64xf32>
    %sub3A_9 = arith.subf %sub3A, %sub3A_8 : vector<8192x64xf32>
    %mul3A = arith.constant -1.200500e+01 : f32
    %mul3A_10 = vector.broadcast %mul3A : f32 to vector<8192x64xf32>
    %mul3A_11 = arith.mulf %mul3A_10, %sub3A_9 : vector<8192x64xf32>
    %mul3A_12 = arith.mulf %mul3A_11, %sub3A_9 : vector<8192x64xf32>
    %exp3A = math.exp %mul3A_12 : vector<8192x64xf32>
    %get3A_13 = arith.constant 0 : index
    %get3A_14 = arith.constant 0 : index
    %get3A_15 = vector.load %arg6[%get3A_13, %get3A_14] : memref<64x128xf32, #tpu.memory_space<vmem>>, vector<64x128xf32>
    %dot_general3A = arith.constant dense<0.000000e+00> : vector<8192x128xf32>
    %dot_general3A_16 = tpu.matmul %exp3A, %get3A_15, %dot_general3A {dimension_numbers = #tpu.dot_dimension_numbers<[1], [0], [0], [1], [0, 0, 1, 1], [], []>, transpose_lhs_hint = false} : vector<8192x64xf32>, vector<64x128xf32>, vector<8192x128xf32> -> vector<8192x128xf32>
    %get3A_17 = arith.constant 0 : index
    %get3A_18 = arith.constant 0 : index
    %get3A_19 = vector.load %arg7[%get3A_17, %get3A_18] : memref<1x128xf32, #tpu.memory_space<vmem>>, vector<1x128xf32>
    %add3A = vector.broadcast %get3A_19 : vector<1x128xf32> to vector<8192x128xf32>
    %add3A_20 = arith.addf %dot_general3A_16, %add3A : vector<8192x128xf32>
    %max3A = arith.constant 0.000000e+00 : f32
    %max3A_21 = vector.broadcast %max3A : f32 to vector<8192x128xf32>
    %max3A_22 = arith.maximumf %add3A_20, %max3A_21 : vector<8192x128xf32>
    %abs3A = math.absf %add3A_20 : vector<8192x128xf32>
    %neg3A = arith.constant 0.000000e+00 : f32
    %neg3A_23 = vector.broadcast %neg3A : f32 to vector<8192x128xf32>
    %neg3A_24 = arith.subf %neg3A_23, %abs3A : vector<8192x128xf32>
    %exp3A_25 = math.exp %neg3A_24 : vector<8192x128xf32>
    %add3A_26 = arith.constant 1.000000e+00 : f32
    %add3A_27 = vector.broadcast %add3A_26 : f32 to vector<8192x128xf32>
    %add3A_28 = arith.addf %add3A_27, %exp3A_25 : vector<8192x128xf32>
    %log3A = math.log %add3A_28 : vector<8192x128xf32>
    %add3A_29 = arith.addf %max3A_22, %log3A : vector<8192x128xf32>
    %sub3A_30 = arith.constant 0.693147182 : f32
    %sub3A_31 = vector.broadcast %sub3A_30 : f32 to vector<8192x128xf32>
    %sub3A_32 = arith.subf %add3A_29, %sub3A_31 : vector<8192x128xf32>
    %get3A_33 = arith.constant 0 : index
    %get3A_34 = arith.constant 0 : index
    %get3A_35 = vector.load %arg8[%get3A_33, %get3A_34] : memref<128x128xf32, #tpu.memory_space<vmem>>, vector<128x128xf32>
    %dot_general3A_36 = arith.constant dense<0.000000e+00> : vector<8192x128xf32>
    %dot_general3A_37 = tpu.matmul %sub3A_32, %get3A_35, %dot_general3A_36 {dimension_numbers = #tpu.dot_dimension_numbers<[1], [0], [0], [1], [0, 0, 1, 1], [], []>, transpose_lhs_hint = false} : vector<8192x128xf32>, vector<128x128xf32>, vector<8192x128xf32> -> vector<8192x128xf32>
    %get3A_38 = arith.constant 0 : index
    %get3A_39 = arith.constant 0 : index
    %get3A_40 = vector.load %arg9[%get3A_38, %get3A_39] : memref<1x128xf32, #tpu.memory_space<vmem>>, vector<1x128xf32>
    %add3A_41 = vector.broadcast %get3A_40 : vector<1x128xf32> to vector<8192x128xf32>
    %add3A_42 = arith.addf %dot_general3A_37, %add3A_41 : vector<8192x128xf32>
    %get3A_43 = arith.constant 0 : index
    %get3A_44 = arith.constant 0 : index
    %get3A_45 = vector.load %arg3[%get3A_43, %get3A_44] : memref<8192x128xf32, #tpu.memory_space<vmem>>, vector<8192x128xf32>
    %mul3A_46 = vector.broadcast %get3A_4 : vector<8192x1xf32> to vector<8192x128xf32>
    %mul3A_47 = arith.mulf %add3A_42, %mul3A_46 : vector<8192x128xf32>
    %mul3A_48 = arith.mulf %get3A_45, %mul3A_47 : vector<8192x128xf32>
    %reshape3A = vector.shape_cast %mul3A_48 : vector<8192x128xf32> to vector<128x64x128xf32>
    %reduce_sum3A = arith.constant dense<0.000000e+00> : vector<128x128xf32>
    %reduce_sum3A_49 = vector.multi_reduction <add>, %reshape3A, %reduce_sum3A [1] : vector<128x64x128xf32> to vector<128x128xf32>
    %get3A_50 = arith.constant 0 : index
    %get3A_51 = arith.constant 0 : index
    %get3A_52 = vector.load %arg10[%get3A_50, %get3A_51] : memref<128x128xf32, #tpu.memory_space<vmem>>, vector<128x128xf32>
    %dot_general3A_53 = arith.constant dense<0.000000e+00> : vector<128x128xf32>
    %dot_general3A_54 = tpu.matmul %reduce_sum3A_49, %get3A_52, %dot_general3A_53 {dimension_numbers = #tpu.dot_dimension_numbers<[1], [0], [0], [1], [0, 0, 1, 1], [], []>, transpose_lhs_hint = false} : vector<128x128xf32>, vector<128x128xf32>, vector<128x128xf32> -> vector<128x128xf32>
    %get3A_55 = arith.constant 0 : index
    %get3A_56 = arith.constant 0 : index
    %get3A_57 = vector.load %arg11[%get3A_55, %get3A_56] : memref<1x128xf32, #tpu.memory_space<vmem>>, vector<1x128xf32>
    %add3A_58 = vector.broadcast %get3A_57 : vector<1x128xf32> to vector<128x128xf32>
    %add3A_59 = arith.addf %dot_general3A_54, %add3A_58 : vector<128x128xf32>
    %max3A_60 = arith.constant 0.000000e+00 : f32
    %max3A_61 = vector.broadcast %max3A_60 : f32 to vector<128x128xf32>
    %max3A_62 = arith.maximumf %add3A_59, %max3A_61 : vector<128x128xf32>
    %abs3A_63 = math.absf %add3A_59 : vector<128x128xf32>
    %neg3A_64 = arith.constant 0.000000e+00 : f32
    %neg3A_65 = vector.broadcast %neg3A_64 : f32 to vector<128x128xf32>
    %neg3A_66 = arith.subf %neg3A_65, %abs3A_63 : vector<128x128xf32>
    %exp3A_67 = math.exp %neg3A_66 : vector<128x128xf32>
    %add3A_68 = arith.constant 1.000000e+00 : f32
    %add3A_69 = vector.broadcast %add3A_68 : f32 to vector<128x128xf32>
    %add3A_70 = arith.addf %add3A_69, %exp3A_67 : vector<128x128xf32>
    %log3A_71 = math.log %add3A_70 : vector<128x128xf32>
    %add3A_72 = arith.addf %max3A_62, %log3A_71 : vector<128x128xf32>
    %sub3A_73 = arith.constant 0.693147182 : f32
    %sub3A_74 = vector.broadcast %sub3A_73 : f32 to vector<128x128xf32>
    %sub3A_75 = arith.subf %add3A_72, %sub3A_74 : vector<128x128xf32>
    %get3A_76 = arith.constant 0 : index
    %get3A_77 = arith.constant 0 : index
    %get3A_78 = vector.load %arg12[%get3A_76, %get3A_77] : memref<128x128xf32, #tpu.memory_space<vmem>>, vector<128x128xf32>
    %dot_general3A_79 = arith.constant dense<0.000000e+00> : vector<128x128xf32>
    %dot_general3A_80 = tpu.matmul %sub3A_75, %get3A_78, %dot_general3A_79 {dimension_numbers = #tpu.dot_dimension_numbers<[1], [0], [0], [1], [0, 0, 1, 1], [], []>, transpose_lhs_hint = false} : vector<128x128xf32>, vector<128x128xf32>, vector<128x128xf32> -> vector<128x128xf32>
    %get3A_81 = arith.constant 0 : index
    %get3A_82 = arith.constant 0 : index
    %get3A_83 = vector.load %arg13[%get3A_81, %get3A_82] : memref<1x128xf32, #tpu.memory_space<vmem>>, vector<1x128xf32>
    %add3A_84 = vector.broadcast %get3A_83 : vector<1x128xf32> to vector<128x128xf32>
    %add3A_85 = arith.addf %dot_general3A_80, %add3A_84 : vector<128x128xf32>
    %get3A_86 = arith.constant 0 : index
    %get3A_87 = arith.constant 0 : index
    %get3A_88 = vector.load %arg4[%get3A_86, %get3A_87] : memref<128x128xf32, #tpu.memory_space<vmem>>, vector<128x128xf32>
    %add3A_89 = arith.addf %get3A_88, %add3A_85 : vector<128x128xf32>
    %swap3A = arith.constant 0 : index
    %swap3A_90 = arith.constant 0 : index
    %swap3A_91 = vector.load %arg15[%swap3A, %swap3A_90] : memref<128x128xf32, #tpu.memory_space<vmem>>, vector<128x128xf32>
    tpu.vector_store %arg15[%swap3A, %swap3A_90], %add3A_89 {strides = array<i32>} : memref<128x128xf32, #tpu.memory_space<vmem>>, vector<128x128xf32>,
    %get3A_92 = arith.constant 0 : index
    %get3A_93 = arith.constant 0 : index
    %get3A_94 = vector.load %arg14[%get3A_92, %get3A_93] : memref<128x128xf32, #tpu.memory_space<vmem>>, vector<128x128xf32>
    %dot_general3A_95 = arith.constant dense<0.000000e+00> : vector<128x128xf32>
    %dot_general3A_96 = tpu.matmul %add3A_89, %get3A_94, %dot_general3A_95 {dimension_numbers = #tpu.dot_dimension_numbers<[1], [0], [0], [1], [0, 0, 1, 1], [], []>, transpose_lhs_hint = false} : vector<128x128xf32>, vector<128x128xf32>, vector<128x128xf32> -> vector<128x128xf32>
    %swap3A_97 = arith.constant 0 : index
    %swap3A_98 = arith.constant 0 : index
    %swap3A_99 = vector.load %arg16[%swap3A_97, %swap3A_98] : memref<128x128xf32, #tpu.memory_space<vmem>>, vector<128x128xf32>
    tpu.vector_store %arg16[%swap3A_97, %swap3A_98], %dot_general3A_96 {strides = array<i32>} : memref<128x128xf32, #tpu.memory_space<vmem>>, vector<128x128xf32>,
    return
  }
  func.func @transform_0(%arg0: i32) -> (i32, i32) {
    %c0_i32 = arith.constant 0 : i32
    %c0_i32_0 = arith.constant 0 : i32
    return %arg0, %c0_i32 : i32, i32
  }
  func.func @transform_1(%arg0: i32) -> (i32, i32) {
    %c0_i32 = arith.constant 0 : i32
    %c0_i32_0 = arith.constant 0 : i32
    return %arg0, %c0_i32 : i32, i32
  }
  func.func @transform_2(%arg0: i32) -> (i32, i32) {
    %c0_i32 = arith.constant 0 : i32
    %c0_i32_0 = arith.constant 0 : i32
    return %arg0, %c0_i32 : i32, i32
  }
  func.func @transform_3(%arg0: i32) -> (i32, i32) {
    %c0_i32 = arith.constant 0 : i32
    %c0_i32_0 = arith.constant 0 : i32
    return %arg0, %c0_i32 : i32, i32
  }
  func.func @transform_4(%arg0: i32) -> (i32, i32) {
    %c0_i32 = arith.constant 0 : i32
    %c0_i32_0 = arith.constant 0 : i32
    %c0_i32_1 = arith.constant 0 : i32
    return %c0_i32, %c0_i32_0 : i32, i32
  }
  func.func @transform_5(%arg0: i32) -> (i32, i32) {
    %c0_i32 = arith.constant 0 : i32
    %c0_i32_0 = arith.constant 0 : i32
    %c0_i32_1 = arith.constant 0 : i32
    return %c0_i32, %c0_i32_0 : i32, i32
  }
  func.func @transform_6(%arg0: i32) -> (i32, i32) {
    %c0_i32 = arith.constant 0 : i32
    %c0_i32_0 = arith.constant 0 : i32
    %c0_i32_1 = arith.constant 0 : i32
    return %c0_i32, %c0_i32_0 : i32, i32
  }
  func.func @transform_7(%arg0: i32) -> (i32, i32) {
    %c0_i32 = arith.constant 0 : i32
    %c0_i32_0 = arith.constant 0 : i32
    %c0_i32_1 = arith.constant 0 : i32
    return %c0_i32, %c0_i32_0 : i32, i32
  }
  func.func @transform_8(%arg0: i32) -> (i32, i32) {
    %c0_i32 = arith.constant 0 : i32
    %c0_i32_0 = arith.constant 0 : i32
    %c0_i32_1 = arith.constant 0 : i32
    return %c0_i32, %c0_i32_0 : i32, i32
  }
  func.func @transform_9(%arg0: i32) -> (i32, i32) {
    %c0_i32 = arith.constant 0 : i32
    %c0_i32_0 = arith.constant 0 : i32
    %c0_i32_1 = arith.constant 0 : i32
    return %c0_i32, %c0_i32_0 : i32, i32
  }
  func.func @transform_10(%arg0: i32) -> (i32, i32) {
    %c0_i32 = arith.constant 0 : i32
    %c0_i32_0 = arith.constant 0 : i32
    %c0_i32_1 = arith.constant 0 : i32
    return %c0_i32, %c0_i32_0 : i32, i32
  }
  func.func @transform_11(%arg0: i32) -> (i32, i32) {
    %c0_i32 = arith.constant 0 : i32
    %c0_i32_0 = arith.constant 0 : i32
    %c0_i32_1 = arith.constant 0 : i32
    return %c0_i32, %c0_i32_0 : i32, i32
  }
  func.func @transform_12(%arg0: i32) -> (i32, i32) {
    %c0_i32 = arith.constant 0 : i32
    %c0_i32_0 = arith.constant 0 : i32
    %c0_i32_1 = arith.constant 0 : i32
    return %c0_i32, %c0_i32_0 : i32, i32
  }
  func.func @transform_13(%arg0: i32) -> (i32, i32) {
    %c0_i32 = arith.constant 0 : i32
    %c0_i32_0 = arith.constant 0 : i32
    %c0_i32_1 = arith.constant 0 : i32
    return %c0_i32, %c0_i32_0 : i32, i32
  }
  func.func @transform_14(%arg0: i32) -> (i32, i32) {
    %c0_i32 = arith.constant 0 : i32
    %c0_i32_0 = arith.constant 0 : i32
    return %arg0, %c0_i32 : i32, i32
  }
  func.func @transform_15(%arg0: i32) -> (i32, i32) {
    %c0_i32 = arith.constant 0 : i32
    %c0_i32_0 = arith.constant 0 : i32
    return %arg0, %c0_i32 : i32, i32
  }
}

module attributes {stable_mosaic.version = 14 : i64} {
  func.func @_pool_kernel(%arg0: memref<4096x128xf32, #tpu.memory_space<vmem>>, %arg1: memref<1x4096xf32, #tpu.memory_space<vmem>>, %arg2: memref<128x128xf32, #tpu.memory_space<vmem>>, %arg3: memref<1x128xf32, #tpu.memory_space<vmem>>, %arg4: memref<64x128xf32, #tpu.memory_space<vmem>>) attributes {dimension_semantics = [], scalar_prefetch = 0 : i64, scratch_operands = 0 : i64, tpu.core_type = #tpu.core_type<tc>} {
    %get3A = arith.constant 0 : index
    %get3A_0 = arith.constant 0 : index
    %get3A_1 = vector.load %arg1[%get3A, %get3A_0] : memref<1x4096xf32, #tpu.memory_space<vmem>>, vector<1x4096xf32>
    %iota3A = tpu.iota {dimensions = array<i32: 0>} : vector<64x4096xi32>
    %convert_element_type3A = arith.sitofp %iota3A : vector<64x4096xi32> to vector<64x4096xf32>
    %eq3A = vector.broadcast %get3A_1 : vector<1x4096xf32> to vector<64x4096xf32>
    %eq3A_2 = arith.cmpf oeq, %convert_element_type3A, %eq3A : vector<64x4096xf32>
    %convert_element_type3A_3 = arith.extui %eq3A_2 : vector<64x4096xi1> to vector<64x4096xi32>
    %convert_element_type3A_4 = arith.sitofp %convert_element_type3A_3 : vector<64x4096xi32> to vector<64x4096xf32>
    %reduce_sum3A = arith.constant dense<0.000000e+00> : vector<64xf32>
    %reduce_sum3A_5 = vector.multi_reduction <add>, %convert_element_type3A_4, %reduce_sum3A [1] : vector<64x4096xf32> to vector<64xf32>
    %broadcast_in_dim3A = vector.shape_cast %reduce_sum3A_5 : vector<64xf32> to vector<64x1xf32>
    %get3A_6 = arith.constant 0 : index
    %get3A_7 = arith.constant 0 : index
    %get3A_8 = vector.load %arg0[%get3A_6, %get3A_7] : memref<4096x128xf32, #tpu.memory_space<vmem>>, vector<4096x128xf32>
    %dot_general3A = arith.constant dense<0.000000e+00> : vector<64x128xf32>
    %dot_general3A_9 = tpu.matmul %convert_element_type3A_4, %get3A_8, %dot_general3A {dimension_numbers = #tpu.dot_dimension_numbers<[1], [0], [0], [1], [0, 0, 1, 1], [], []>, transpose_lhs_hint = false} : vector<64x4096xf32>, vector<4096x128xf32>, vector<64x128xf32> -> vector<64x128xf32>
    %max3A = arith.constant 1.000000e+00 : f32
    %max3A_10 = vector.broadcast %max3A : f32 to vector<64x1xf32>
    %max3A_11 = arith.maximumf %broadcast_in_dim3A, %max3A_10 : vector<64x1xf32>
    %div3A = vector.broadcast %max3A_11 : vector<64x1xf32> to vector<64x128xf32>
    %div3A_12 = arith.divf %dot_general3A_9, %div3A : vector<64x128xf32>
    %get3A_13 = arith.constant 0 : index
    %get3A_14 = arith.constant 0 : index
    %get3A_15 = vector.load %arg2[%get3A_13, %get3A_14] : memref<128x128xf32, #tpu.memory_space<vmem>>, vector<128x128xf32>
    %dot_general3A_16 = arith.constant dense<0.000000e+00> : vector<64x128xf32>
    %dot_general3A_17 = tpu.matmul %div3A_12, %get3A_15, %dot_general3A_16 {dimension_numbers = #tpu.dot_dimension_numbers<[1], [0], [0], [1], [0, 0, 1, 1], [], []>, transpose_lhs_hint = false} : vector<64x128xf32>, vector<128x128xf32>, vector<64x128xf32> -> vector<64x128xf32>
    %get3A_18 = arith.constant 0 : index
    %get3A_19 = arith.constant 0 : index
    %get3A_20 = vector.load %arg3[%get3A_18, %get3A_19] : memref<1x128xf32, #tpu.memory_space<vmem>>, vector<1x128xf32>
    %add3A = vector.broadcast %get3A_20 : vector<1x128xf32> to vector<64x128xf32>
    %add3A_21 = arith.addf %dot_general3A_17, %add3A : vector<64x128xf32>
    %swap3A = arith.constant 0 : index
    %swap3A_22 = arith.constant 0 : index
    %swap3A_23 = vector.load %arg4[%swap3A, %swap3A_22] : memref<64x128xf32, #tpu.memory_space<vmem>>, vector<64x128xf32>
    tpu.vector_store %arg4[%swap3A, %swap3A_22], %add3A_21 {strides = array<i32>} : memref<64x128xf32, #tpu.memory_space<vmem>>, vector<64x128xf32>,
    return
  }
}

</mosaic_0001>

<sc_bundles>
// kernel: kernel.17.cloned.1.call-start
scs
__scs_entry_jumppad:
0x0: {  	(pc) =	sbr.rel $0x88, $3  }
0x1: {  	(tag) =	ssettag $0x0;
	lr =	simm.s32 $0x1  }
0x2: {  	[smem:$0x3F92] =	sst lr;
	_ =	strace $0xD0000000  }
0x3: {  	_ = 	snop  }
0x4: {  	_ = 	snop  }
0x5: {  	_ = 	snop  }
0x6: {  	_ = 	snop  }
0x7: {  	_ = 	snop  }
__scs_overlays_trampoline_lowered:
0x8: {  	[smem:$0x3FA1] =	sst s0  }
0x9: {  	[smem:$0x3FA2] =	sst s1  }
0xa: {  	[smem:$0x3FA3] =	sst s2  }
0xb: {  	[smem:$0x3FA4] =	sst s3  }
0xc: {  	[smem:$0x3FA5] =	sst s4  }
0xd: {  	[smem:$0x3FA6] =	sst s5  }
0xe: {  	[smem:$0x3FA7] =	sst s6  }
0xf: {  	[smem:$0x3FA8] =	sst s7  }
0x10: {  	[smem:$0x3FA9] =	sst s8  }
0x11: {  	[smem:$0x3FAA] =	sst s9;
	s0 =	simm.s32 @!p0 $0x0  }
0x12: {  	s1 =	sld [smem:$0x3F90];
	s0 =	simm.s32 @p0 $0x1  }
0x13: {  	[smem:$0x3FAB] =	sst s0;
	s0 =	simm.s32 @!p1 $0x0  }
0x14: {  	s2 =	sld [smem:$0x3F8F];
	s0 =	simm.s32 @p1 $0x1  }
0x15: {  	[smem:$0x3FAC] =	sst s0;
	s0 =	simm.s32 @!p2 $0x0  }
0x16: {  	s3 =	sld [smem:$0x3FDB];
	s0 =	simm.s32 @p2 $0x1  }
0x17: {  	s4 =	simm.s32 $0x1BF5;
	[smem:$0x3FAE] =	sst s0  }
0x18: {  	s0 =	sld [smem:$0x3F91];
	_ =	swait.ge [sflag:s4], $0x0  }
0x19: {  	s7 =	sld [smem:$0x3F92]  }
0x1a: {  	s8 =	sadd.s32 $0xFFFFE003, lr  }
0x1b: {  	s9 =	sadd.s32 $0xFFFFFEF7, lr;
	s5 =	simm.s32 $0xFFFFFFFF;
	p2 =	slt.u32 s8, $0xFFFFF086  }
0x1c: {  	p1 =	slt.u32 s9, $0xF7A;
	s5 =	simm.s32 @!p2 $0x0  }
0x1d: {  	s5 =	simm.s32 @p1 $0x1;
	p0 =	seq.s32 s7, s2  }
0x1e: {  	s7 =	smul.u32 @!p0 $0xF7A, s2;
	p2 =	seq.s32 @!p0 s5, $0x0  }
0x1f: {  	s9 =	smul.u32 $0xF7A, s1;
	s8 =	simm.s32 @!p0 $0x1BF5;
	p2 =	por !p2, p0  }
0x20: {  	[sflag:s8] =	ssyncset.s32 @!p0 $0xFFFFF086;
	s6 =	sadd.s32 @!p0 s3, s7;
	s7 =	simm.s32 @!p0 $0x108  }
0x21: {  	s3 =	sadd.s32 s3, s9;
	s6 =	sadd.s32 @!p0 $0x88, s6;
	s7 =	simm.s32 @p2 $0x1082  }
0x22: {  	[simem:s7], [sflag:s8] =	dma.local @!p0 [hbm:s6], $0xF7A  }
0x23: {  	s9 =	sor.u32 $0xD0000000, s2;
	s6 =	simm.s32 $0x108;
	_ =	swait.ge @!p0 [sflag:s8], $0x0  }
0x24: {  	s3 =	sadd.s32 $0x88, s3;
	s6 =	simm.s32 @!p1 $0x1082;
	[sflag:s4] =	ssyncset.s32 $0xFFFFF086  }
0x25: {  	[simem:s6], [sflag:s4] =	dma.local [hbm:s3], $0xF7A  }
0x26: {  	[smem:$0x3F92] =	sst s1;
	(tag) =	ssettag s2;
	_ =	strace s9  }
0x27: {  	s1 =	sld [smem:$0x3FA2]  }
0x28: {  	s2 =	sld [smem:$0x3FA3]  }
0x29: {  	s4 =	sld [smem:$0x3FA5]  }
0x2a: {  	p0 =	seq.s32 s5, $0x0;
	s5 =	sld [smem:$0x3FA6]  }
0x2b: {  	s6 =	sld [smem:$0x3FA7]  }
0x2c: {  	s7 =	sld [smem:$0x3FA8]  }
0x2d: {  	s3 =	simm.s32 $0x108;
	s8 =	sld [smem:$0x3FA9]  }
0x2e: {  	s3 =	simm.s32 @!p0 $0x1082;
	s9 =	sld [smem:$0x3FAA]  }
0x2f: {  	lr =	sadd.s32 s0, s3;
	s0 =	sld [smem:$0x3FA1]  }
0x30: {  	s3 =	sld [smem:$0x3FA4]  }
0x31: {  	[smem:$0x3FAD] =	sst s10  }
0x32: {  	s10 =	sld [smem:$0x3FAB];
	_ =	sdelay $0x3  }
0x33: {  	p0 =	seq.s32 s10, $0x1;
	s10 =	sld [smem:$0x3FAD];
	_ =	sdelay $0x3  }
0x34: {  	[smem:$0x3FAD] =	sst s10  }
0x35: {  	s10 =	sld [smem:$0x3FAC];
	_ =	sdelay $0x3  }
0x36: {  	p1 =	seq.s32 s10, $0x1;
	s10 =	sld [smem:$0x3FAD];
	_ =	sdelay $0x3  }
0x37: {  	[smem:$0x3FAD] =	sst s10  }
0x38: {  	s10 =	sld [smem:$0x3FAE]  }
0x39: {  	_ = 	snop;
	(pc) =	sbr.ind lr, $3  }
0x3a: {  	_ = 	snop  }
0x3b: {  	_ = 	snop  }
0x3c: {  	p2 =	seq.s32 s10, $0x1;
	s10 =	sld [smem:$0x3FAD]  }
0x3d: {  	_ =	shalt  }
0x3e: {  	_ =	shalt  }
0x3f: {  	_ =	shalt  }
0x40: {  	_ =	shalt  }
0x41: {  	_ =	shalt  }
0x42: {  	_ =	shalt  }
0x43: {  	_ =	shalt  }
0x44: {  	_ =	shalt  }
0x45: {  	_ =	shalt  }
0x46: {  	_ =	shalt  }
0x47: {  	_ =	shalt  }
0x48: {  	_ =	shalt  }
0x49: {  	_ =	shalt  }
0x4a: {  	_ =	shalt  }
0x4b: {  	_ =	shalt  }
0x4c: {  	_ =	shalt  }
0x4d: {  	_ =	shalt  }
0x4e: {  	_ =	shalt  }
0x4f: {  	_ =	shalt  }
0x50: {  	_ =	shalt  }
0x51: {  	_ =	shalt  }
0x52: {  	_ =	shalt  }
0x53: {  	_ =	shalt  }
0x54: {  	_ =	shalt  }
0x55: {  	_ =	shalt  }
0x56: {  	_ =	shalt  }
0x57: {  	_ =	shalt  }
0x58: {  	_ =	shalt  }
0x59: {  	_ =	shalt  }
0x5a: {  	_ =	shalt  }
0x5b: {  	_ =	shalt  }
0x5c: {  	_ =	shalt  }
0x5d: {  	_ =	shalt  }
0x5e: {  	_ =	shalt  }
0x5f: {  	_ =	shalt  }
0x60: {  	_ =	shalt  }
0x61: {  	_ =	shalt  }
0x62: {  	_ =	shalt  }
0x63: {  	_ =	shalt  }
0x64: {  	_ =	shalt  }
0x65: {  	_ =	shalt  }
0x66: {  	_ =	shalt  }
0x67: {  	_ =	shalt  }
0x68: {  	_ =	shalt  }
0x69: {  	_ =	shalt  }
0x6a: {  	_ =	shalt  }
0x6b: {  	_ =	shalt  }
0x6c: {  	_ =	shalt  }
0x6d: {  	_ =	shalt  }
0x6e: {  	_ =	shalt  }
0x6f: {  	_ =	shalt  }
0x70: {  	_ =	shalt  }
0x71: {  	_ =	shalt  }
0x72: {  	_ =	shalt  }
0x73: {  	_ =	shalt  }
0x74: {  	_ =	shalt  }
0x75: {  	_ =	shalt  }
0x76: {  	_ =	shalt  }
0x77: {  	_ =	shalt  }
0x78: {  	_ =	shalt  }
0x79: {  	_ =	shalt  }
0x7a: {  	_ =	shalt  }
0x7b: {  	_ =	shalt  }
0x7c: {  	_ =	shalt  }
0x7d: {  	_ =	shalt  }
0x7e: {  	_ =	shalt  }
0x7f: {  	_ =	shalt  }
0x80: {  	_ =	shalt  }
0x81: {  	_ =	shalt  }
0x82: {  	_ =	shalt  }
0x83: {  	_ =	shalt  }
0x84: {  	_ =	shalt  }
0x85: {  	_ =	shalt  }
0x86: {  	_ =	shalt  }
0x87: {  	_ =	shalt  }
.Lfunc_end0:
.L_simem_size_0:
called_computation_lowered:
.L_overlay_start_0:
0x88: {  	s2 =	sld [smem:$0x3FD9]  }
0x89: {  	s3 =	sld [smem:$0x3FFE];
	_ =	sdelay $0x1  }
0x8a: {  	s1 =	srdreg.scid  }
0x8b: {  	s0 =	sand.u32 $0x1, s1  }
0x8c: {  	s16 =	sshll.u32 s0, $0xA;
	s2 =	sadd.s32 s3, s2  }
0x8d: {  	s2 =	sadd.s32 s2, s16  }
0x8e: {  	[smem:$0x3FB9] =	sst s2  }
0x8f: {  	_ = 	snop  }
0x90: {  	(tm) =	ssettm $0x1  }
0x91: {  	s17 =	sld [smem:$0x3FFB];
	_ =	sdelay $0x3  }
0x92: {  	_ =	strace s17  }
0x93: {  	s2 =	sld [smem:$0x3FFC];
	_ =	sdelay $0x3  }
0x94: {  	_ =	strace s2  }
0x95: {  	s2 =	sld [smem:$0x3FFD];
	_ =	sdelay $0x3  }
0x96: {  	_ =	strace s2  }
0x97: {  	_ =	strace $0x8FFFFFFF  }
0x98: {  	s18 =	sld [smem:$0x3FDB];
	_ =	sdelay $0x1  }
0x99: {  	s19 =	simm.s32 $_scs_section_size  }
0x9a: {  	s4 =	simm.s32 $_size__tile_overlayer_lowered;
	s5 =	simm.s32 $_tile_overlayer_lowered  }
0x9b: {  	s22 =	simm.s32 $0x1BFF;
	s21 =	sshll.u32 s5, $0x1;
	s2 =	sadd.s32 s19, s18  }
0x9c: {  	s6 =	simm.s32 $0x0;
	s20 =	sshll.u32 s4, $0x1;
	s4 =	sadd.s32 s21, s2  }
0x9d: {  	[timem:s6], [sflag:s22] =	dma.local [hbm:s4], s20  }
0x9e: {  	_ =	swait.ge [sflag:s22], s20  }
0x9f: {  	s3 =	ssub.s32 $0x0, s20;
	[sflag:s22] =	ssyncset.done $0x0  }
0xa0: {  	[sflag:s22] =	ssyncadd.s32 s3;
	_ =	sdelay $0x1  }
0xa1: {  	s23 =	simm.s32 $0x1B8B  }
0xa2: {  	_ =	swait.ge [sflag:s23], $0x1  }
0xa3: {  	[sflag:s23] =	ssyncset.done $0x0  }
0xa4: {  	s25 =	simm.s32 $0x1B8E;
	s24 =	sld [smem:$0x3FFE];
	[sflag:s23] =	ssyncadd.s32 $0xFFFFFFFF  }
0xa5: {  	s26 =	simm.s32 $execute0_lowered;
	[smem:$0x3FD2] =	sst s25  }
0xa6: {  	s4 =	sshll.u32 s26, $0x1;
	_ =	strace $0x80000046;
	[dreg:$0x1] =	wrdreg $0xFFFFFFFF  }
0xa7: {  	s28 =	simm.s32 $_size_execute0_lowered;
	s2 =	sadd.s32 s2, s4;
	[dreg:$0x0] =	wrdreg $0x0  }
0xa8: {  	s4 =	sshll.u32 s28, $0x1;
	[dreg:$0x2] =	wrdreg s2  }
0xa9: {  	[dreg:$0x3] =	wrdreg s4  }
0xaa: {  	[dreg:$0x4] =	wrdreg $0xC0  }
0xab: {  	_ =	task [dreg:s6], $0x5FFFF  }
0xac: {  	[dreg:$0x1] =	wrdreg $0xFFFFFFFF  }
0xad: {  	[dreg:$0x0] =	wrdreg $0x60  }
0xae: {  	[dreg:$0x2] =	wrdreg s24  }
0xaf: {  	[dreg:$0x3] =	wrdreg $0x9  }
0xb0: {  	_ =	task.clear_ibuf [dreg:s6], $0x4FFFF;
	_ =	strace $0x90000046  }
0xb1: {  	s29 =	simm.s32 $0x9;
	_ =	strace $0x80000048  }
0xb2: {  	_ =	swait.ge [sflag:s29], $0x1  }
0xb3: {  	[sflag:s29] =	ssyncadd.s32 $0xFFFFFFFF  }
0xb4: {  	_ =	strace $0x90000048  }
0xb5: {  	_ =	sfence  }
0xb6: {  	s30 =	sld [smem:$0x0];
	_ =	sdelay $0x2  }
0xb7: {  	s31 =	sshll.u32 s1, $0xD;
	s1 =	sshrl.u32 s1, $0x2  }
0xb8: {  	s3 =	sand.u32 $0x4000, s31;
	s1 =	sadd.s32 s1, s30  }
0xb9: {  	s0 =	sor.u32 s3, s0;
	s1 =	sshll.u32 s1, $0x11  }
0xba: {  	s0 =	sor.u32 s1, s0  }
0xbb: {  	s0 =	sadd.s32 $0x8F2B, s0  }
0xbc: {  	[sflag:s0] =	ssyncadd.remote.s32 $0x1  }
0xbd: {  	_ =	sfence.sel $0xFFFF  }
0xbe: {  	[dreg:$0x0] =	wrdreg $0xFFFFFFFF;
	(pc) =	sbr.abs _section_cstart, $3  }
0xbf: {  	[dreg:$0x1] =	wrdreg $0xFFFFFFFF  }
0xc0: {  	_ =	task.clear_ibuf [dreg:s6], $0x2FFFF;
	_ =	strace $0x9FFFFFFF  }
0xc1: {  	(tm) =	ssettm $0x7FFFFFFF  }
tec
execute0_lowered:
.L_overlay_start_1:
0x0: {  	(tag) =	ssettag $0x1  }
0x1: {  	s4 =	rddreg [dreg:$0x0]  }
0x2: {  	s0 =	rddreg [dreg:$0x1]  }
0x3: {  	s2 =	simm.s32 $0x0;
	s3 =	srdreg.scid;
	s1 =	stileid.u32  }
0x4: {  	s14 =	simm.s32 $0x100;
	s15 =	simm.s32 $0x4100;
	s16 =	simm.s32 $0x1  }
0x5: {  	s17 =	simm.s32 $0x2;
	s18 =	simm.s32 $0x3;
	s19 =	simm.s32 $0x4  }
0x6: {  	s20 =	simm.s32 $0x0;
	[smem:$0x7FF] =	sst s2;
	s9 =	sand.u32 $0x1, s3  }
0x7: {  	s3 =	sadd.s32 $0x3DE00, s4;
	s5 =	sshll.u32 s1, $0xE;
	s11 =	sadd.s32 $0x2FE00, s4  }
0x8: {  	s12 =	sadd.s32 $0x5DE00, s4;
	s13 =	sshll.u32 s1, $0x12;
	s6 =	sshll.u32 s9, $0xD  }
0x9: {  	_ =	strace $0x80000047;
	s7 =	ssub.s32 $0x2, s9;
	s10 =	sor.u32 s6, s5  }
0xa: {  	s9 =	sshll.u32 s9, $0x11;
	s25 =	sshrl.u32 s7, $0x1;
	s8 =	sor.u32 $0x80, s10  }
0xb: {  	s4 =	ssub.s32 s7, s25;
	s5 =	sshrl.u32 s10, $0x3;
	s28 =	sshll.u32 s10, $0x4  }
0xc: {  	s29 =	sor.u32 $0x100, s10;
	s10 =	sor.u32 $0x180, s10;
	s26 =	sshrl.u32 s8, $0x3  }
0xd: {  	s4 =	smax.u32 s4, $0x1;
	s5 =	sadd.s32 s11, s5;
	s8 =	sshll.u32 s8, $0x4  }
0xe: {  	s7 =	sadd.s32 s12, s28;
	s30 =	sshrl.u32 s29, $0x3;
	s31 =	sshrl.u32 s10, $0x3  }
0xf: {  	s6 =	sadd.s32 s11, s26;
	s8 =	sadd.s32 s12, s8;
	s12 =	sadd.s32 s13, s12  }
0x10: {  	s10 =	sadd.s32 s30, s11;
	s11 =	sadd.s32 s31, s11;
	s9 =	sadd.s32 s9, s12  }
0x11: {  	s13 =	simm.s32 $0x80;
	s12 =	simm.s32 $0x5;
	s9 =	sadd.s32 $0x1000, s9  }
.LBB2_1:
0x12: {  	[tilespmem:s2], [sflag:$0x5] =	stream.linear.gather [hbm4b:s5+s2], $0x80, $0x38;
	[tilespmem:$0x8100] =	vst v63  }
0x13: {  	_ =	swait.ge [sflag:s12], $0x80  }
0x14: {  	[sflag:s12] =	ssyncset.done $0x0  }
0x15: {  	[sflag:s12] =	ssyncadd.s32 $0xFFFFFF80  }
0x16: {  	[tilespmem:s14], [sflag:$0x1] =	stream.indirect.gather [hbm4b:s3+s13], $0x80, s2, s13, $0xb8;
	[tilespmem:$0x8100] =	vst v63  }
0x17: {  	_ = 	snop  }
0x18: {  	[tilespmem:s13], [sflag:$0x5] =	stream.linear.gather [hbm4b:s6+s2], $0x80, $0x38;
	[tilespmem:$0x8100] =	vst v63  }
0x19: {  	_ =	swait.ge [sflag:s12], $0x80  }
0x1a: {  	[sflag:s12] =	ssyncset.done $0x0  }
0x1b: {  	[sflag:s12] =	ssyncadd.s32 $0xFFFFFF80  }
0x1c: {  	[tilespmem:s15], [sflag:$0x2] =	stream.indirect.gather [hbm4b:s3+s13], $0x80, s13, s13, $0xb8;
	[tilespmem:$0x8100] =	vst v63  }
0x1d: {  	_ =	swait.ge [sflag:s16], $0x4000  }
0x1e: {  	[sflag:s16] =	ssyncset.done $0x0  }
0x1f: {  	[sflag:s16] =	ssyncadd.s32 $0xFFFFC000  }
0x20: {  	[hbm4b:s7+s2] =	stream.linear.scatter [tilespmem:s14], [sflag:$0x3], $0x4000, $0x38;
	[tilespmem:$0x8100] =	vst v63  }
0x21: {  	_ =	swait.ge [sflag:s17], $0x4000  }
0x22: {  	[sflag:s17] =	ssyncset.done $0x0  }
0x23: {  	[sflag:s17] =	ssyncadd.s32 $0xFFFFC000  }
0x24: {  	[hbm4b:s8+s2] =	stream.linear.scatter [tilespmem:s15], [sflag:$0x4], $0x4000, $0x38;
	[tilespmem:$0x8100] =	vst v63  }
0x25: {  	_ =	swait.ge [sflag:s18], $0x4000  }
0x26: {  	[sflag:s18] =	ssyncset.done $0x0  }
0x27: {  	[sflag:s18] =	ssyncadd.s32 $0xFFFFC000  }
0x28: {  	_ =	swait.ge [sflag:s19], $0x4000  }
0x29: {  	[sflag:s19] =	ssyncset.done $0x0  }
0x2a: {  	s21 =	sadd.s32 $0x0, s10;
	[sflag:s19] =	ssyncadd.s32 $0xFFFFC000  }
0x2b: {  	[tilespmem:s2], [sflag:$0x5] =	stream.linear.gather [hbm4b:s21+s2], $0x80, $0x38;
	[tilespmem:$0x8100] =	vst v63  }
0x2c: {  	_ =	swait.ge [sflag:s12], $0x80  }
0x2d: {  	[sflag:s12] =	ssyncset.done $0x0  }
0x2e: {  	[sflag:s12] =	ssyncadd.s32 $0xFFFFFF80  }
0x2f: {  	[tilespmem:s14], [sflag:$0x1] =	stream.indirect.gather [hbm4b:s3+s13], $0x80, s2, s13, $0xb8;
	[tilespmem:$0x8100] =	vst v63  }
0x30: {  	s31 =	sadd.s32 $0x0, s11  }
0x31: {  	[tilespmem:s13], [sflag:$0x5] =	stream.linear.gather [hbm4b:s31+s2], $0x80, $0x38;
	[tilespmem:$0x8100] =	vst v63  }
0x32: {  	_ =	swait.ge [sflag:s12], $0x80  }
0x33: {  	[sflag:s12] =	ssyncset.done $0x0  }
0x34: {  	[sflag:s12] =	ssyncadd.s32 $0xFFFFFF80  }
0x35: {  	[tilespmem:s15], [sflag:$0x2] =	stream.indirect.gather [hbm4b:s3+s13], $0x80, s13, s13, $0xb8;
	[tilespmem:$0x8100] =	vst v63  }
0x36: {  	_ =	swait.ge [sflag:s16], $0x4000  }
0x37: {  	[sflag:s16] =	ssyncset.done $0x0  }
0x38: {  	[sflag:s16] =	ssyncadd.s32 $0xFFFFC000  }
0x39: {  	[hbm4b:s9+s2] =	stream.linear.scatter [tilespmem:s14], [sflag:$0x3], $0x4000, $0x38;
	[tilespmem:$0x8100] =	vst v63  }
0x3a: {  	_ =	swait.ge [sflag:s17], $0x4000  }
0x3b: {  	s23 =	sadd.s32 $0x800, s9;
	[sflag:s17] =	ssyncset.done $0x0  }
0x3c: {  	s22 =	sadd.s32 $0x1000, s9;
	s21 =	simm.s32 $0x20;
	[sflag:s17] =	ssyncadd.s32 $0xFFFFC000  }
.LBB2_2:
0x3d: {  	[hbm4b:s23+s2] =	stream.linear.scatter [tilespmem:s15], [sflag:$0x4], $0x4000, $0x38;
	[tilespmem:$0x8100] =	vst v63  }
0x3e: {  	s23 =	smov.u32 s21  }
0x3f: {  	p0 =	sne.s32 s21, $0x3C0;
	s21 =	sadd.s32 $0x20, s21;
	_ =	swait.ge [sflag:s18], $0x4000  }
0x40: {  	[sflag:s18] =	ssyncset.done $0x0  }
0x41: {  	[sflag:s18] =	ssyncadd.s32 $0xFFFFC000  }
0x42: {  	_ =	swait.ge [sflag:s19], $0x4000  }
0x43: {  	[sflag:s19] =	ssyncset.done $0x0  }
0x44: {  	s24 =	sadd.s32 s23, s10;
	[sflag:s19] =	ssyncadd.s32 $0xFFFFC000  }
0x45: {  	[tilespmem:s2], [sflag:$0x5] =	stream.linear.gather [hbm4b:s24+s2], $0x80, $0x38;
	[tilespmem:$0x8100] =	vst v63  }
0x46: {  	_ =	swait.ge [sflag:s12], $0x80  }
0x47: {  	[sflag:s12] =	ssyncset.done $0x0  }
0x48: {  	[sflag:s12] =	ssyncadd.s32 $0xFFFFFF80  }
0x49: {  	[tilespmem:s14], [sflag:$0x1] =	stream.indirect.gather [hbm4b:s3+s13], $0x80, s2, s13, $0xb8;
	[tilespmem:$0x8100] =	vst v63  }
0x4a: {  	s23 =	sadd.s32 s23, s11  }
0x4b: {  	[tilespmem:s13], [sflag:$0x5] =	stream.linear.gather [hbm4b:s23+s2], $0x80, $0x38;
	[tilespmem:$0x8100] =	vst v63  }
0x4c: {  	_ =	swait.ge [sflag:s12], $0x80  }
0x4d: {  	[sflag:s12] =	ssyncset.done $0x0  }
0x4e: {  	[sflag:s12] =	ssyncadd.s32 $0xFFFFFF80  }
0x4f: {  	[tilespmem:s15], [sflag:$0x2] =	stream.indirect.gather [hbm4b:s3+s13], $0x80, s13, s13, $0xb8;
	[tilespmem:$0x8100] =	vst v63  }
0x50: {  	_ =	swait.ge [sflag:s16], $0x4000  }
0x51: {  	[sflag:s16] =	ssyncset.done $0x0  }
.Ltmp0:
0x52: {  	[sflag:s16] =	ssyncadd.s32 $0xFFFFC000;
	(pc) =	sbr.rel @p0 .LBB2_2-.Ltmp0, $4  }
0x53: {  	[hbm4b:s22+s2] =	stream.linear.scatter [tilespmem:s14], [sflag:$0x3], $0x4000, $0x38;
	[tilespmem:$0x8100] =	vst v63  }
0x54: {  	_ =	swait.ge [sflag:s17], $0x4000  }
0x55: {  	[sflag:s17] =	ssyncset.done $0x0  }
0x56: {  	s23 =	sadd.s32 $0x800, s22;
	s22 =	sadd.s32 $0x1000, s22;
	[sflag:s17] =	ssyncadd.s32 $0xFFFFC000  }
0x57: {  	[hbm4b:s23+s2] =	stream.linear.scatter [tilespmem:s15], [sflag:$0x4], $0x4000, $0x38;
	[tilespmem:$0x8100] =	vst v63  }
0x58: {  	s20 =	sadd.s32 $0x1, s20  }
0x59: {  	_ =	swait.ge [sflag:s18], $0x4000;
	p0 =	sne.s32 s20, s4  }
.Ltmp1:
0x5a: {  	[sflag:s18] =	ssyncset.done $0x0;
	(pc) =	sbr.rel @p0 .LBB2_1-.Ltmp1, $4  }
0x5b: {  	[sflag:s18] =	ssyncadd.s32 $0xFFFFC000  }
0x5c: {  	_ =	swait.ge [sflag:s19], $0x4000  }
0x5d: {  	[sflag:s19] =	ssyncset.done $0x0  }
0x5e: {  	[sflag:s19] =	ssyncadd.s32 $0xFFFFC000  }
0x5f: {  	_ =	sfence.sel $0x180000  }
0x60: {  	[bflag:$0x0] =	sbarrier.arrive $0xFFFF  }
0x61: {  	p0 =	sne.s32 s1, $0x0;
	_ =	strace $0x90000047  }
0x62: {  	s0 =	sadd.s32 @!p0 $0x100000, s0;
	[bflag:$0x2] =	sbarrier.arrive $0xFFFF  }
0x63: {  	[sflag:s0] =	ssyncadd.tile.s32 @!p0 $0x1;
	_ =	shalt  }
.Lfunc_end2:
_tile_overlayer_lowered:
.L_overlay_start_2:
0x64: {  	(tag) =	ssettag $0x2  }
0x65: {  	s0 =	rddreg [dreg:$0x0];
	s2 =	stileid.u32  }
0x66: {  	s1 =	rddreg [dreg:$0x1];
	p0 =	sne.s32 s2, $0x0  }
0x67: {  	s3 =	rddreg [dreg:$0x2];
	[bflag:$0x3] =	sbarrier.arrive $0xFFFF;
	s2 =	simm.s32 @!p0 $0x1C05  }
0x68: {  	[timem:s3], [sflag:s2] =	dma.local @!p0 [hbm:s0], s1  }
0x69: {  	s0 =	simm.s32 @!p0 $0x5  }
0x6a: {  	_ =	swait.ge @!p0 [sflag:s0], s1  }
0x6b: {  	s1 =	ssub.s32 @!p0 $0x0, s1;
	[sflag:s0] =	ssyncset.done @!p0 $0x0  }
0x6c: {  	[sflag:s0] =	ssyncadd.s32 @!p0 s1  }
0x6d: {  	[bflag:$0x3] =	sbarrier.arrive $0xFFFF  }
0x6e: {  	_ =	shalt  }

// kernel: kernel.20.cloned.1.call-start
scs
__scs_entry_jumppad:
0x0: {  	(pc) =	sbr.rel $0x88, $3  }
0x1: {  	(tag) =	ssettag $0x0;
	lr =	simm.s32 $0x1  }
0x2: {  	[smem:$0x3F92] =	sst lr;
	_ =	strace $0xD0000000  }
0x3: {  	_ = 	snop  }
0x4: {  	_ = 	snop  }
0x5: {  	_ = 	snop  }
0x6: {  	_ = 	snop  }
0x7: {  	_ = 	snop  }
__scs_overlays_trampoline_lowered:
0x8: {  	[smem:$0x3FA1] =	sst s0  }
0x9: {  	[smem:$0x3FA2] =	sst s1  }
0xa: {  	[smem:$0x3FA3] =	sst s2  }
0xb: {  	[smem:$0x3FA4] =	sst s3  }
0xc: {  	[smem:$0x3FA5] =	sst s4  }
0xd: {  	[smem:$0x3FA6] =	sst s5  }
0xe: {  	[smem:$0x3FA7] =	sst s6  }
0xf: {  	[smem:$0x3FA8] =	sst s7  }
0x10: {  	[smem:$0x3FA9] =	sst s8  }
0x11: {  	[smem:$0x3FAA] =	sst s9;
	s0 =	simm.s32 @!p0 $0x0  }
0x12: {  	s1 =	sld [smem:$0x3F90];
	s0 =	simm.s32 @p0 $0x1  }
0x13: {  	[smem:$0x3FAB] =	sst s0;
	s0 =	simm.s32 @!p1 $0x0  }
0x14: {  	s2 =	sld [smem:$0x3F8F];
	s0 =	simm.s32 @p1 $0x1  }
0x15: {  	[smem:$0x3FAC] =	sst s0;
	s0 =	simm.s32 @!p2 $0x0  }
0x16: {  	s3 =	sld [smem:$0x3FDB];
	s0 =	simm.s32 @p2 $0x1  }
0x17: {  	s4 =	simm.s32 $0x1BF5;
	[smem:$0x3FAE] =	sst s0  }
0x18: {  	s0 =	sld [smem:$0x3F91];
	_ =	swait.ge [sflag:s4], $0x0  }
0x19: {  	s7 =	sld [smem:$0x3F92]  }
0x1a: {  	s8 =	sadd.s32 $0xFFFFE003, lr  }
0x1b: {  	s9 =	sadd.s32 $0xFFFFFEF7, lr;
	s5 =	simm.s32 $0xFFFFFFFF;
	p2 =	slt.u32 s8, $0xFFFFF086  }
0x1c: {  	p1 =	slt.u32 s9, $0xF7A;
	s5 =	simm.s32 @!p2 $0x0  }
0x1d: {  	s5 =	simm.s32 @p1 $0x1;
	p0 =	seq.s32 s7, s2  }
0x1e: {  	s7 =	smul.u32 @!p0 $0xF7A, s2;
	p2 =	seq.s32 @!p0 s5, $0x0  }
0x1f: {  	s9 =	smul.u32 $0xF7A, s1;
	s8 =	simm.s32 @!p0 $0x1BF5;
	p2 =	por !p2, p0  }
0x20: {  	[sflag:s8] =	ssyncset.s32 @!p0 $0xFFFFF086;
	s6 =	sadd.s32 @!p0 s3, s7;
	s7 =	simm.s32 @!p0 $0x108  }
0x21: {  	s3 =	sadd.s32 s3, s9;
	s6 =	sadd.s32 @!p0 $0x88, s6;
	s7 =	simm.s32 @p2 $0x1082  }
0x22: {  	[simem:s7], [sflag:s8] =	dma.local @!p0 [hbm:s6], $0xF7A  }
0x23: {  	s9 =	sor.u32 $0xD0000000, s2;
	s6 =	simm.s32 $0x108;
	_ =	swait.ge @!p0 [sflag:s8], $0x0  }
0x24: {  	s3 =	sadd.s32 $0x88, s3;
	s6 =	simm.s32 @!p1 $0x1082;
	[sflag:s4] =	ssyncset.s32 $0xFFFFF086  }
0x25: {  	[simem:s6], [sflag:s4] =	dma.local [hbm:s3], $0xF7A  }
0x26: {  	[smem:$0x3F92] =	sst s1;
	(tag) =	ssettag s2;
	_ =	strace s9  }
0x27: {  	s1 =	sld [smem:$0x3FA2]  }
0x28: {  	s2 =	sld [smem:$0x3FA3]  }
0x29: {  	s4 =	sld [smem:$0x3FA5]  }
0x2a: {  	p0 =	seq.s32 s5, $0x0;
	s5 =	sld [smem:$0x3FA6]  }
0x2b: {  	s6 =	sld [smem:$0x3FA7]  }
0x2c: {  	s7 =	sld [smem:$0x3FA8]  }
0x2d: {  	s3 =	simm.s32 $0x108;
	s8 =	sld [smem:$0x3FA9]  }
0x2e: {  	s3 =	simm.s32 @!p0 $0x1082;
	s9 =	sld [smem:$0x3FAA]  }
0x2f: {  	lr =	sadd.s32 s0, s3;
	s0 =	sld [smem:$0x3FA1]  }
0x30: {  	s3 =	sld [smem:$0x3FA4]  }
0x31: {  	[smem:$0x3FAD] =	sst s10  }
0x32: {  	s10 =	sld [smem:$0x3FAB];
	_ =	sdelay $0x3  }
0x33: {  	p0 =	seq.s32 s10, $0x1;
	s10 =	sld [smem:$0x3FAD];
	_ =	sdelay $0x3  }
0x34: {  	[smem:$0x3FAD] =	sst s10  }
0x35: {  	s10 =	sld [smem:$0x3FAC];
	_ =	sdelay $0x3  }
0x36: {  	p1 =	seq.s32 s10, $0x1;
	s10 =	sld [smem:$0x3FAD];
	_ =	sdelay $0x3  }
0x37: {  	[smem:$0x3FAD] =	sst s10  }
0x38: {  	s10 =	sld [smem:$0x3FAE]  }
0x39: {  	_ = 	snop;
	(pc) =	sbr.ind lr, $3  }
0x3a: {  	_ = 	snop  }
0x3b: {  	_ = 	snop  }
0x3c: {  	p2 =	seq.s32 s10, $0x1;
	s10 =	sld [smem:$0x3FAD]  }
0x3d: {  	_ =	shalt  }
0x3e: {  	_ =	shalt  }
0x3f: {  	_ =	shalt  }
0x40: {  	_ =	shalt  }
0x41: {  	_ =	shalt  }
0x42: {  	_ =	shalt  }
0x43: {  	_ =	shalt  }
0x44: {  	_ =	shalt  }
0x45: {  	_ =	shalt  }
0x46: {  	_ =	shalt  }
0x47: {  	_ =	shalt  }
0x48: {  	_ =	shalt  }
0x49: {  	_ =	shalt  }
0x4a: {  	_ =	shalt  }
0x4b: {  	_ =	shalt  }
0x4c: {  	_ =	shalt  }
0x4d: {  	_ =	shalt  }
0x4e: {  	_ =	shalt  }
0x4f: {  	_ =	shalt  }
0x50: {  	_ =	shalt  }
0x51: {  	_ =	shalt  }
0x52: {  	_ =	shalt  }
0x53: {  	_ =	shalt  }
0x54: {  	_ =	shalt  }
0x55: {  	_ =	shalt  }
0x56: {  	_ =	shalt  }
0x57: {  	_ =	shalt  }
0x58: {  	_ =	shalt  }
0x59: {  	_ =	shalt  }
0x5a: {  	_ =	shalt  }
0x5b: {  	_ =	shalt  }
0x5c: {  	_ =	shalt  }
0x5d: {  	_ =	shalt  }
0x5e: {  	_ =	shalt  }
0x5f: {  	_ =	shalt  }
0x60: {  	_ =	shalt  }
0x61: {  	_ =	shalt  }
0x62: {  	_ =	shalt  }
0x63: {  	_ =	shalt  }
0x64: {  	_ =	shalt  }
0x65: {  	_ =	shalt  }
0x66: {  	_ =	shalt  }
0x67: {  	_ =	shalt  }
0x68: {  	_ =	shalt  }
0x69: {  	_ =	shalt  }
0x6a: {  	_ =	shalt  }
0x6b: {  	_ =	shalt  }
0x6c: {  	_ =	shalt  }
0x6d: {  	_ =	shalt  }
0x6e: {  	_ =	shalt  }
0x6f: {  	_ =	shalt  }
0x70: {  	_ =	shalt  }
0x71: {  	_ =	shalt  }
0x72: {  	_ =	shalt  }
0x73: {  	_ =	shalt  }
0x74: {  	_ =	shalt  }
0x75: {  	_ =	shalt  }
0x76: {  	_ =	shalt  }
0x77: {  	_ =	shalt  }
0x78: {  	_ =	shalt  }
0x79: {  	_ =	shalt  }
0x7a: {  	_ =	shalt  }
0x7b: {  	_ =	shalt  }
0x7c: {  	_ =	shalt  }
0x7d: {  	_ =	shalt  }
0x7e: {  	_ =	shalt  }
0x7f: {  	_ =	shalt  }
0x80: {  	_ =	shalt  }
0x81: {  	_ =	shalt  }
0x82: {  	_ =	shalt  }
0x83: {  	_ =	shalt  }
0x84: {  	_ =	shalt  }
0x85: {  	_ =	shalt  }
0x86: {  	_ =	shalt  }
0x87: {  	_ =	shalt  }
.Lfunc_end0:
.L_simem_size_0:
called_computation.1_lowered:
.L_overlay_start_0:
0x88: {  	s2 =	sld [smem:$0x3FD9]  }
0x89: {  	s3 =	sld [smem:$0x3FFE];
	_ =	sdelay $0x1  }
0x8a: {  	s1 =	srdreg.scid  }
0x8b: {  	s0 =	sand.u32 $0x1, s1  }
0x8c: {  	s16 =	sshll.u32 s0, $0xA;
	s2 =	sadd.s32 s3, s2  }
0x8d: {  	s2 =	sadd.s32 s2, s16  }
0x8e: {  	[smem:$0x3FB9] =	sst s2  }
0x8f: {  	_ = 	snop  }
0x90: {  	(tm) =	ssettm $0x1  }
0x91: {  	s17 =	sld [smem:$0x3FFB];
	_ =	sdelay $0x3  }
0x92: {  	_ =	strace s17  }
0x93: {  	s2 =	sld [smem:$0x3FFC];
	_ =	sdelay $0x3  }
0x94: {  	_ =	strace s2  }
0x95: {  	s2 =	sld [smem:$0x3FFD];
	_ =	sdelay $0x3  }
0x96: {  	_ =	strace s2  }
0x97: {  	_ =	strace $0x8FFFFFFF  }
0x98: {  	s18 =	sld [smem:$0x3FDB];
	_ =	sdelay $0x1  }
0x99: {  	s19 =	simm.s32 $_scs_section_size  }
0x9a: {  	s4 =	simm.s32 $_size__tile_overlayer_lowered;
	s5 =	simm.s32 $_tile_overlayer_lowered  }
0x9b: {  	s22 =	simm.s32 $0x1BFF;
	s21 =	sshll.u32 s5, $0x1;
	s2 =	sadd.s32 s19, s18  }
0x9c: {  	s6 =	simm.s32 $0x0;
	s20 =	sshll.u32 s4, $0x1;
	s4 =	sadd.s32 s21, s2  }
0x9d: {  	[timem:s6], [sflag:s22] =	dma.local [hbm:s4], s20  }
0x9e: {  	_ =	swait.ge [sflag:s22], s20  }
0x9f: {  	s3 =	ssub.s32 $0x0, s20;
	[sflag:s22] =	ssyncset.done $0x0  }
0xa0: {  	[sflag:s22] =	ssyncadd.s32 s3;
	_ =	sdelay $0x1  }
0xa1: {  	s23 =	simm.s32 $0x1B8B  }
0xa2: {  	_ =	swait.ge [sflag:s23], $0x1  }
0xa3: {  	[sflag:s23] =	ssyncset.done $0x0  }
0xa4: {  	s25 =	simm.s32 $0x1B8E;
	s24 =	sld [smem:$0x3FFE];
	[sflag:s23] =	ssyncadd.s32 $0xFFFFFFFF  }
0xa5: {  	s26 =	simm.s32 $execute0_lowered;
	[smem:$0x3FD2] =	sst s25  }
0xa6: {  	s4 =	sshll.u32 s26, $0x1;
	_ =	strace $0x80000049;
	[dreg:$0x1] =	wrdreg $0xFFFFFFFF  }
0xa7: {  	s28 =	simm.s32 $_size_execute0_lowered;
	s2 =	sadd.s32 s2, s4;
	[dreg:$0x0] =	wrdreg $0x0  }
0xa8: {  	s4 =	sshll.u32 s28, $0x1;
	[dreg:$0x2] =	wrdreg s2  }
0xa9: {  	[dreg:$0x3] =	wrdreg s4  }
0xaa: {  	[dreg:$0x4] =	wrdreg $0xC0  }
0xab: {  	_ =	task [dreg:s6], $0x5FFFF  }
0xac: {  	[dreg:$0x1] =	wrdreg $0xFFFFFFFF  }
0xad: {  	[dreg:$0x0] =	wrdreg $0x60  }
0xae: {  	[dreg:$0x2] =	wrdreg s24  }
0xaf: {  	[dreg:$0x3] =	wrdreg $0x9  }
0xb0: {  	_ =	task.clear_ibuf [dreg:s6], $0x4FFFF;
	_ =	strace $0x90000049  }
0xb1: {  	s29 =	simm.s32 $0x9;
	_ =	strace $0x8000004B  }
0xb2: {  	_ =	swait.ge [sflag:s29], $0x1  }
0xb3: {  	[sflag:s29] =	ssyncadd.s32 $0xFFFFFFFF  }
0xb4: {  	_ =	strace $0x9000004B  }
0xb5: {  	_ =	sfence  }
0xb6: {  	s30 =	sld [smem:$0x0];
	_ =	sdelay $0x2  }
0xb7: {  	s31 =	sshll.u32 s1, $0xD;
	s1 =	sshrl.u32 s1, $0x2  }
0xb8: {  	s3 =	sand.u32 $0x4000, s31;
	s1 =	sadd.s32 s1, s30  }
0xb9: {  	s0 =	sor.u32 s3, s0;
	s1 =	sshll.u32 s1, $0x11  }
0xba: {  	s0 =	sor.u32 s1, s0  }
0xbb: {  	s0 =	sadd.s32 $0x8F2B, s0  }
0xbc: {  	[sflag:s0] =	ssyncadd.remote.s32 $0x1  }
0xbd: {  	_ =	sfence.sel $0xFFFF  }
0xbe: {  	[dreg:$0x0] =	wrdreg $0xFFFFFFFF;
	(pc) =	sbr.abs _section_cstart, $3  }
0xbf: {  	[dreg:$0x1] =	wrdreg $0xFFFFFFFF  }
0xc0: {  	_ =	task.clear_ibuf [dreg:s6], $0x2FFFF;
	_ =	strace $0x9FFFFFFF  }
0xc1: {  	(tm) =	ssettm $0x7FFFFFFF  }
tec
execute0_lowered:
.L_overlay_start_1:
0x0: {  	(tag) =	ssettag $0x1  }
0x1: {  	s4 =	rddreg [dreg:$0x0]  }
0x2: {  	s0 =	rddreg [dreg:$0x1]  }
0x3: {  	s2 =	simm.s32 $0x0;
	s3 =	srdreg.scid;
	s1 =	stileid.u32  }
0x4: {  	s14 =	simm.s32 $0x100;
	s15 =	simm.s32 $0x4100;
	s16 =	simm.s32 $0x1  }
0x5: {  	s17 =	simm.s32 $0x2;
	s18 =	simm.s32 $0x3;
	s19 =	simm.s32 $0x4  }
0x6: {  	s20 =	simm.s32 $0x0;
	[smem:$0x7FF] =	sst s2;
	s9 =	sand.u32 $0x1, s3  }
0x7: {  	s3 =	sadd.s32 $0x18800, s4;
	s5 =	sshll.u32 s1, $0xE;
	s11 =	sadd.s32 $0x2FE00, s4  }
0x8: {  	s12 =	sadd.s32 $0x4DE00, s4;
	s13 =	sshll.u32 s1, $0x12;
	s6 =	sshll.u32 s9, $0xD  }
0x9: {  	_ =	strace $0x8000004A;
	s7 =	ssub.s32 $0x2, s9;
	s10 =	sor.u32 s6, s5  }
0xa: {  	s9 =	sshll.u32 s9, $0x11;
	s25 =	sshrl.u32 s7, $0x1;
	s8 =	sor.u32 $0x80, s10  }
0xb: {  	s4 =	ssub.s32 s7, s25;
	s5 =	sshrl.u32 s10, $0x3;
	s28 =	sshll.u32 s10, $0x4  }
0xc: {  	s29 =	sor.u32 $0x100, s10;
	s10 =	sor.u32 $0x180, s10;
	s26 =	sshrl.u32 s8, $0x3  }
0xd: {  	s4 =	smax.u32 s4, $0x1;
	s5 =	sadd.s32 s11, s5;
	s8 =	sshll.u32 s8, $0x4  }
0xe: {  	s7 =	sadd.s32 s12, s28;
	s30 =	sshrl.u32 s29, $0x3;
	s31 =	sshrl.u32 s10, $0x3  }
0xf: {  	s6 =	sadd.s32 s11, s26;
	s8 =	sadd.s32 s12, s8;
	s12 =	sadd.s32 s13, s12  }
0x10: {  	s10 =	sadd.s32 s30, s11;
	s11 =	sadd.s32 s31, s11;
	s9 =	sadd.s32 s9, s12  }
0x11: {  	s13 =	simm.s32 $0x80;
	s12 =	simm.s32 $0x5;
	s9 =	sadd.s32 $0x1000, s9  }
.LBB2_1:
0x12: {  	[tilespmem:s2], [sflag:$0x5] =	stream.linear.gather [hbm4b:s5+s2], $0x80, $0x38;
	[tilespmem:$0x8100] =	vst v63  }
0x13: {  	_ =	swait.ge [sflag:s12], $0x80  }
0x14: {  	[sflag:s12] =	ssyncset.done $0x0  }
0x15: {  	[sflag:s12] =	ssyncadd.s32 $0xFFFFFF80  }
0x16: {  	[tilespmem:s14], [sflag:$0x1] =	stream.indirect.gather [hbm4b:s3+s13], $0x80, s2, s13, $0xb8;
	[tilespmem:$0x8100] =	vst v63  }
0x17: {  	_ = 	snop  }
0x18: {  	[tilespmem:s13], [sflag:$0x5] =	stream.linear.gather [hbm4b:s6+s2], $0x80, $0x38;
	[tilespmem:$0x8100] =	vst v63  }
0x19: {  	_ =	swait.ge [sflag:s12], $0x80  }
0x1a: {  	[sflag:s12] =	ssyncset.done $0x0  }
0x1b: {  	[sflag:s12] =	ssyncadd.s32 $0xFFFFFF80  }
0x1c: {  	[tilespmem:s15], [sflag:$0x2] =	stream.indirect.gather [hbm4b:s3+s13], $0x80, s13, s13, $0xb8;
	[tilespmem:$0x8100] =	vst v63  }
0x1d: {  	_ =	swait.ge [sflag:s16], $0x4000  }
0x1e: {  	[sflag:s16] =	ssyncset.done $0x0  }
0x1f: {  	[sflag:s16] =	ssyncadd.s32 $0xFFFFC000  }
0x20: {  	[hbm4b:s7+s2] =	stream.linear.scatter [tilespmem:s14], [sflag:$0x3], $0x4000, $0x38;
	[tilespmem:$0x8100] =	vst v63  }
0x21: {  	_ =	swait.ge [sflag:s17], $0x4000  }
0x22: {  	[sflag:s17] =	ssyncset.done $0x0  }
0x23: {  	[sflag:s17] =	ssyncadd.s32 $0xFFFFC000  }
0x24: {  	[hbm4b:s8+s2] =	stream.linear.scatter [tilespmem:s15], [sflag:$0x4], $0x4000, $0x38;
	[tilespmem:$0x8100] =	vst v63  }
0x25: {  	_ =	swait.ge [sflag:s18], $0x4000  }
0x26: {  	[sflag:s18] =	ssyncset.done $0x0  }
0x27: {  	[sflag:s18] =	ssyncadd.s32 $0xFFFFC000  }
0x28: {  	_ =	swait.ge [sflag:s19], $0x4000  }
0x29: {  	[sflag:s19] =	ssyncset.done $0x0  }
0x2a: {  	s21 =	sadd.s32 $0x0, s10;
	[sflag:s19] =	ssyncadd.s32 $0xFFFFC000  }
0x2b: {  	[tilespmem:s2], [sflag:$0x5] =	stream.linear.gather [hbm4b:s21+s2], $0x80, $0x38;
	[tilespmem:$0x8100] =	vst v63  }
0x2c: {  	_ =	swait.ge [sflag:s12], $0x80  }
0x2d: {  	[sflag:s12] =	ssyncset.done $0x0  }
0x2e: {  	[sflag:s12] =	ssyncadd.s32 $0xFFFFFF80  }
0x2f: {  	[tilespmem:s14], [sflag:$0x1] =	stream.indirect.gather [hbm4b:s3+s13], $0x80, s2, s13, $0xb8;
	[tilespmem:$0x8100] =	vst v63  }
0x30: {  	s31 =	sadd.s32 $0x0, s11  }
0x31: {  	[tilespmem:s13], [sflag:$0x5] =	stream.linear.gather [hbm4b:s31+s2], $0x80, $0x38;
	[tilespmem:$0x8100] =	vst v63  }
0x32: {  	_ =	swait.ge [sflag:s12], $0x80  }
0x33: {  	[sflag:s12] =	ssyncset.done $0x0  }
0x34: {  	[sflag:s12] =	ssyncadd.s32 $0xFFFFFF80  }
0x35: {  	[tilespmem:s15], [sflag:$0x2] =	stream.indirect.gather [hbm4b:s3+s13], $0x80, s13, s13, $0xb8;
	[tilespmem:$0x8100] =	vst v63  }
0x36: {  	_ =	swait.ge [sflag:s16], $0x4000  }
0x37: {  	[sflag:s16] =	ssyncset.done $0x0  }
0x38: {  	[sflag:s16] =	ssyncadd.s32 $0xFFFFC000  }
0x39: {  	[hbm4b:s9+s2] =	stream.linear.scatter [tilespmem:s14], [sflag:$0x3], $0x4000, $0x38;
	[tilespmem:$0x8100] =	vst v63  }
0x3a: {  	_ =	swait.ge [sflag:s17], $0x4000  }
0x3b: {  	s23 =	sadd.s32 $0x800, s9;
	[sflag:s17] =	ssyncset.done $0x0  }
0x3c: {  	s22 =	sadd.s32 $0x1000, s9;
	s21 =	simm.s32 $0x20;
	[sflag:s17] =	ssyncadd.s32 $0xFFFFC000  }
.LBB2_2:
0x3d: {  	[hbm4b:s23+s2] =	stream.linear.scatter [tilespmem:s15], [sflag:$0x4], $0x4000, $0x38;
	[tilespmem:$0x8100] =	vst v63  }
0x3e: {  	s23 =	smov.u32 s21  }
0x3f: {  	p0 =	sne.s32 s21, $0x3C0;
	s21 =	sadd.s32 $0x20, s21;
	_ =	swait.ge [sflag:s18], $0x4000  }
0x40: {  	[sflag:s18] =	ssyncset.done $0x0  }
0x41: {  	[sflag:s18] =	ssyncadd.s32 $0xFFFFC000  }
0x42: {  	_ =	swait.ge [sflag:s19], $0x4000  }
0x43: {  	[sflag:s19] =	ssyncset.done $0x0  }
0x44: {  	s24 =	sadd.s32 s23, s10;
	[sflag:s19] =	ssyncadd.s32 $0xFFFFC000  }
0x45: {  	[tilespmem:s2], [sflag:$0x5] =	stream.linear.gather [hbm4b:s24+s2], $0x80, $0x38;
	[tilespmem:$0x8100] =	vst v63  }
0x46: {  	_ =	swait.ge [sflag:s12], $0x80  }
0x47: {  	[sflag:s12] =	ssyncset.done $0x0  }
0x48: {  	[sflag:s12] =	ssyncadd.s32 $0xFFFFFF80  }
0x49: {  	[tilespmem:s14], [sflag:$0x1] =	stream.indirect.gather [hbm4b:s3+s13], $0x80, s2, s13, $0xb8;
	[tilespmem:$0x8100] =	vst v63  }
0x4a: {  	s23 =	sadd.s32 s23, s11  }
0x4b: {  	[tilespmem:s13], [sflag:$0x5] =	stream.linear.gather [hbm4b:s23+s2], $0x80, $0x38;
	[tilespmem:$0x8100] =	vst v63  }
0x4c: {  	_ =	swait.ge [sflag:s12], $0x80  }
0x4d: {  	[sflag:s12] =	ssyncset.done $0x0  }
0x4e: {  	[sflag:s12] =	ssyncadd.s32 $0xFFFFFF80  }
0x4f: {  	[tilespmem:s15], [sflag:$0x2] =	stream.indirect.gather [hbm4b:s3+s13], $0x80, s13, s13, $0xb8;
	[tilespmem:$0x8100] =	vst v63  }
0x50: {  	_ =	swait.ge [sflag:s16], $0x4000  }
0x51: {  	[sflag:s16] =	ssyncset.done $0x0  }
.Ltmp0:
0x52: {  	[sflag:s16] =	ssyncadd.s32 $0xFFFFC000;
	(pc) =	sbr.rel @p0 .LBB2_2-.Ltmp0, $4  }
0x53: {  	[hbm4b:s22+s2] =	stream.linear.scatter [tilespmem:s14], [sflag:$0x3], $0x4000, $0x38;
	[tilespmem:$0x8100] =	vst v63  }
0x54: {  	_ =	swait.ge [sflag:s17], $0x4000  }
0x55: {  	[sflag:s17] =	ssyncset.done $0x0  }
0x56: {  	s23 =	sadd.s32 $0x800, s22;
	s22 =	sadd.s32 $0x1000, s22;
	[sflag:s17] =	ssyncadd.s32 $0xFFFFC000  }
0x57: {  	[hbm4b:s23+s2] =	stream.linear.scatter [tilespmem:s15], [sflag:$0x4], $0x4000, $0x38;
	[tilespmem:$0x8100] =	vst v63  }
0x58: {  	s20 =	sadd.s32 $0x1, s20  }
0x59: {  	_ =	swait.ge [sflag:s18], $0x4000;
	p0 =	sne.s32 s20, s4  }
.Ltmp1:
0x5a: {  	[sflag:s18] =	ssyncset.done $0x0;
	(pc) =	sbr.rel @p0 .LBB2_1-.Ltmp1, $4  }
0x5b: {  	[sflag:s18] =	ssyncadd.s32 $0xFFFFC000  }
0x5c: {  	_ =	swait.ge [sflag:s19], $0x4000  }
0x5d: {  	[sflag:s19] =	ssyncset.done $0x0  }
0x5e: {  	[sflag:s19] =	ssyncadd.s32 $0xFFFFC000  }
0x5f: {  	_ =	sfence.sel $0x180000  }
0x60: {  	[bflag:$0x0] =	sbarrier.arrive $0xFFFF  }
0x61: {  	p0 =	sne.s32 s1, $0x0;
	_ =	strace $0x9000004A  }
0x62: {  	s0 =	sadd.s32 @!p0 $0x100000, s0;
	[bflag:$0x2] =	sbarrier.arrive $0xFFFF  }
0x63: {  	[sflag:s0] =	ssyncadd.tile.s32 @!p0 $0x1;
	_ =	shalt  }
.Lfunc_end2:
_tile_overlayer_lowered:
.L_overlay_start_2:
0x64: {  	(tag) =	ssettag $0x2  }
0x65: {  	s0 =	rddreg [dreg:$0x0];
	s2 =	stileid.u32  }
0x66: {  	s1 =	rddreg [dreg:$0x1];
	p0 =	sne.s32 s2, $0x0  }
0x67: {  	s3 =	rddreg [dreg:$0x2];
	[bflag:$0x3] =	sbarrier.arrive $0xFFFF;
	s2 =	simm.s32 @!p0 $0x1C05  }
0x68: {  	[timem:s3], [sflag:s2] =	dma.local @!p0 [hbm:s0], s1  }
0x69: {  	s0 =	simm.s32 @!p0 $0x5  }
0x6a: {  	_ =	swait.ge @!p0 [sflag:s0], s1  }
0x6b: {  	s1 =	ssub.s32 @!p0 $0x0, s1;
	[sflag:s0] =	ssyncset.done @!p0 $0x0  }
0x6c: {  	[sflag:s0] =	ssyncadd.s32 @!p0 s1  }
0x6d: {  	[bflag:$0x3] =	sbarrier.arrive $0xFFFF  }
0x6e: {  	_ =	shalt  }

// kernel: kernel.23.cloned.1.call-start
scs
__scs_entry_jumppad:
0x0: {  	(pc) =	sbr.rel $0x88, $3  }
0x1: {  	(tag) =	ssettag $0x0;
	lr =	simm.s32 $0x1  }
0x2: {  	[smem:$0x3F92] =	sst lr;
	_ =	strace $0xD0000000  }
0x3: {  	_ = 	snop  }
0x4: {  	_ = 	snop  }
0x5: {  	_ = 	snop  }
0x6: {  	_ = 	snop  }
0x7: {  	_ = 	snop  }
__scs_overlays_trampoline_lowered:
0x8: {  	[smem:$0x3FA1] =	sst s0  }
0x9: {  	[smem:$0x3FA2] =	sst s1  }
0xa: {  	[smem:$0x3FA3] =	sst s2  }
0xb: {  	[smem:$0x3FA4] =	sst s3  }
0xc: {  	[smem:$0x3FA5] =	sst s4  }
0xd: {  	[smem:$0x3FA6] =	sst s5  }
0xe: {  	[smem:$0x3FA7] =	sst s6  }
0xf: {  	[smem:$0x3FA8] =	sst s7  }
0x10: {  	[smem:$0x3FA9] =	sst s8  }
0x11: {  	[smem:$0x3FAA] =	sst s9;
	s0 =	simm.s32 @!p0 $0x0  }
0x12: {  	s1 =	sld [smem:$0x3F90];
	s0 =	simm.s32 @p0 $0x1  }
0x13: {  	[smem:$0x3FAB] =	sst s0;
	s0 =	simm.s32 @!p1 $0x0  }
0x14: {  	s2 =	sld [smem:$0x3F8F];
	s0 =	simm.s32 @p1 $0x1  }
0x15: {  	[smem:$0x3FAC] =	sst s0;
	s0 =	simm.s32 @!p2 $0x0  }
0x16: {  	s3 =	sld [smem:$0x3FDB];
	s0 =	simm.s32 @p2 $0x1  }
0x17: {  	s4 =	simm.s32 $0x1BF5;
	[smem:$0x3FAE] =	sst s0  }
0x18: {  	s0 =	sld [smem:$0x3F91];
	_ =	swait.ge [sflag:s4], $0x0  }
0x19: {  	s7 =	sld [smem:$0x3F92]  }
0x1a: {  	s8 =	sadd.s32 $0xFFFFE003, lr  }
0x1b: {  	s9 =	sadd.s32 $0xFFFFFEF7, lr;
	s5 =	simm.s32 $0xFFFFFFFF;
	p2 =	slt.u32 s8, $0xFFFFF086  }
0x1c: {  	p1 =	slt.u32 s9, $0xF7A;
	s5 =	simm.s32 @!p2 $0x0  }
0x1d: {  	s5 =	simm.s32 @p1 $0x1;
	p0 =	seq.s32 s7, s2  }
0x1e: {  	s7 =	smul.u32 @!p0 $0xF7A, s2;
	p2 =	seq.s32 @!p0 s5, $0x0  }
0x1f: {  	s9 =	smul.u32 $0xF7A, s1;
	s8 =	simm.s32 @!p0 $0x1BF5;
	p2 =	por !p2, p0  }
0x20: {  	[sflag:s8] =	ssyncset.s32 @!p0 $0xFFFFF086;
	s6 =	sadd.s32 @!p0 s3, s7;
	s7 =	simm.s32 @!p0 $0x108  }
0x21: {  	s3 =	sadd.s32 s3, s9;
	s6 =	sadd.s32 @!p0 $0x88, s6;
	s7 =	simm.s32 @p2 $0x1082  }
0x22: {  	[simem:s7], [sflag:s8] =	dma.local @!p0 [hbm:s6], $0xF7A  }
0x23: {  	s9 =	sor.u32 $0xD0000000, s2;
	s6 =	simm.s32 $0x108;
	_ =	swait.ge @!p0 [sflag:s8], $0x0  }
0x24: {  	s3 =	sadd.s32 $0x88, s3;
	s6 =	simm.s32 @!p1 $0x1082;
	[sflag:s4] =	ssyncset.s32 $0xFFFFF086  }
0x25: {  	[simem:s6], [sflag:s4] =	dma.local [hbm:s3], $0xF7A  }
0x26: {  	[smem:$0x3F92] =	sst s1;
	(tag) =	ssettag s2;
	_ =	strace s9  }
0x27: {  	s1 =	sld [smem:$0x3FA2]  }
0x28: {  	s2 =	sld [smem:$0x3FA3]  }
0x29: {  	s4 =	sld [smem:$0x3FA5]  }
0x2a: {  	p0 =	seq.s32 s5, $0x0;
	s5 =	sld [smem:$0x3FA6]  }
0x2b: {  	s6 =	sld [smem:$0x3FA7]  }
0x2c: {  	s7 =	sld [smem:$0x3FA8]  }
0x2d: {  	s3 =	simm.s32 $0x108;
	s8 =	sld [smem:$0x3FA9]  }
0x2e: {  	s3 =	simm.s32 @!p0 $0x1082;
	s9 =	sld [smem:$0x3FAA]  }
0x2f: {  	lr =	sadd.s32 s0, s3;
	s0 =	sld [smem:$0x3FA1]  }
0x30: {  	s3 =	sld [smem:$0x3FA4]  }
0x31: {  	[smem:$0x3FAD] =	sst s10  }
0x32: {  	s10 =	sld [smem:$0x3FAB];
	_ =	sdelay $0x3  }
0x33: {  	p0 =	seq.s32 s10, $0x1;
	s10 =	sld [smem:$0x3FAD];
	_ =	sdelay $0x3  }
0x34: {  	[smem:$0x3FAD] =	sst s10  }
0x35: {  	s10 =	sld [smem:$0x3FAC];
	_ =	sdelay $0x3  }
0x36: {  	p1 =	seq.s32 s10, $0x1;
	s10 =	sld [smem:$0x3FAD];
	_ =	sdelay $0x3  }
0x37: {  	[smem:$0x3FAD] =	sst s10  }
0x38: {  	s10 =	sld [smem:$0x3FAE]  }
0x39: {  	_ = 	snop;
	(pc) =	sbr.ind lr, $3  }
0x3a: {  	_ = 	snop  }
0x3b: {  	_ = 	snop  }
0x3c: {  	p2 =	seq.s32 s10, $0x1;
	s10 =	sld [smem:$0x3FAD]  }
0x3d: {  	_ =	shalt  }
0x3e: {  	_ =	shalt  }
0x3f: {  	_ =	shalt  }
0x40: {  	_ =	shalt  }
0x41: {  	_ =	shalt  }
0x42: {  	_ =	shalt  }
0x43: {  	_ =	shalt  }
0x44: {  	_ =	shalt  }
0x45: {  	_ =	shalt  }
0x46: {  	_ =	shalt  }
0x47: {  	_ =	shalt  }
0x48: {  	_ =	shalt  }
0x49: {  	_ =	shalt  }
0x4a: {  	_ =	shalt  }
0x4b: {  	_ =	shalt  }
0x4c: {  	_ =	shalt  }
0x4d: {  	_ =	shalt  }
0x4e: {  	_ =	shalt  }
0x4f: {  	_ =	shalt  }
0x50: {  	_ =	shalt  }
0x51: {  	_ =	shalt  }
0x52: {  	_ =	shalt  }
0x53: {  	_ =	shalt  }
0x54: {  	_ =	shalt  }
0x55: {  	_ =	shalt  }
0x56: {  	_ =	shalt  }
0x57: {  	_ =	shalt  }
0x58: {  	_ =	shalt  }
0x59: {  	_ =	shalt  }
0x5a: {  	_ =	shalt  }
0x5b: {  	_ =	shalt  }
0x5c: {  	_ =	shalt  }
0x5d: {  	_ =	shalt  }
0x5e: {  	_ =	shalt  }
0x5f: {  	_ =	shalt  }
0x60: {  	_ =	shalt  }
0x61: {  	_ =	shalt  }
0x62: {  	_ =	shalt  }
0x63: {  	_ =	shalt  }
0x64: {  	_ =	shalt  }
0x65: {  	_ =	shalt  }
0x66: {  	_ =	shalt  }
0x67: {  	_ =	shalt  }
0x68: {  	_ =	shalt  }
0x69: {  	_ =	shalt  }
0x6a: {  	_ =	shalt  }
0x6b: {  	_ =	shalt  }
0x6c: {  	_ =	shalt  }
0x6d: {  	_ =	shalt  }
0x6e: {  	_ =	shalt  }
0x6f: {  	_ =	shalt  }
0x70: {  	_ =	shalt  }
0x71: {  	_ =	shalt  }
0x72: {  	_ =	shalt  }
0x73: {  	_ =	shalt  }
0x74: {  	_ =	shalt  }
0x75: {  	_ =	shalt  }
0x76: {  	_ =	shalt  }
0x77: {  	_ =	shalt  }
0x78: {  	_ =	shalt  }
0x79: {  	_ =	shalt  }
0x7a: {  	_ =	shalt  }
0x7b: {  	_ =	shalt  }
0x7c: {  	_ =	shalt  }
0x7d: {  	_ =	shalt  }
0x7e: {  	_ =	shalt  }
0x7f: {  	_ =	shalt  }
0x80: {  	_ =	shalt  }
0x81: {  	_ =	shalt  }
0x82: {  	_ =	shalt  }
0x83: {  	_ =	shalt  }
0x84: {  	_ =	shalt  }
0x85: {  	_ =	shalt  }
0x86: {  	_ =	shalt  }
0x87: {  	_ =	shalt  }
.Lfunc_end0:
.L_simem_size_0:
called_computation.2_lowered:
.L_overlay_start_0:
0x88: {  	s2 =	sld [smem:$0x3FD9]  }
0x89: {  	s3 =	sld [smem:$0x3FFE];
	_ =	sdelay $0x1  }
0x8a: {  	s1 =	srdreg.scid  }
0x8b: {  	s0 =	sand.u32 $0x1, s1  }
0x8c: {  	s16 =	sshll.u32 s0, $0xA;
	s2 =	sadd.s32 s3, s2  }
0x8d: {  	s2 =	sadd.s32 s2, s16  }
0x8e: {  	[smem:$0x3FB9] =	sst s2  }
0x8f: {  	_ = 	snop  }
0x90: {  	(tm) =	ssettm $0x1  }
0x91: {  	s17 =	sld [smem:$0x3FFB];
	_ =	sdelay $0x3  }
0x92: {  	_ =	strace s17  }
0x93: {  	s2 =	sld [smem:$0x3FFC];
	_ =	sdelay $0x3  }
0x94: {  	_ =	strace s2  }
0x95: {  	s2 =	sld [smem:$0x3FFD];
	_ =	sdelay $0x3  }
0x96: {  	_ =	strace s2  }
0x97: {  	_ =	strace $0x8FFFFFFF  }
0x98: {  	s18 =	sld [smem:$0x3FDB];
	_ =	sdelay $0x1  }
0x99: {  	s19 =	simm.s32 $_scs_section_size  }
0x9a: {  	s4 =	simm.s32 $_size__tile_overlayer_lowered;
	s5 =	simm.s32 $_tile_overlayer_lowered  }
0x9b: {  	s22 =	simm.s32 $0x1BFF;
	s21 =	sshll.u32 s5, $0x1;
	s2 =	sadd.s32 s19, s18  }
0x9c: {  	s6 =	simm.s32 $0x0;
	s20 =	sshll.u32 s4, $0x1;
	s4 =	sadd.s32 s21, s2  }
0x9d: {  	[timem:s6], [sflag:s22] =	dma.local [hbm:s4], s20  }
0x9e: {  	_ =	swait.ge [sflag:s22], s20  }
0x9f: {  	s3 =	ssub.s32 $0x0, s20;
	[sflag:s22] =	ssyncset.done $0x0  }
0xa0: {  	[sflag:s22] =	ssyncadd.s32 s3;
	_ =	sdelay $0x1  }
0xa1: {  	s23 =	simm.s32 $0x1B8B  }
0xa2: {  	_ =	swait.ge [sflag:s23], $0x1  }
0xa3: {  	[sflag:s23] =	ssyncset.done $0x0  }
0xa4: {  	s25 =	simm.s32 $0x1B8E;
	s24 =	sld [smem:$0x3FFE];
	[sflag:s23] =	ssyncadd.s32 $0xFFFFFFFF  }
0xa5: {  	s26 =	simm.s32 $execute0_lowered;
	[smem:$0x3FD2] =	sst s25  }
0xa6: {  	s4 =	sshll.u32 s26, $0x1;
	_ =	strace $0x8000004C;
	[dreg:$0x1] =	wrdreg $0xFFFFFFFF  }
0xa7: {  	s28 =	simm.s32 $_size_execute0_lowered;
	s2 =	sadd.s32 s2, s4;
	[dreg:$0x0] =	wrdreg $0x0  }
0xa8: {  	s4 =	sshll.u32 s28, $0x1;
	[dreg:$0x2] =	wrdreg s2  }
0xa9: {  	[dreg:$0x3] =	wrdreg s4  }
0xaa: {  	[dreg:$0x4] =	wrdreg $0xC0  }
0xab: {  	_ =	task [dreg:s6], $0x5FFFF  }
0xac: {  	[dreg:$0x1] =	wrdreg $0xFFFFFFFF  }
0xad: {  	[dreg:$0x0] =	wrdreg $0x60  }
0xae: {  	[dreg:$0x2] =	wrdreg s24  }
0xaf: {  	[dreg:$0x3] =	wrdreg $0x9  }
0xb0: {  	_ =	task.clear_ibuf [dreg:s6], $0x4FFFF;
	_ =	strace $0x9000004C  }
0xb1: {  	s29 =	simm.s32 $0x9;
	_ =	strace $0x8000004E  }
0xb2: {  	_ =	swait.ge [sflag:s29], $0x1  }
0xb3: {  	[sflag:s29] =	ssyncadd.s32 $0xFFFFFFFF  }
0xb4: {  	_ =	strace $0x9000004E  }
0xb5: {  	_ =	sfence  }
0xb6: {  	s30 =	sld [smem:$0x0];
	_ =	sdelay $0x2  }
0xb7: {  	s31 =	sshll.u32 s1, $0xD;
	s1 =	sshrl.u32 s1, $0x2  }
0xb8: {  	s3 =	sand.u32 $0x4000, s31;
	s1 =	sadd.s32 s1, s30  }
0xb9: {  	s0 =	sor.u32 s3, s0;
	s1 =	sshll.u32 s1, $0x11  }
0xba: {  	s0 =	sor.u32 s1, s0  }
0xbb: {  	s0 =	sadd.s32 $0x8F2B, s0  }
0xbc: {  	[sflag:s0] =	ssyncadd.remote.s32 $0x1  }
0xbd: {  	_ =	sfence.sel $0xFFFF  }
0xbe: {  	[dreg:$0x0] =	wrdreg $0xFFFFFFFF;
	(pc) =	sbr.abs _section_cstart, $3  }
0xbf: {  	[dreg:$0x1] =	wrdreg $0xFFFFFFFF  }
0xc0: {  	_ =	task.clear_ibuf [dreg:s6], $0x2FFFF;
	_ =	strace $0x9FFFFFFF  }
0xc1: {  	(tm) =	ssettm $0x7FFFFFFF  }
tec
execute0_lowered:
.L_overlay_start_1:
0x0: {  	(tag) =	ssettag $0x1  }
0x1: {  	s4 =	rddreg [dreg:$0x0]  }
0x2: {  	s0 =	rddreg [dreg:$0x1]  }
0x3: {  	s2 =	simm.s32 $0x0;
	s3 =	srdreg.scid;
	s1 =	stileid.u32  }
0x4: {  	s14 =	simm.s32 $0x100;
	s15 =	simm.s32 $0x4100;
	s16 =	simm.s32 $0x1  }
0x5: {  	s17 =	simm.s32 $0x2;
	s18 =	simm.s32 $0x3;
	s19 =	simm.s32 $0x4  }
0x6: {  	s20 =	simm.s32 $0x0;
	[smem:$0x7FF] =	sst s2;
	s9 =	sand.u32 $0x1, s3  }
0x7: {  	s3 =	sadd.s32 $0x18800, s4;
	s5 =	sshll.u32 s1, $0xE;
	s11 =	sadd.s32 $0x2FE00, s4  }
0x8: {  	s12 =	sadd.s32 $0x4DE00, s4;
	s13 =	sshll.u32 s1, $0x12;
	s6 =	sshll.u32 s9, $0xD  }
0x9: {  	_ =	strace $0x8000004D;
	s7 =	ssub.s32 $0x2, s9;
	s10 =	sor.u32 s6, s5  }
0xa: {  	s9 =	sshll.u32 s9, $0x11;
	s25 =	sshrl.u32 s7, $0x1;
	s8 =	sor.u32 $0x80, s10  }
0xb: {  	s4 =	ssub.s32 s7, s25;
	s5 =	sshrl.u32 s10, $0x3;
	s28 =	sshll.u32 s10, $0x4  }
0xc: {  	s29 =	sor.u32 $0x100, s10;
	s10 =	sor.u32 $0x180, s10;
	s26 =	sshrl.u32 s8, $0x3  }
0xd: {  	s4 =	smax.u32 s4, $0x1;
	s5 =	sadd.s32 s11, s5;
	s8 =	sshll.u32 s8, $0x4  }
0xe: {  	s7 =	sadd.s32 s12, s28;
	s30 =	sshrl.u32 s29, $0x3;
	s31 =	sshrl.u32 s10, $0x3  }
0xf: {  	s6 =	sadd.s32 s11, s26;
	s8 =	sadd.s32 s12, s8;
	s12 =	sadd.s32 s13, s12  }
0x10: {  	s10 =	sadd.s32 s30, s11;
	s11 =	sadd.s32 s31, s11;
	s9 =	sadd.s32 s9, s12  }
0x11: {  	s13 =	simm.s32 $0x80;
	s12 =	simm.s32 $0x5;
	s9 =	sadd.s32 $0x1000, s9  }
.LBB2_1:
0x12: {  	[tilespmem:s2], [sflag:$0x5] =	stream.linear.gather [hbm4b:s5+s2], $0x80, $0x38;
	[tilespmem:$0x8100] =	vst v63  }
0x13: {  	_ =	swait.ge [sflag:s12], $0x80  }
0x14: {  	[sflag:s12] =	ssyncset.done $0x0  }
0x15: {  	[sflag:s12] =	ssyncadd.s32 $0xFFFFFF80  }
0x16: {  	[tilespmem:s14], [sflag:$0x1] =	stream.indirect.gather [hbm4b:s3+s13], $0x80, s2, s13, $0xb8;
	[tilespmem:$0x8100] =	vst v63  }
0x17: {  	_ = 	snop  }
0x18: {  	[tilespmem:s13], [sflag:$0x5] =	stream.linear.gather [hbm4b:s6+s2], $0x80, $0x38;
	[tilespmem:$0x8100] =	vst v63  }
0x19: {  	_ =	swait.ge [sflag:s12], $0x80  }
0x1a: {  	[sflag:s12] =	ssyncset.done $0x0  }
0x1b: {  	[sflag:s12] =	ssyncadd.s32 $0xFFFFFF80  }
0x1c: {  	[tilespmem:s15], [sflag:$0x2] =	stream.indirect.gather [hbm4b:s3+s13], $0x80, s13, s13, $0xb8;
	[tilespmem:$0x8100] =	vst v63  }
0x1d: {  	_ =	swait.ge [sflag:s16], $0x4000  }
0x1e: {  	[sflag:s16] =	ssyncset.done $0x0  }
0x1f: {  	[sflag:s16] =	ssyncadd.s32 $0xFFFFC000  }
0x20: {  	[hbm4b:s7+s2] =	stream.linear.scatter [tilespmem:s14], [sflag:$0x3], $0x4000, $0x38;
	[tilespmem:$0x8100] =	vst v63  }
0x21: {  	_ =	swait.ge [sflag:s17], $0x4000  }
0x22: {  	[sflag:s17] =	ssyncset.done $0x0  }
0x23: {  	[sflag:s17] =	ssyncadd.s32 $0xFFFFC000  }
0x24: {  	[hbm4b:s8+s2] =	stream.linear.scatter [tilespmem:s15], [sflag:$0x4], $0x4000, $0x38;
	[tilespmem:$0x8100] =	vst v63  }
0x25: {  	_ =	swait.ge [sflag:s18], $0x4000  }
0x26: {  	[sflag:s18] =	ssyncset.done $0x0  }
0x27: {  	[sflag:s18] =	ssyncadd.s32 $0xFFFFC000  }
0x28: {  	_ =	swait.ge [sflag:s19], $0x4000  }
0x29: {  	[sflag:s19] =	ssyncset.done $0x0  }
0x2a: {  	s21 =	sadd.s32 $0x0, s10;
	[sflag:s19] =	ssyncadd.s32 $0xFFFFC000  }
0x2b: {  	[tilespmem:s2], [sflag:$0x5] =	stream.linear.gather [hbm4b:s21+s2], $0x80, $0x38;
	[tilespmem:$0x8100] =	vst v63  }
0x2c: {  	_ =	swait.ge [sflag:s12], $0x80  }
0x2d: {  	[sflag:s12] =	ssyncset.done $0x0  }
0x2e: {  	[sflag:s12] =	ssyncadd.s32 $0xFFFFFF80  }
0x2f: {  	[tilespmem:s14], [sflag:$0x1] =	stream.indirect.gather [hbm4b:s3+s13], $0x80, s2, s13, $0xb8;
	[tilespmem:$0x8100] =	vst v63  }
0x30: {  	s31 =	sadd.s32 $0x0, s11  }
0x31: {  	[tilespmem:s13], [sflag:$0x5] =	stream.linear.gather [hbm4b:s31+s2], $0x80, $0x38;
	[tilespmem:$0x8100] =	vst v63  }
0x32: {  	_ =	swait.ge [sflag:s12], $0x80  }
0x33: {  	[sflag:s12] =	ssyncset.done $0x0  }
0x34: {  	[sflag:s12] =	ssyncadd.s32 $0xFFFFFF80  }
0x35: {  	[tilespmem:s15], [sflag:$0x2] =	stream.indirect.gather [hbm4b:s3+s13], $0x80, s13, s13, $0xb8;
	[tilespmem:$0x8100] =	vst v63  }
0x36: {  	_ =	swait.ge [sflag:s16], $0x4000  }
0x37: {  	[sflag:s16] =	ssyncset.done $0x0  }
0x38: {  	[sflag:s16] =	ssyncadd.s32 $0xFFFFC000  }
0x39: {  	[hbm4b:s9+s2] =	stream.linear.scatter [tilespmem:s14], [sflag:$0x3], $0x4000, $0x38;
	[tilespmem:$0x8100] =	vst v63  }
0x3a: {  	_ =	swait.ge [sflag:s17], $0x4000  }
0x3b: {  	s23 =	sadd.s32 $0x800, s9;
	[sflag:s17] =	ssyncset.done $0x0  }
0x3c: {  	s22 =	sadd.s32 $0x1000, s9;
	s21 =	simm.s32 $0x20;
	[sflag:s17] =	ssyncadd.s32 $0xFFFFC000  }
.LBB2_2:
0x3d: {  	[hbm4b:s23+s2] =	stream.linear.scatter [tilespmem:s15], [sflag:$0x4], $0x4000, $0x38;
	[tilespmem:$0x8100] =	vst v63  }
0x3e: {  	s23 =	smov.u32 s21  }
0x3f: {  	p0 =	sne.s32 s21, $0x3C0;
	s21 =	sadd.s32 $0x20, s21;
	_ =	swait.ge [sflag:s18], $0x4000  }
0x40: {  	[sflag:s18] =	ssyncset.done $0x0  }
0x41: {  	[sflag:s18] =	ssyncadd.s32 $0xFFFFC000  }
0x42: {  	_ =	swait.ge [sflag:s19], $0x4000  }
0x43: {  	[sflag:s19] =	ssyncset.done $0x0  }
0x44: {  	s24 =	sadd.s32 s23, s10;
	[sflag:s19] =	ssyncadd.s32 $0xFFFFC000  }
0x45: {  	[tilespmem:s2], [sflag:$0x5] =	stream.linear.gather [hbm4b:s24+s2], $0x80, $0x38;
	[tilespmem:$0x8100] =	vst v63  }
0x46: {  	_ =	swait.ge [sflag:s12], $0x80  }
0x47: {  	[sflag:s12] =	ssyncset.done $0x0  }
0x48: {  	[sflag:s12] =	ssyncadd.s32 $0xFFFFFF80  }
0x49: {  	[tilespmem:s14], [sflag:$0x1] =	stream.indirect.gather [hbm4b:s3+s13], $0x80, s2, s13, $0xb8;
	[tilespmem:$0x8100] =	vst v63  }
0x4a: {  	s23 =	sadd.s32 s23, s11  }
0x4b: {  	[tilespmem:s13], [sflag:$0x5] =	stream.linear.gather [hbm4b:s23+s2], $0x80, $0x38;
	[tilespmem:$0x8100] =	vst v63  }
0x4c: {  	_ =	swait.ge [sflag:s12], $0x80  }
0x4d: {  	[sflag:s12] =	ssyncset.done $0x0  }
0x4e: {  	[sflag:s12] =	ssyncadd.s32 $0xFFFFFF80  }
0x4f: {  	[tilespmem:s15], [sflag:$0x2] =	stream.indirect.gather [hbm4b:s3+s13], $0x80, s13, s13, $0xb8;
	[tilespmem:$0x8100] =	vst v63  }
0x50: {  	_ =	swait.ge [sflag:s16], $0x4000  }
0x51: {  	[sflag:s16] =	ssyncset.done $0x0  }
.Ltmp0:
0x52: {  	[sflag:s16] =	ssyncadd.s32 $0xFFFFC000;
	(pc) =	sbr.rel @p0 .LBB2_2-.Ltmp0, $4  }
0x53: {  	[hbm4b:s22+s2] =	stream.linear.scatter [tilespmem:s14], [sflag:$0x3], $0x4000, $0x38;
	[tilespmem:$0x8100] =	vst v63  }
0x54: {  	_ =	swait.ge [sflag:s17], $0x4000  }
0x55: {  	[sflag:s17] =	ssyncset.done $0x0  }
0x56: {  	s23 =	sadd.s32 $0x800, s22;
	s22 =	sadd.s32 $0x1000, s22;
	[sflag:s17] =	ssyncadd.s32 $0xFFFFC000  }
0x57: {  	[hbm4b:s23+s2] =	stream.linear.scatter [tilespmem:s15], [sflag:$0x4], $0x4000, $0x38;
	[tilespmem:$0x8100] =	vst v63  }
0x58: {  	s20 =	sadd.s32 $0x1, s20  }
0x59: {  	_ =	swait.ge [sflag:s18], $0x4000;
	p0 =	sne.s32 s20, s4  }
.Ltmp1:
0x5a: {  	[sflag:s18] =	ssyncset.done $0x0;
	(pc) =	sbr.rel @p0 .LBB2_1-.Ltmp1, $4  }
0x5b: {  	[sflag:s18] =	ssyncadd.s32 $0xFFFFC000  }
0x5c: {  	_ =	swait.ge [sflag:s19], $0x4000  }
0x5d: {  	[sflag:s19] =	ssyncset.done $0x0  }
0x5e: {  	[sflag:s19] =	ssyncadd.s32 $0xFFFFC000  }
0x5f: {  	_ =	sfence.sel $0x180000  }
0x60: {  	[bflag:$0x0] =	sbarrier.arrive $0xFFFF  }
0x61: {  	p0 =	sne.s32 s1, $0x0;
	_ =	strace $0x9000004D  }
0x62: {  	s0 =	sadd.s32 @!p0 $0x100000, s0;
	[bflag:$0x2] =	sbarrier.arrive $0xFFFF  }
0x63: {  	[sflag:s0] =	ssyncadd.tile.s32 @!p0 $0x1;
	_ =	shalt  }
.Lfunc_end2:
_tile_overlayer_lowered:
.L_overlay_start_2:
0x64: {  	(tag) =	ssettag $0x2  }
0x65: {  	s0 =	rddreg [dreg:$0x0];
	s2 =	stileid.u32  }
0x66: {  	s1 =	rddreg [dreg:$0x1];
	p0 =	sne.s32 s2, $0x0  }
0x67: {  	s3 =	rddreg [dreg:$0x2];
	[bflag:$0x3] =	sbarrier.arrive $0xFFFF;
	s2 =	simm.s32 @!p0 $0x1C05  }
0x68: {  	[timem:s3], [sflag:s2] =	dma.local @!p0 [hbm:s0], s1  }
0x69: {  	s0 =	simm.s32 @!p0 $0x5  }
0x6a: {  	_ =	swait.ge @!p0 [sflag:s0], s1  }
0x6b: {  	s1 =	ssub.s32 @!p0 $0x0, s1;
	[sflag:s0] =	ssyncset.done @!p0 $0x0  }
0x6c: {  	[sflag:s0] =	ssyncadd.s32 @!p0 s1  }
0x6d: {  	[bflag:$0x3] =	sbarrier.arrive $0xFFFF  }
0x6e: {  	_ =	shalt  }

// kernel: kernel.26.cloned.1.call-start
scs
__scs_entry_jumppad:
0x0: {  	(pc) =	sbr.rel $0x88, $3  }
0x1: {  	(tag) =	ssettag $0x0;
	lr =	simm.s32 $0x1  }
0x2: {  	[smem:$0x3F92] =	sst lr;
	_ =	strace $0xD0000000  }
0x3: {  	_ = 	snop  }
0x4: {  	_ = 	snop  }
0x5: {  	_ = 	snop  }
0x6: {  	_ = 	snop  }
0x7: {  	_ = 	snop  }
__scs_overlays_trampoline_lowered:
0x8: {  	[smem:$0x3FA1] =	sst s0  }
0x9: {  	[smem:$0x3FA2] =	sst s1  }
0xa: {  	[smem:$0x3FA3] =	sst s2  }
0xb: {  	[smem:$0x3FA4] =	sst s3  }
0xc: {  	[smem:$0x3FA5] =	sst s4  }
0xd: {  	[smem:$0x3FA6] =	sst s5  }
0xe: {  	[smem:$0x3FA7] =	sst s6  }
0xf: {  	[smem:$0x3FA8] =	sst s7  }
0x10: {  	[smem:$0x3FA9] =	sst s8  }
0x11: {  	[smem:$0x3FAA] =	sst s9;
	s0 =	simm.s32 @!p0 $0x0  }
0x12: {  	s1 =	sld [smem:$0x3F90];
	s0 =	simm.s32 @p0 $0x1  }
0x13: {  	[smem:$0x3FAB] =	sst s0;
	s0 =	simm.s32 @!p1 $0x0  }
0x14: {  	s2 =	sld [smem:$0x3F8F];
	s0 =	simm.s32 @p1 $0x1  }
0x15: {  	[smem:$0x3FAC] =	sst s0;
	s0 =	simm.s32 @!p2 $0x0  }
0x16: {  	s3 =	sld [smem:$0x3FDB];
	s0 =	simm.s32 @p2 $0x1  }
0x17: {  	s4 =	simm.s32 $0x1BF5;
	[smem:$0x3FAE] =	sst s0  }
0x18: {  	s0 =	sld [smem:$0x3F91];
	_ =	swait.ge [sflag:s4], $0x0  }
0x19: {  	s7 =	sld [smem:$0x3F92]  }
0x1a: {  	s8 =	sadd.s32 $0xFFFFE003, lr  }
0x1b: {  	s9 =	sadd.s32 $0xFFFFFEF7, lr;
	s5 =	simm.s32 $0xFFFFFFFF;
	p2 =	slt.u32 s8, $0xFFFFF086  }
0x1c: {  	p1 =	slt.u32 s9, $0xF7A;
	s5 =	simm.s32 @!p2 $0x0  }
0x1d: {  	s5 =	simm.s32 @p1 $0x1;
	p0 =	seq.s32 s7, s2  }
0x1e: {  	s7 =	smul.u32 @!p0 $0xF7A, s2;
	p2 =	seq.s32 @!p0 s5, $0x0  }
0x1f: {  	s9 =	smul.u32 $0xF7A, s1;
	s8 =	simm.s32 @!p0 $0x1BF5;
	p2 =	por !p2, p0  }
0x20: {  	[sflag:s8] =	ssyncset.s32 @!p0 $0xFFFFF086;
	s6 =	sadd.s32 @!p0 s3, s7;
	s7 =	simm.s32 @!p0 $0x108  }
0x21: {  	s3 =	sadd.s32 s3, s9;
	s6 =	sadd.s32 @!p0 $0x88, s6;
	s7 =	simm.s32 @p2 $0x1082  }
0x22: {  	[simem:s7], [sflag:s8] =	dma.local @!p0 [hbm:s6], $0xF7A  }
0x23: {  	s9 =	sor.u32 $0xD0000000, s2;
	s6 =	simm.s32 $0x108;
	_ =	swait.ge @!p0 [sflag:s8], $0x0  }
0x24: {  	s3 =	sadd.s32 $0x88, s3;
	s6 =	simm.s32 @!p1 $0x1082;
	[sflag:s4] =	ssyncset.s32 $0xFFFFF086  }
0x25: {  	[simem:s6], [sflag:s4] =	dma.local [hbm:s3], $0xF7A  }
0x26: {  	[smem:$0x3F92] =	sst s1;
	(tag) =	ssettag s2;
	_ =	strace s9  }
0x27: {  	s1 =	sld [smem:$0x3FA2]  }
0x28: {  	s2 =	sld [smem:$0x3FA3]  }
0x29: {  	s4 =	sld [smem:$0x3FA5]  }
0x2a: {  	p0 =	seq.s32 s5, $0x0;
	s5 =	sld [smem:$0x3FA6]  }
0x2b: {  	s6 =	sld [smem:$0x3FA7]  }
0x2c: {  	s7 =	sld [smem:$0x3FA8]  }
0x2d: {  	s3 =	simm.s32 $0x108;
	s8 =	sld [smem:$0x3FA9]  }
0x2e: {  	s3 =	simm.s32 @!p0 $0x1082;
	s9 =	sld [smem:$0x3FAA]  }
0x2f: {  	lr =	sadd.s32 s0, s3;
	s0 =	sld [smem:$0x3FA1]  }
0x30: {  	s3 =	sld [smem:$0x3FA4]  }
0x31: {  	[smem:$0x3FAD] =	sst s10  }
0x32: {  	s10 =	sld [smem:$0x3FAB];
	_ =	sdelay $0x3  }
0x33: {  	p0 =	seq.s32 s10, $0x1;
	s10 =	sld [smem:$0x3FAD];
	_ =	sdelay $0x3  }
0x34: {  	[smem:$0x3FAD] =	sst s10  }
0x35: {  	s10 =	sld [smem:$0x3FAC];
	_ =	sdelay $0x3  }
0x36: {  	p1 =	seq.s32 s10, $0x1;
	s10 =	sld [smem:$0x3FAD];
	_ =	sdelay $0x3  }
0x37: {  	[smem:$0x3FAD] =	sst s10  }
0x38: {  	s10 =	sld [smem:$0x3FAE]  }
0x39: {  	_ = 	snop;
	(pc) =	sbr.ind lr, $3  }
0x3a: {  	_ = 	snop  }
0x3b: {  	_ = 	snop  }
0x3c: {  	p2 =	seq.s32 s10, $0x1;
	s10 =	sld [smem:$0x3FAD]  }
0x3d: {  	_ =	shalt  }
0x3e: {  	_ =	shalt  }
0x3f: {  	_ =	shalt  }
0x40: {  	_ =	shalt  }
0x41: {  	_ =	shalt  }
0x42: {  	_ =	shalt  }
0x43: {  	_ =	shalt  }
0x44: {  	_ =	shalt  }
0x45: {  	_ =	shalt  }
0x46: {  	_ =	shalt  }
0x47: {  	_ =	shalt  }
0x48: {  	_ =	shalt  }
0x49: {  	_ =	shalt  }
0x4a: {  	_ =	shalt  }
0x4b: {  	_ =	shalt  }
0x4c: {  	_ =	shalt  }
0x4d: {  	_ =	shalt  }
0x4e: {  	_ =	shalt  }
0x4f: {  	_ =	shalt  }
0x50: {  	_ =	shalt  }
0x51: {  	_ =	shalt  }
0x52: {  	_ =	shalt  }
0x53: {  	_ =	shalt  }
0x54: {  	_ =	shalt  }
0x55: {  	_ =	shalt  }
0x56: {  	_ =	shalt  }
0x57: {  	_ =	shalt  }
0x58: {  	_ =	shalt  }
0x59: {  	_ =	shalt  }
0x5a: {  	_ =	shalt  }
0x5b: {  	_ =	shalt  }
0x5c: {  	_ =	shalt  }
0x5d: {  	_ =	shalt  }
0x5e: {  	_ =	shalt  }
0x5f: {  	_ =	shalt  }
0x60: {  	_ =	shalt  }
0x61: {  	_ =	shalt  }
0x62: {  	_ =	shalt  }
0x63: {  	_ =	shalt  }
0x64: {  	_ =	shalt  }
0x65: {  	_ =	shalt  }
0x66: {  	_ =	shalt  }
0x67: {  	_ =	shalt  }
0x68: {  	_ =	shalt  }
0x69: {  	_ =	shalt  }
0x6a: {  	_ =	shalt  }
0x6b: {  	_ =	shalt  }
0x6c: {  	_ =	shalt  }
0x6d: {  	_ =	shalt  }
0x6e: {  	_ =	shalt  }
0x6f: {  	_ =	shalt  }
0x70: {  	_ =	shalt  }
0x71: {  	_ =	shalt  }
0x72: {  	_ =	shalt  }
0x73: {  	_ =	shalt  }
0x74: {  	_ =	shalt  }
0x75: {  	_ =	shalt  }
0x76: {  	_ =	shalt  }
0x77: {  	_ =	shalt  }
0x78: {  	_ =	shalt  }
0x79: {  	_ =	shalt  }
0x7a: {  	_ =	shalt  }
0x7b: {  	_ =	shalt  }
0x7c: {  	_ =	shalt  }
0x7d: {  	_ =	shalt  }
0x7e: {  	_ =	shalt  }
0x7f: {  	_ =	shalt  }
0x80: {  	_ =	shalt  }
0x81: {  	_ =	shalt  }
0x82: {  	_ =	shalt  }
0x83: {  	_ =	shalt  }
0x84: {  	_ =	shalt  }
0x85: {  	_ =	shalt  }
0x86: {  	_ =	shalt  }
0x87: {  	_ =	shalt  }
.Lfunc_end0:
.L_simem_size_0:
called_computation.3_lowered:
.L_overlay_start_0:
0x88: {  	s2 =	sld [smem:$0x3FD9]  }
0x89: {  	s3 =	sld [smem:$0x3FFE];
	_ =	sdelay $0x1  }
0x8a: {  	s1 =	srdreg.scid  }
0x8b: {  	s0 =	sand.u32 $0x1, s1  }
0x8c: {  	s16 =	sshll.u32 s0, $0xA;
	s2 =	sadd.s32 s3, s2  }
0x8d: {  	s2 =	sadd.s32 s2, s16  }
0x8e: {  	[smem:$0x3FB9] =	sst s2  }
0x8f: {  	_ = 	snop  }
0x90: {  	(tm) =	ssettm $0x1  }
0x91: {  	s17 =	sld [smem:$0x3FFB];
	_ =	sdelay $0x3  }
0x92: {  	_ =	strace s17  }
0x93: {  	s2 =	sld [smem:$0x3FFC];
	_ =	sdelay $0x3  }
0x94: {  	_ =	strace s2  }
0x95: {  	s2 =	sld [smem:$0x3FFD];
	_ =	sdelay $0x3  }
0x96: {  	_ =	strace s2  }
0x97: {  	_ =	strace $0x8FFFFFFF  }
0x98: {  	s18 =	sld [smem:$0x3FDB];
	_ =	sdelay $0x1  }
0x99: {  	s19 =	simm.s32 $_scs_section_size  }
0x9a: {  	s4 =	simm.s32 $_size__tile_overlayer_lowered;
	s5 =	simm.s32 $_tile_overlayer_lowered  }
0x9b: {  	s22 =	simm.s32 $0x1BFF;
	s21 =	sshll.u32 s5, $0x1;
	s2 =	sadd.s32 s19, s18  }
0x9c: {  	s6 =	simm.s32 $0x0;
	s20 =	sshll.u32 s4, $0x1;
	s4 =	sadd.s32 s21, s2  }
0x9d: {  	[timem:s6], [sflag:s22] =	dma.local [hbm:s4], s20  }
0x9e: {  	_ =	swait.ge [sflag:s22], s20  }
0x9f: {  	s3 =	ssub.s32 $0x0, s20;
	[sflag:s22] =	ssyncset.done $0x0  }
0xa0: {  	[sflag:s22] =	ssyncadd.s32 s3;
	_ =	sdelay $0x1  }
0xa1: {  	s23 =	simm.s32 $0x1B8B  }
0xa2: {  	_ =	swait.ge [sflag:s23], $0x1  }
0xa3: {  	[sflag:s23] =	ssyncset.done $0x0  }
0xa4: {  	s25 =	simm.s32 $0x1B8E;
	s24 =	sld [smem:$0x3FFE];
	[sflag:s23] =	ssyncadd.s32 $0xFFFFFFFF  }
0xa5: {  	s26 =	simm.s32 $execute0_lowered;
	[smem:$0x3FD2] =	sst s25  }
0xa6: {  	s4 =	sshll.u32 s26, $0x1;
	_ =	strace $0x8000004F;
	[dreg:$0x1] =	wrdreg $0xFFFFFFFF  }
0xa7: {  	s28 =	simm.s32 $_size_execute0_lowered;
	s2 =	sadd.s32 s2, s4;
	[dreg:$0x0] =	wrdreg $0x0  }
0xa8: {  	s4 =	sshll.u32 s28, $0x1;
	[dreg:$0x2] =	wrdreg s2  }
0xa9: {  	[dreg:$0x3] =	wrdreg s4  }
0xaa: {  	[dreg:$0x4] =	wrdreg $0xC0  }
0xab: {  	_ =	task [dreg:s6], $0x5FFFF  }
0xac: {  	[dreg:$0x1] =	wrdreg $0xFFFFFFFF  }
0xad: {  	[dreg:$0x0] =	wrdreg $0x60  }
0xae: {  	[dreg:$0x2] =	wrdreg s24  }
0xaf: {  	[dreg:$0x3] =	wrdreg $0x9  }
0xb0: {  	_ =	task.clear_ibuf [dreg:s6], $0x4FFFF;
	_ =	strace $0x9000004F  }
0xb1: {  	s29 =	simm.s32 $0x9;
	_ =	strace $0x80000051  }
0xb2: {  	_ =	swait.ge [sflag:s29], $0x1  }
0xb3: {  	[sflag:s29] =	ssyncadd.s32 $0xFFFFFFFF  }
0xb4: {  	_ =	strace $0x90000051  }
0xb5: {  	_ =	sfence  }
0xb6: {  	s30 =	sld [smem:$0x0];
	_ =	sdelay $0x2  }
0xb7: {  	s31 =	sshll.u32 s1, $0xD;
	s1 =	sshrl.u32 s1, $0x2  }
0xb8: {  	s3 =	sand.u32 $0x4000, s31;
	s1 =	sadd.s32 s1, s30  }
0xb9: {  	s0 =	sor.u32 s3, s0;
	s1 =	sshll.u32 s1, $0x11  }
0xba: {  	s0 =	sor.u32 s1, s0  }
0xbb: {  	s0 =	sadd.s32 $0x8F2B, s0  }
0xbc: {  	[sflag:s0] =	ssyncadd.remote.s32 $0x1  }
0xbd: {  	_ =	sfence.sel $0xFFFF  }
0xbe: {  	[dreg:$0x0] =	wrdreg $0xFFFFFFFF;
	(pc) =	sbr.abs _section_cstart, $3  }
0xbf: {  	[dreg:$0x1] =	wrdreg $0xFFFFFFFF  }
0xc0: {  	_ =	task.clear_ibuf [dreg:s6], $0x2FFFF;
	_ =	strace $0x9FFFFFFF  }
0xc1: {  	(tm) =	ssettm $0x7FFFFFFF  }
tec
execute0_lowered:
.L_overlay_start_1:
0x0: {  	(tag) =	ssettag $0x1  }
0x1: {  	s4 =	rddreg [dreg:$0x0]  }
0x2: {  	s0 =	rddreg [dreg:$0x1]  }
0x3: {  	s2 =	simm.s32 $0x0;
	s3 =	srdreg.scid;
	s1 =	stileid.u32  }
0x4: {  	s14 =	simm.s32 $0x100;
	s15 =	simm.s32 $0x4100;
	s16 =	simm.s32 $0x1  }
0x5: {  	s17 =	simm.s32 $0x2;
	s18 =	simm.s32 $0x3;
	s19 =	simm.s32 $0x4  }
0x6: {  	s20 =	simm.s32 $0x0;
	[smem:$0x7FF] =	sst s2;
	s9 =	sand.u32 $0x1, s3  }
0x7: {  	s3 =	sadd.s32 $0x18800, s4;
	s5 =	sshll.u32 s1, $0xE;
	s11 =	sadd.s32 $0x2FE00, s4  }
0x8: {  	s12 =	sadd.s32 $0x4DE00, s4;
	s13 =	sshll.u32 s1, $0x12;
	s6 =	sshll.u32 s9, $0xD  }
0x9: {  	_ =	strace $0x80000050;
	s7 =	ssub.s32 $0x2, s9;
	s10 =	sor.u32 s6, s5  }
0xa: {  	s9 =	sshll.u32 s9, $0x11;
	s25 =	sshrl.u32 s7, $0x1;
	s8 =	sor.u32 $0x80, s10  }
0xb: {  	s4 =	ssub.s32 s7, s25;
	s5 =	sshrl.u32 s10, $0x3;
	s28 =	sshll.u32 s10, $0x4  }
0xc: {  	s29 =	sor.u32 $0x100, s10;
	s10 =	sor.u32 $0x180, s10;
	s26 =	sshrl.u32 s8, $0x3  }
0xd: {  	s4 =	smax.u32 s4, $0x1;
	s5 =	sadd.s32 s11, s5;
	s8 =	sshll.u32 s8, $0x4  }
0xe: {  	s7 =	sadd.s32 s12, s28;
	s30 =	sshrl.u32 s29, $0x3;
	s31 =	sshrl.u32 s10, $0x3  }
0xf: {  	s6 =	sadd.s32 s11, s26;
	s8 =	sadd.s32 s12, s8;
	s12 =	sadd.s32 s13, s12  }
0x10: {  	s10 =	sadd.s32 s30, s11;
	s11 =	sadd.s32 s31, s11;
	s9 =	sadd.s32 s9, s12  }
0x11: {  	s13 =	simm.s32 $0x80;
	s12 =	simm.s32 $0x5;
	s9 =	sadd.s32 $0x1000, s9  }
.LBB2_1:
0x12: {  	[tilespmem:s2], [sflag:$0x5] =	stream.linear.gather [hbm4b:s5+s2], $0x80, $0x38;
	[tilespmem:$0x8100] =	vst v63  }
0x13: {  	_ =	swait.ge [sflag:s12], $0x80  }
0x14: {  	[sflag:s12] =	ssyncset.done $0x0  }
0x15: {  	[sflag:s12] =	ssyncadd.s32 $0xFFFFFF80  }
0x16: {  	[tilespmem:s14], [sflag:$0x1] =	stream.indirect.gather [hbm4b:s3+s13], $0x80, s2, s13, $0xb8;
	[tilespmem:$0x8100] =	vst v63  }
0x17: {  	_ = 	snop  }
0x18: {  	[tilespmem:s13], [sflag:$0x5] =	stream.linear.gather [hbm4b:s6+s2], $0x80, $0x38;
	[tilespmem:$0x8100] =	vst v63  }
0x19: {  	_ =	swait.ge [sflag:s12], $0x80  }
0x1a: {  	[sflag:s12] =	ssyncset.done $0x0  }
0x1b: {  	[sflag:s12] =	ssyncadd.s32 $0xFFFFFF80  }
0x1c: {  	[tilespmem:s15], [sflag:$0x2] =	stream.indirect.gather [hbm4b:s3+s13], $0x80, s13, s13, $0xb8;
	[tilespmem:$0x8100] =	vst v63  }
0x1d: {  	_ =	swait.ge [sflag:s16], $0x4000  }
0x1e: {  	[sflag:s16] =	ssyncset.done $0x0  }
0x1f: {  	[sflag:s16] =	ssyncadd.s32 $0xFFFFC000  }
0x20: {  	[hbm4b:s7+s2] =	stream.linear.scatter [tilespmem:s14], [sflag:$0x3], $0x4000, $0x38;
	[tilespmem:$0x8100] =	vst v63  }
0x21: {  	_ =	swait.ge [sflag:s17], $0x4000  }
0x22: {  	[sflag:s17] =	ssyncset.done $0x0  }
0x23: {  	[sflag:s17] =	ssyncadd.s32 $0xFFFFC000  }
0x24: {  	[hbm4b:s8+s2] =	stream.linear.scatter [tilespmem:s15], [sflag:$0x4], $0x4000, $0x38;
	[tilespmem:$0x8100] =	vst v63  }
0x25: {  	_ =	swait.ge [sflag:s18], $0x4000  }
0x26: {  	[sflag:s18] =	ssyncset.done $0x0  }
0x27: {  	[sflag:s18] =	ssyncadd.s32 $0xFFFFC000  }
0x28: {  	_ =	swait.ge [sflag:s19], $0x4000  }
0x29: {  	[sflag:s19] =	ssyncset.done $0x0  }
0x2a: {  	s21 =	sadd.s32 $0x0, s10;
	[sflag:s19] =	ssyncadd.s32 $0xFFFFC000  }
0x2b: {  	[tilespmem:s2], [sflag:$0x5] =	stream.linear.gather [hbm4b:s21+s2], $0x80, $0x38;
	[tilespmem:$0x8100] =	vst v63  }
0x2c: {  	_ =	swait.ge [sflag:s12], $0x80  }
0x2d: {  	[sflag:s12] =	ssyncset.done $0x0  }
0x2e: {  	[sflag:s12] =	ssyncadd.s32 $0xFFFFFF80  }
0x2f: {  	[tilespmem:s14], [sflag:$0x1] =	stream.indirect.gather [hbm4b:s3+s13], $0x80, s2, s13, $0xb8;
	[tilespmem:$0x8100] =	vst v63  }
0x30: {  	s31 =	sadd.s32 $0x0, s11  }
0x31: {  	[tilespmem:s13], [sflag:$0x5] =	stream.linear.gather [hbm4b:s31+s2], $0x80, $0x38;
	[tilespmem:$0x8100] =	vst v63  }
0x32: {  	_ =	swait.ge [sflag:s12], $0x80  }
0x33: {  	[sflag:s12] =	ssyncset.done $0x0  }
0x34: {  	[sflag:s12] =	ssyncadd.s32 $0xFFFFFF80  }
0x35: {  	[tilespmem:s15], [sflag:$0x2] =	stream.indirect.gather [hbm4b:s3+s13], $0x80, s13, s13, $0xb8;
	[tilespmem:$0x8100] =	vst v63  }
0x36: {  	_ =	swait.ge [sflag:s16], $0x4000  }
0x37: {  	[sflag:s16] =	ssyncset.done $0x0  }
0x38: {  	[sflag:s16] =	ssyncadd.s32 $0xFFFFC000  }
0x39: {  	[hbm4b:s9+s2] =	stream.linear.scatter [tilespmem:s14], [sflag:$0x3], $0x4000, $0x38;
	[tilespmem:$0x8100] =	vst v63  }
0x3a: {  	_ =	swait.ge [sflag:s17], $0x4000  }
0x3b: {  	s23 =	sadd.s32 $0x800, s9;
	[sflag:s17] =	ssyncset.done $0x0  }
0x3c: {  	s22 =	sadd.s32 $0x1000, s9;
	s21 =	simm.s32 $0x20;
	[sflag:s17] =	ssyncadd.s32 $0xFFFFC000  }
.LBB2_2:
0x3d: {  	[hbm4b:s23+s2] =	stream.linear.scatter [tilespmem:s15], [sflag:$0x4], $0x4000, $0x38;
	[tilespmem:$0x8100] =	vst v63  }
0x3e: {  	s23 =	smov.u32 s21  }
0x3f: {  	p0 =	sne.s32 s21, $0x3C0;
	s21 =	sadd.s32 $0x20, s21;
	_ =	swait.ge [sflag:s18], $0x4000  }
0x40: {  	[sflag:s18] =	ssyncset.done $0x0  }
0x41: {  	[sflag:s18] =	ssyncadd.s32 $0xFFFFC000  }
0x42: {  	_ =	swait.ge [sflag:s19], $0x4000  }
0x43: {  	[sflag:s19] =	ssyncset.done $0x0  }
0x44: {  	s24 =	sadd.s32 s23, s10;
	[sflag:s19] =	ssyncadd.s32 $0xFFFFC000  }
0x45: {  	[tilespmem:s2], [sflag:$0x5] =	stream.linear.gather [hbm4b:s24+s2], $0x80, $0x38;
	[tilespmem:$0x8100] =	vst v63  }
0x46: {  	_ =	swait.ge [sflag:s12], $0x80  }
0x47: {  	[sflag:s12] =	ssyncset.done $0x0  }
0x48: {  	[sflag:s12] =	ssyncadd.s32 $0xFFFFFF80  }
0x49: {  	[tilespmem:s14], [sflag:$0x1] =	stream.indirect.gather [hbm4b:s3+s13], $0x80, s2, s13, $0xb8;
	[tilespmem:$0x8100] =	vst v63  }
0x4a: {  	s23 =	sadd.s32 s23, s11  }
0x4b: {  	[tilespmem:s13], [sflag:$0x5] =	stream.linear.gather [hbm4b:s23+s2], $0x80, $0x38;
	[tilespmem:$0x8100] =	vst v63  }
0x4c: {  	_ =	swait.ge [sflag:s12], $0x80  }
0x4d: {  	[sflag:s12] =	ssyncset.done $0x0  }
0x4e: {  	[sflag:s12] =	ssyncadd.s32 $0xFFFFFF80  }
0x4f: {  	[tilespmem:s15], [sflag:$0x2] =	stream.indirect.gather [hbm4b:s3+s13], $0x80, s13, s13, $0xb8;
	[tilespmem:$0x8100] =	vst v63  }
0x50: {  	_ =	swait.ge [sflag:s16], $0x4000  }
0x51: {  	[sflag:s16] =	ssyncset.done $0x0  }
.Ltmp0:
0x52: {  	[sflag:s16] =	ssyncadd.s32 $0xFFFFC000;
	(pc) =	sbr.rel @p0 .LBB2_2-.Ltmp0, $4  }
0x53: {  	[hbm4b:s22+s2] =	stream.linear.scatter [tilespmem:s14], [sflag:$0x3], $0x4000, $0x38;
	[tilespmem:$0x8100] =	vst v63  }
0x54: {  	_ =	swait.ge [sflag:s17], $0x4000  }
0x55: {  	[sflag:s17] =	ssyncset.done $0x0  }
0x56: {  	s23 =	sadd.s32 $0x800, s22;
	s22 =	sadd.s32 $0x1000, s22;
	[sflag:s17] =	ssyncadd.s32 $0xFFFFC000  }
0x57: {  	[hbm4b:s23+s2] =	stream.linear.scatter [tilespmem:s15], [sflag:$0x4], $0x4000, $0x38;
	[tilespmem:$0x8100] =	vst v63  }
0x58: {  	s20 =	sadd.s32 $0x1, s20  }
0x59: {  	_ =	swait.ge [sflag:s18], $0x4000;
	p0 =	sne.s32 s20, s4  }
.Ltmp1:
0x5a: {  	[sflag:s18] =	ssyncset.done $0x0;
	(pc) =	sbr.rel @p0 .LBB2_1-.Ltmp1, $4  }
0x5b: {  	[sflag:s18] =	ssyncadd.s32 $0xFFFFC000  }
0x5c: {  	_ =	swait.ge [sflag:s19], $0x4000  }
0x5d: {  	[sflag:s19] =	ssyncset.done $0x0  }
0x5e: {  	[sflag:s19] =	ssyncadd.s32 $0xFFFFC000  }
0x5f: {  	_ =	sfence.sel $0x180000  }
0x60: {  	[bflag:$0x0] =	sbarrier.arrive $0xFFFF  }
0x61: {  	p0 =	sne.s32 s1, $0x0;
	_ =	strace $0x90000050  }
0x62: {  	s0 =	sadd.s32 @!p0 $0x100000, s0;
	[bflag:$0x2] =	sbarrier.arrive $0xFFFF  }
0x63: {  	[sflag:s0] =	ssyncadd.tile.s32 @!p0 $0x1;
	_ =	shalt  }
.Lfunc_end2:
_tile_overlayer_lowered:
.L_overlay_start_2:
0x64: {  	(tag) =	ssettag $0x2  }
0x65: {  	s0 =	rddreg [dreg:$0x0];
	s2 =	stileid.u32  }
0x66: {  	s1 =	rddreg [dreg:$0x1];
	p0 =	sne.s32 s2, $0x0  }
0x67: {  	s3 =	rddreg [dreg:$0x2];
	[bflag:$0x3] =	sbarrier.arrive $0xFFFF;
	s2 =	simm.s32 @!p0 $0x1C05  }
0x68: {  	[timem:s3], [sflag:s2] =	dma.local @!p0 [hbm:s0], s1  }
0x69: {  	s0 =	simm.s32 @!p0 $0x5  }
0x6a: {  	_ =	swait.ge @!p0 [sflag:s0], s1  }
0x6b: {  	s1 =	ssub.s32 @!p0 $0x0, s1;
	[sflag:s0] =	ssyncset.done @!p0 $0x0  }
0x6c: {  	[sflag:s0] =	ssyncadd.s32 @!p0 s1  }
0x6d: {  	[bflag:$0x3] =	sbarrier.arrive $0xFFFF  }
0x6e: {  	_ =	shalt  }

// kernel: kernel.29.cloned.1.call-start
scs
__scs_entry_jumppad:
0x0: {  	(pc) =	sbr.rel $0x88, $3  }
0x1: {  	(tag) =	ssettag $0x0;
	lr =	simm.s32 $0x1  }
0x2: {  	[smem:$0x3F92] =	sst lr;
	_ =	strace $0xD0000000  }
0x3: {  	_ = 	snop  }
0x4: {  	_ = 	snop  }
0x5: {  	_ = 	snop  }
0x6: {  	_ = 	snop  }
0x7: {  	_ = 	snop  }
__scs_overlays_trampoline_lowered:
0x8: {  	[smem:$0x3FA1] =	sst s0  }
0x9: {  	[smem:$0x3FA2] =	sst s1  }
0xa: {  	[smem:$0x3FA3] =	sst s2  }
0xb: {  	[smem:$0x3FA4] =	sst s3  }
0xc: {  	[smem:$0x3FA5] =	sst s4  }
0xd: {  	[smem:$0x3FA6] =	sst s5  }
0xe: {  	[smem:$0x3FA7] =	sst s6  }
0xf: {  	[smem:$0x3FA8] =	sst s7  }
0x10: {  	[smem:$0x3FA9] =	sst s8  }
0x11: {  	[smem:$0x3FAA] =	sst s9;
	s0 =	simm.s32 @!p0 $0x0  }
0x12: {  	s1 =	sld [smem:$0x3F90];
	s0 =	simm.s32 @p0 $0x1  }
0x13: {  	[smem:$0x3FAB] =	sst s0;
	s0 =	simm.s32 @!p1 $0x0  }
0x14: {  	s2 =	sld [smem:$0x3F8F];
	s0 =	simm.s32 @p1 $0x1  }
0x15: {  	[smem:$0x3FAC] =	sst s0;
	s0 =	simm.s32 @!p2 $0x0  }
0x16: {  	s3 =	sld [smem:$0x3FDB];
	s0 =	simm.s32 @p2 $0x1  }
0x17: {  	s4 =	simm.s32 $0x1BF5;
	[smem:$0x3FAE] =	sst s0  }
0x18: {  	s0 =	sld [smem:$0x3F91];
	_ =	swait.ge [sflag:s4], $0x0  }
0x19: {  	s7 =	sld [smem:$0x3F92]  }
0x1a: {  	s8 =	sadd.s32 $0xFFFFE003, lr  }
0x1b: {  	s9 =	sadd.s32 $0xFFFFFEF7, lr;
	s5 =	simm.s32 $0xFFFFFFFF;
	p2 =	slt.u32 s8, $0xFFFFF086  }
0x1c: {  	p1 =	slt.u32 s9, $0xF7A;
	s5 =	simm.s32 @!p2 $0x0  }
0x1d: {  	s5 =	simm.s32 @p1 $0x1;
	p0 =	seq.s32 s7, s2  }
0x1e: {  	s7 =	smul.u32 @!p0 $0xF7A, s2;
	p2 =	seq.s32 @!p0 s5, $0x0  }
0x1f: {  	s9 =	smul.u32 $0xF7A, s1;
	s8 =	simm.s32 @!p0 $0x1BF5;
	p2 =	por !p2, p0  }
0x20: {  	[sflag:s8] =	ssyncset.s32 @!p0 $0xFFFFF086;
	s6 =	sadd.s32 @!p0 s3, s7;
	s7 =	simm.s32 @!p0 $0x108  }
0x21: {  	s3 =	sadd.s32 s3, s9;
	s6 =	sadd.s32 @!p0 $0x88, s6;
	s7 =	simm.s32 @p2 $0x1082  }
0x22: {  	[simem:s7], [sflag:s8] =	dma.local @!p0 [hbm:s6], $0xF7A  }
0x23: {  	s9 =	sor.u32 $0xD0000000, s2;
	s6 =	simm.s32 $0x108;
	_ =	swait.ge @!p0 [sflag:s8], $0x0  }
0x24: {  	s3 =	sadd.s32 $0x88, s3;
	s6 =	simm.s32 @!p1 $0x1082;
	[sflag:s4] =	ssyncset.s32 $0xFFFFF086  }
0x25: {  	[simem:s6], [sflag:s4] =	dma.local [hbm:s3], $0xF7A  }
0x26: {  	[smem:$0x3F92] =	sst s1;
	(tag) =	ssettag s2;
	_ =	strace s9  }
0x27: {  	s1 =	sld [smem:$0x3FA2]  }
0x28: {  	s2 =	sld [smem:$0x3FA3]  }
0x29: {  	s4 =	sld [smem:$0x3FA5]  }
0x2a: {  	p0 =	seq.s32 s5, $0x0;
	s5 =	sld [smem:$0x3FA6]  }
0x2b: {  	s6 =	sld [smem:$0x3FA7]  }
0x2c: {  	s7 =	sld [smem:$0x3FA8]  }
0x2d: {  	s3 =	simm.s32 $0x108;
	s8 =	sld [smem:$0x3FA9]  }
0x2e: {  	s3 =	simm.s32 @!p0 $0x1082;
	s9 =	sld [smem:$0x3FAA]  }
0x2f: {  	lr =	sadd.s32 s0, s3;
	s0 =	sld [smem:$0x3FA1]  }
0x30: {  	s3 =	sld [smem:$0x3FA4]  }
0x31: {  	[smem:$0x3FAD] =	sst s10  }
0x32: {  	s10 =	sld [smem:$0x3FAB];
	_ =	sdelay $0x3  }
0x33: {  	p0 =	seq.s32 s10, $0x1;
	s10 =	sld [smem:$0x3FAD];
	_ =	sdelay $0x3  }
0x34: {  	[smem:$0x3FAD] =	sst s10  }
0x35: {  	s10 =	sld [smem:$0x3FAC];
	_ =	sdelay $0x3  }
0x36: {  	p1 =	seq.s32 s10, $0x1;
	s10 =	sld [smem:$0x3FAD];
	_ =	sdelay $0x3  }
0x37: {  	[smem:$0x3FAD] =	sst s10  }
0x38: {  	s10 =	sld [smem:$0x3FAE]  }
0x39: {  	_ = 	snop;
	(pc) =	sbr.ind lr, $3  }
0x3a: {  	_ = 	snop  }
0x3b: {  	_ = 	snop  }
0x3c: {  	p2 =	seq.s32 s10, $0x1;
	s10 =	sld [smem:$0x3FAD]  }
0x3d: {  	_ =	shalt  }
0x3e: {  	_ =	shalt  }
0x3f: {  	_ =	shalt  }
0x40: {  	_ =	shalt  }
0x41: {  	_ =	shalt  }
0x42: {  	_ =	shalt  }
0x43: {  	_ =	shalt  }
0x44: {  	_ =	shalt  }
0x45: {  	_ =	shalt  }
0x46: {  	_ =	shalt  }
0x47: {  	_ =	shalt  }
0x48: {  	_ =	shalt  }
0x49: {  	_ =	shalt  }
0x4a: {  	_ =	shalt  }
0x4b: {  	_ =	shalt  }
0x4c: {  	_ =	shalt  }
0x4d: {  	_ =	shalt  }
0x4e: {  	_ =	shalt  }
0x4f: {  	_ =	shalt  }
0x50: {  	_ =	shalt  }
0x51: {  	_ =	shalt  }
0x52: {  	_ =	shalt  }
0x53: {  	_ =	shalt  }
0x54: {  	_ =	shalt  }
0x55: {  	_ =	shalt  }
0x56: {  	_ =	shalt  }
0x57: {  	_ =	shalt  }
0x58: {  	_ =	shalt  }
0x59: {  	_ =	shalt  }
0x5a: {  	_ =	shalt  }
0x5b: {  	_ =	shalt  }
0x5c: {  	_ =	shalt  }
0x5d: {  	_ =	shalt  }
0x5e: {  	_ =	shalt  }
0x5f: {  	_ =	shalt  }
0x60: {  	_ =	shalt  }
0x61: {  	_ =	shalt  }
0x62: {  	_ =	shalt  }
0x63: {  	_ =	shalt  }
0x64: {  	_ =	shalt  }
0x65: {  	_ =	shalt  }
0x66: {  	_ =	shalt  }
0x67: {  	_ =	shalt  }
0x68: {  	_ =	shalt  }
0x69: {  	_ =	shalt  }
0x6a: {  	_ =	shalt  }
0x6b: {  	_ =	shalt  }
0x6c: {  	_ =	shalt  }
0x6d: {  	_ =	shalt  }
0x6e: {  	_ =	shalt  }
0x6f: {  	_ =	shalt  }
0x70: {  	_ =	shalt  }
0x71: {  	_ =	shalt  }
0x72: {  	_ =	shalt  }
0x73: {  	_ =	shalt  }
0x74: {  	_ =	shalt  }
0x75: {  	_ =	shalt  }
0x76: {  	_ =	shalt  }
0x77: {  	_ =	shalt  }
0x78: {  	_ =	shalt  }
0x79: {  	_ =	shalt  }
0x7a: {  	_ =	shalt  }
0x7b: {  	_ =	shalt  }
0x7c: {  	_ =	shalt  }
0x7d: {  	_ =	shalt  }
0x7e: {  	_ =	shalt  }
0x7f: {  	_ =	shalt  }
0x80: {  	_ =	shalt  }
0x81: {  	_ =	shalt  }
0x82: {  	_ =	shalt  }
0x83: {  	_ =	shalt  }
0x84: {  	_ =	shalt  }
0x85: {  	_ =	shalt  }
0x86: {  	_ =	shalt  }
0x87: {  	_ =	shalt  }
.Lfunc_end0:
.L_simem_size_0:
called_computation.4_lowered:
.L_overlay_start_0:
0x88: {  	s2 =	sld [smem:$0x3FD9]  }
0x89: {  	s3 =	sld [smem:$0x3FFE];
	_ =	sdelay $0x1  }
0x8a: {  	s1 =	srdreg.scid  }
0x8b: {  	s0 =	sand.u32 $0x1, s1  }
0x8c: {  	s16 =	sshll.u32 s0, $0xA;
	s2 =	sadd.s32 s3, s2  }
0x8d: {  	s2 =	sadd.s32 s2, s16  }
0x8e: {  	[smem:$0x3FB9] =	sst s2  }
0x8f: {  	_ = 	snop  }
0x90: {  	(tm) =	ssettm $0x1  }
0x91: {  	s17 =	sld [smem:$0x3FFB];
	_ =	sdelay $0x3  }
0x92: {  	_ =	strace s17  }
0x93: {  	s2 =	sld [smem:$0x3FFC];
	_ =	sdelay $0x3  }
0x94: {  	_ =	strace s2  }
0x95: {  	s2 =	sld [smem:$0x3FFD];
	_ =	sdelay $0x3  }
0x96: {  	_ =	strace s2  }
0x97: {  	_ =	strace $0x8FFFFFFF  }
0x98: {  	s18 =	sld [smem:$0x3FDB];
	_ =	sdelay $0x1  }
0x99: {  	s19 =	simm.s32 $_scs_section_size  }
0x9a: {  	s4 =	simm.s32 $_size__tile_overlayer_lowered;
	s5 =	simm.s32 $_tile_overlayer_lowered  }
0x9b: {  	s22 =	simm.s32 $0x1BFF;
	s21 =	sshll.u32 s5, $0x1;
	s2 =	sadd.s32 s19, s18  }
0x9c: {  	s6 =	simm.s32 $0x0;
	s20 =	sshll.u32 s4, $0x1;
	s4 =	sadd.s32 s21, s2  }
0x9d: {  	[timem:s6], [sflag:s22] =	dma.local [hbm:s4], s20  }
0x9e: {  	_ =	swait.ge [sflag:s22], s20  }
0x9f: {  	s3 =	ssub.s32 $0x0, s20;
	[sflag:s22] =	ssyncset.done $0x0  }
0xa0: {  	[sflag:s22] =	ssyncadd.s32 s3;
	_ =	sdelay $0x1  }
0xa1: {  	s23 =	simm.s32 $0x1B8B  }
0xa2: {  	_ =	swait.ge [sflag:s23], $0x1  }
0xa3: {  	[sflag:s23] =	ssyncset.done $0x0  }
0xa4: {  	s25 =	simm.s32 $0x1B8E;
	s24 =	sld [smem:$0x3FFE];
	[sflag:s23] =	ssyncadd.s32 $0xFFFFFFFF  }
0xa5: {  	s26 =	simm.s32 $execute0_lowered;
	[smem:$0x3FD2] =	sst s25  }
0xa6: {  	s4 =	sshll.u32 s26, $0x1;
	_ =	strace $0x80000052;
	[dreg:$0x1] =	wrdreg $0xFFFFFFFF  }
0xa7: {  	s28 =	simm.s32 $_size_execute0_lowered;
	s2 =	sadd.s32 s2, s4;
	[dreg:$0x0] =	wrdreg $0x0  }
0xa8: {  	s4 =	sshll.u32 s28, $0x1;
	[dreg:$0x2] =	wrdreg s2  }
0xa9: {  	[dreg:$0x3] =	wrdreg s4  }
0xaa: {  	[dreg:$0x4] =	wrdreg $0xC0  }
0xab: {  	_ =	task [dreg:s6], $0x5FFFF  }
0xac: {  	[dreg:$0x1] =	wrdreg $0xFFFFFFFF  }
0xad: {  	[dreg:$0x0] =	wrdreg $0x60  }
0xae: {  	[dreg:$0x2] =	wrdreg s24  }
0xaf: {  	[dreg:$0x3] =	wrdreg $0x9  }
0xb0: {  	_ =	task.clear_ibuf [dreg:s6], $0x4FFFF;
	_ =	strace $0x90000052  }
0xb1: {  	s29 =	simm.s32 $0x9;
	_ =	strace $0x80000054  }
0xb2: {  	_ =	swait.ge [sflag:s29], $0x1  }
0xb3: {  	[sflag:s29] =	ssyncadd.s32 $0xFFFFFFFF  }
0xb4: {  	_ =	strace $0x90000054  }
0xb5: {  	_ =	sfence  }
0xb6: {  	s30 =	sld [smem:$0x0];
	_ =	sdelay $0x2  }
0xb7: {  	s31 =	sshll.u32 s1, $0xD;
	s1 =	sshrl.u32 s1, $0x2  }
0xb8: {  	s3 =	sand.u32 $0x4000, s31;
	s1 =	sadd.s32 s1, s30  }
0xb9: {  	s0 =	sor.u32 s3, s0;
	s1 =	sshll.u32 s1, $0x11  }
0xba: {  	s0 =	sor.u32 s1, s0  }
0xbb: {  	s0 =	sadd.s32 $0x8F2B, s0  }
0xbc: {  	[sflag:s0] =	ssyncadd.remote.s32 $0x1  }
0xbd: {  	_ =	sfence.sel $0xFFFF  }
0xbe: {  	[dreg:$0x0] =	wrdreg $0xFFFFFFFF;
	(pc) =	sbr.abs _section_cstart, $3  }
0xbf: {  	[dreg:$0x1] =	wrdreg $0xFFFFFFFF  }
0xc0: {  	_ =	task.clear_ibuf [dreg:s6], $0x2FFFF;
	_ =	strace $0x9FFFFFFF  }
0xc1: {  	(tm) =	ssettm $0x7FFFFFFF  }
tec
execute0_lowered:
.L_overlay_start_1:
0x0: {  	(tag) =	ssettag $0x1  }
0x1: {  	s4 =	rddreg [dreg:$0x0]  }
0x2: {  	s0 =	rddreg [dreg:$0x1]  }
0x3: {  	s2 =	simm.s32 $0x0;
	s3 =	srdreg.scid;
	s1 =	stileid.u32  }
0x4: {  	s14 =	simm.s32 $0x100;
	s15 =	simm.s32 $0x4100;
	s16 =	simm.s32 $0x1  }
0x5: {  	s17 =	simm.s32 $0x2;
	s18 =	simm.s32 $0x3;
	s19 =	simm.s32 $0x4  }
0x6: {  	s20 =	simm.s32 $0x0;
	[smem:$0x7FF] =	sst s2;
	s9 =	sand.u32 $0x1, s3  }
0x7: {  	s3 =	sadd.s32 $0x18800, s4;
	s5 =	sshll.u32 s1, $0xE;
	s11 =	sadd.s32 $0x2FE00, s4  }
0x8: {  	s12 =	sadd.s32 $0x4DE00, s4;
	s13 =	sshll.u32 s1, $0x12;
	s6 =	sshll.u32 s9, $0xD  }
0x9: {  	_ =	strace $0x80000053;
	s7 =	ssub.s32 $0x2, s9;
	s10 =	sor.u32 s6, s5  }
0xa: {  	s9 =	sshll.u32 s9, $0x11;
	s25 =	sshrl.u32 s7, $0x1;
	s8 =	sor.u32 $0x80, s10  }
0xb: {  	s4 =	ssub.s32 s7, s25;
	s5 =	sshrl.u32 s10, $0x3;
	s28 =	sshll.u32 s10, $0x4  }
0xc: {  	s29 =	sor.u32 $0x100, s10;
	s10 =	sor.u32 $0x180, s10;
	s26 =	sshrl.u32 s8, $0x3  }
0xd: {  	s4 =	smax.u32 s4, $0x1;
	s5 =	sadd.s32 s11, s5;
	s8 =	sshll.u32 s8, $0x4  }
0xe: {  	s7 =	sadd.s32 s12, s28;
	s30 =	sshrl.u32 s29, $0x3;
	s31 =	sshrl.u32 s10, $0x3  }
0xf: {  	s6 =	sadd.s32 s11, s26;
	s8 =	sadd.s32 s12, s8;
	s12 =	sadd.s32 s13, s12  }
0x10: {  	s10 =	sadd.s32 s30, s11;
	s11 =	sadd.s32 s31, s11;
	s9 =	sadd.s32 s9, s12  }
0x11: {  	s13 =	simm.s32 $0x80;
	s12 =	simm.s32 $0x5;
	s9 =	sadd.s32 $0x1000, s9  }
.LBB2_1:
0x12: {  	[tilespmem:s2], [sflag:$0x5] =	stream.linear.gather [hbm4b:s5+s2], $0x80, $0x38;
	[tilespmem:$0x8100] =	vst v63  }
0x13: {  	_ =	swait.ge [sflag:s12], $0x80  }
0x14: {  	[sflag:s12] =	ssyncset.done $0x0  }
0x15: {  	[sflag:s12] =	ssyncadd.s32 $0xFFFFFF80  }
0x16: {  	[tilespmem:s14], [sflag:$0x1] =	stream.indirect.gather [hbm4b:s3+s13], $0x80, s2, s13, $0xb8;
	[tilespmem:$0x8100] =	vst v63  }
0x17: {  	_ = 	snop  }
0x18: {  	[tilespmem:s13], [sflag:$0x5] =	stream.linear.gather [hbm4b:s6+s2], $0x80, $0x38;
	[tilespmem:$0x8100] =	vst v63  }
0x19: {  	_ =	swait.ge [sflag:s12], $0x80  }
0x1a: {  	[sflag:s12] =	ssyncset.done $0x0  }
0x1b: {  	[sflag:s12] =	ssyncadd.s32 $0xFFFFFF80  }
0x1c: {  	[tilespmem:s15], [sflag:$0x2] =	stream.indirect.gather [hbm4b:s3+s13], $0x80, s13, s13, $0xb8;
	[tilespmem:$0x8100] =	vst v63  }
0x1d: {  	_ =	swait.ge [sflag:s16], $0x4000  }
0x1e: {  	[sflag:s16] =	ssyncset.done $0x0  }
0x1f: {  	[sflag:s16] =	ssyncadd.s32 $0xFFFFC000  }
0x20: {  	[hbm4b:s7+s2] =	stream.linear.scatter [tilespmem:s14], [sflag:$0x3], $0x4000, $0x38;
	[tilespmem:$0x8100] =	vst v63  }
0x21: {  	_ =	swait.ge [sflag:s17], $0x4000  }
0x22: {  	[sflag:s17] =	ssyncset.done $0x0  }
0x23: {  	[sflag:s17] =	ssyncadd.s32 $0xFFFFC000  }
0x24: {  	[hbm4b:s8+s2] =	stream.linear.scatter [tilespmem:s15], [sflag:$0x4], $0x4000, $0x38;
	[tilespmem:$0x8100] =	vst v63  }
0x25: {  	_ =	swait.ge [sflag:s18], $0x4000  }
0x26: {  	[sflag:s18] =	ssyncset.done $0x0  }
0x27: {  	[sflag:s18] =	ssyncadd.s32 $0xFFFFC000  }
0x28: {  	_ =	swait.ge [sflag:s19], $0x4000  }
0x29: {  	[sflag:s19] =	ssyncset.done $0x0  }
0x2a: {  	s21 =	sadd.s32 $0x0, s10;
	[sflag:s19] =	ssyncadd.s32 $0xFFFFC000  }
0x2b: {  	[tilespmem:s2], [sflag:$0x5] =	stream.linear.gather [hbm4b:s21+s2], $0x80, $0x38;
	[tilespmem:$0x8100] =	vst v63  }
0x2c: {  	_ =	swait.ge [sflag:s12], $0x80  }
0x2d: {  	[sflag:s12] =	ssyncset.done $0x0  }
0x2e: {  	[sflag:s12] =	ssyncadd.s32 $0xFFFFFF80  }
0x2f: {  	[tilespmem:s14], [sflag:$0x1] =	stream.indirect.gather [hbm4b:s3+s13], $0x80, s2, s13, $0xb8;
	[tilespmem:$0x8100] =	vst v63  }
0x30: {  	s31 =	sadd.s32 $0x0, s11  }
0x31: {  	[tilespmem:s13], [sflag:$0x5] =	stream.linear.gather [hbm4b:s31+s2], $0x80, $0x38;
	[tilespmem:$0x8100] =	vst v63  }
0x32: {  	_ =	swait.ge [sflag:s12], $0x80  }
0x33: {  	[sflag:s12] =	ssyncset.done $0x0  }
0x34: {  	[sflag:s12] =	ssyncadd.s32 $0xFFFFFF80  }
0x35: {  	[tilespmem:s15], [sflag:$0x2] =	stream.indirect.gather [hbm4b:s3+s13], $0x80, s13, s13, $0xb8;
	[tilespmem:$0x8100] =	vst v63  }
0x36: {  	_ =	swait.ge [sflag:s16], $0x4000  }
0x37: {  	[sflag:s16] =	ssyncset.done $0x0  }
0x38: {  	[sflag:s16] =	ssyncadd.s32 $0xFFFFC000  }
0x39: {  	[hbm4b:s9+s2] =	stream.linear.scatter [tilespmem:s14], [sflag:$0x3], $0x4000, $0x38;
	[tilespmem:$0x8100] =	vst v63  }
0x3a: {  	_ =	swait.ge [sflag:s17], $0x4000  }
0x3b: {  	s23 =	sadd.s32 $0x800, s9;
	[sflag:s17] =	ssyncset.done $0x0  }
0x3c: {  	s22 =	sadd.s32 $0x1000, s9;
	s21 =	simm.s32 $0x20;
	[sflag:s17] =	ssyncadd.s32 $0xFFFFC000  }
.LBB2_2:
0x3d: {  	[hbm4b:s23+s2] =	stream.linear.scatter [tilespmem:s15], [sflag:$0x4], $0x4000, $0x38;
	[tilespmem:$0x8100] =	vst v63  }
0x3e: {  	s23 =	smov.u32 s21  }
0x3f: {  	p0 =	sne.s32 s21, $0x3C0;
	s21 =	sadd.s32 $0x20, s21;
	_ =	swait.ge [sflag:s18], $0x4000  }
0x40: {  	[sflag:s18] =	ssyncset.done $0x0  }
0x41: {  	[sflag:s18] =	ssyncadd.s32 $0xFFFFC000  }
0x42: {  	_ =	swait.ge [sflag:s19], $0x4000  }
0x43: {  	[sflag:s19] =	ssyncset.done $0x0  }
0x44: {  	s24 =	sadd.s32 s23, s10;
	[sflag:s19] =	ssyncadd.s32 $0xFFFFC000  }
0x45: {  	[tilespmem:s2], [sflag:$0x5] =	stream.linear.gather [hbm4b:s24+s2], $0x80, $0x38;
	[tilespmem:$0x8100] =	vst v63  }
0x46: {  	_ =	swait.ge [sflag:s12], $0x80  }
0x47: {  	[sflag:s12] =	ssyncset.done $0x0  }
0x48: {  	[sflag:s12] =	ssyncadd.s32 $0xFFFFFF80  }
0x49: {  	[tilespmem:s14], [sflag:$0x1] =	stream.indirect.gather [hbm4b:s3+s13], $0x80, s2, s13, $0xb8;
	[tilespmem:$0x8100] =	vst v63  }
0x4a: {  	s23 =	sadd.s32 s23, s11  }
0x4b: {  	[tilespmem:s13], [sflag:$0x5] =	stream.linear.gather [hbm4b:s23+s2], $0x80, $0x38;
	[tilespmem:$0x8100] =	vst v63  }
0x4c: {  	_ =	swait.ge [sflag:s12], $0x80  }
0x4d: {  	[sflag:s12] =	ssyncset.done $0x0  }
0x4e: {  	[sflag:s12] =	ssyncadd.s32 $0xFFFFFF80  }
0x4f: {  	[tilespmem:s15], [sflag:$0x2] =	stream.indirect.gather [hbm4b:s3+s13], $0x80, s13, s13, $0xb8;
	[tilespmem:$0x8100] =	vst v63  }
0x50: {  	_ =	swait.ge [sflag:s16], $0x4000  }
0x51: {  	[sflag:s16] =	ssyncset.done $0x0  }
.Ltmp0:
0x52: {  	[sflag:s16] =	ssyncadd.s32 $0xFFFFC000;
	(pc) =	sbr.rel @p0 .LBB2_2-.Ltmp0, $4  }
0x53: {  	[hbm4b:s22+s2] =	stream.linear.scatter [tilespmem:s14], [sflag:$0x3], $0x4000, $0x38;
	[tilespmem:$0x8100] =	vst v63  }
0x54: {  	_ =	swait.ge [sflag:s17], $0x4000  }
0x55: {  	[sflag:s17] =	ssyncset.done $0x0  }
0x56: {  	s23 =	sadd.s32 $0x800, s22;
	s22 =	sadd.s32 $0x1000, s22;
	[sflag:s17] =	ssyncadd.s32 $0xFFFFC000  }
0x57: {  	[hbm4b:s23+s2] =	stream.linear.scatter [tilespmem:s15], [sflag:$0x4], $0x4000, $0x38;
	[tilespmem:$0x8100] =	vst v63  }
0x58: {  	s20 =	sadd.s32 $0x1, s20  }
0x59: {  	_ =	swait.ge [sflag:s18], $0x4000;
	p0 =	sne.s32 s20, s4  }
.Ltmp1:
0x5a: {  	[sflag:s18] =	ssyncset.done $0x0;
	(pc) =	sbr.rel @p0 .LBB2_1-.Ltmp1, $4  }
0x5b: {  	[sflag:s18] =	ssyncadd.s32 $0xFFFFC000  }
0x5c: {  	_ =	swait.ge [sflag:s19], $0x4000  }
0x5d: {  	[sflag:s19] =	ssyncset.done $0x0  }
0x5e: {  	[sflag:s19] =	ssyncadd.s32 $0xFFFFC000  }
0x5f: {  	_ =	sfence.sel $0x180000  }
0x60: {  	[bflag:$0x0] =	sbarrier.arrive $0xFFFF  }
0x61: {  	p0 =	sne.s32 s1, $0x0;
	_ =	strace $0x90000053  }
0x62: {  	s0 =	sadd.s32 @!p0 $0x100000, s0;
	[bflag:$0x2] =	sbarrier.arrive $0xFFFF  }
0x63: {  	[sflag:s0] =	ssyncadd.tile.s32 @!p0 $0x1;
	_ =	shalt  }
.Lfunc_end2:
_tile_overlayer_lowered:
.L_overlay_start_2:
0x64: {  	(tag) =	ssettag $0x2  }
0x65: {  	s0 =	rddreg [dreg:$0x0];
	s2 =	stileid.u32  }
0x66: {  	s1 =	rddreg [dreg:$0x1];
	p0 =	sne.s32 s2, $0x0  }
0x67: {  	s3 =	rddreg [dreg:$0x2];
	[bflag:$0x3] =	sbarrier.arrive $0xFFFF;
	s2 =	simm.s32 @!p0 $0x1C05  }
0x68: {  	[timem:s3], [sflag:s2] =	dma.local @!p0 [hbm:s0], s1  }
0x69: {  	s0 =	simm.s32 @!p0 $0x5  }
0x6a: {  	_ =	swait.ge @!p0 [sflag:s0], s1  }
0x6b: {  	s1 =	ssub.s32 @!p0 $0x0, s1;
	[sflag:s0] =	ssyncset.done @!p0 $0x0  }
0x6c: {  	[sflag:s0] =	ssyncadd.s32 @!p0 s1  }
0x6d: {  	[bflag:$0x3] =	sbarrier.arrive $0xFFFF  }
0x6e: {  	_ =	shalt  }

// kernel: kernel.32.cloned.1.call-start
scs
__scs_entry_jumppad:
0x0: {  	(pc) =	sbr.rel $0x88, $3  }
0x1: {  	(tag) =	ssettag $0x0;
	lr =	simm.s32 $0x1  }
0x2: {  	[smem:$0x3F92] =	sst lr;
	_ =	strace $0xD0000000  }
0x3: {  	_ = 	snop  }
0x4: {  	_ = 	snop  }
0x5: {  	_ = 	snop  }
0x6: {  	_ = 	snop  }
0x7: {  	_ = 	snop  }
__scs_overlays_trampoline_lowered:
0x8: {  	[smem:$0x3FA1] =	sst s0  }
0x9: {  	[smem:$0x3FA2] =	sst s1  }
0xa: {  	[smem:$0x3FA3] =	sst s2  }
0xb: {  	[smem:$0x3FA4] =	sst s3  }
0xc: {  	[smem:$0x3FA5] =	sst s4  }
0xd: {  	[smem:$0x3FA6] =	sst s5  }
0xe: {  	[smem:$0x3FA7] =	sst s6  }
0xf: {  	[smem:$0x3FA8] =	sst s7  }
0x10: {  	[smem:$0x3FA9] =	sst s8  }
0x11: {  	[smem:$0x3FAA] =	sst s9;
	s0 =	simm.s32 @!p0 $0x0  }
0x12: {  	s1 =	sld [smem:$0x3F90];
	s0 =	simm.s32 @p0 $0x1  }
0x13: {  	[smem:$0x3FAB] =	sst s0;
	s0 =	simm.s32 @!p1 $0x0  }
0x14: {  	s2 =	sld [smem:$0x3F8F];
	s0 =	simm.s32 @p1 $0x1  }
0x15: {  	[smem:$0x3FAC] =	sst s0;
	s0 =	simm.s32 @!p2 $0x0  }
0x16: {  	s3 =	sld [smem:$0x3FDB];
	s0 =	simm.s32 @p2 $0x1  }
0x17: {  	s4 =	simm.s32 $0x1BF5;
	[smem:$0x3FAE] =	sst s0  }
0x18: {  	s0 =	sld [smem:$0x3F91];
	_ =	swait.ge [sflag:s4], $0x0  }
0x19: {  	s7 =	sld [smem:$0x3F92]  }
0x1a: {  	s8 =	sadd.s32 $0xFFFFE003, lr  }
0x1b: {  	s9 =	sadd.s32 $0xFFFFFEF7, lr;
	s5 =	simm.s32 $0xFFFFFFFF;
	p2 =	slt.u32 s8, $0xFFFFF086  }
0x1c: {  	p1 =	slt.u32 s9, $0xF7A;
	s5 =	simm.s32 @!p2 $0x0  }
0x1d: {  	s5 =	simm.s32 @p1 $0x1;
	p0 =	seq.s32 s7, s2  }
0x1e: {  	s7 =	smul.u32 @!p0 $0xF7A, s2;
	p2 =	seq.s32 @!p0 s5, $0x0  }
0x1f: {  	s9 =	smul.u32 $0xF7A, s1;
	s8 =	simm.s32 @!p0 $0x1BF5;
	p2 =	por !p2, p0  }
0x20: {  	[sflag:s8] =	ssyncset.s32 @!p0 $0xFFFFF086;
	s6 =	sadd.s32 @!p0 s3, s7;
	s7 =	simm.s32 @!p0 $0x108  }
0x21: {  	s3 =	sadd.s32 s3, s9;
	s6 =	sadd.s32 @!p0 $0x88, s6;
	s7 =	simm.s32 @p2 $0x1082  }
0x22: {  	[simem:s7], [sflag:s8] =	dma.local @!p0 [hbm:s6], $0xF7A  }
0x23: {  	s9 =	sor.u32 $0xD0000000, s2;
	s6 =	simm.s32 $0x108;
	_ =	swait.ge @!p0 [sflag:s8], $0x0  }
0x24: {  	s3 =	sadd.s32 $0x88, s3;
	s6 =	simm.s32 @!p1 $0x1082;
	[sflag:s4] =	ssyncset.s32 $0xFFFFF086  }
0x25: {  	[simem:s6], [sflag:s4] =	dma.local [hbm:s3], $0xF7A  }
0x26: {  	[smem:$0x3F92] =	sst s1;
	(tag) =	ssettag s2;
	_ =	strace s9  }
0x27: {  	s1 =	sld [smem:$0x3FA2]  }
0x28: {  	s2 =	sld [smem:$0x3FA3]  }
0x29: {  	s4 =	sld [smem:$0x3FA5]  }
0x2a: {  	p0 =	seq.s32 s5, $0x0;
	s5 =	sld [smem:$0x3FA6]  }
0x2b: {  	s6 =	sld [smem:$0x3FA7]  }
0x2c: {  	s7 =	sld [smem:$0x3FA8]  }
0x2d: {  	s3 =	simm.s32 $0x108;
	s8 =	sld [smem:$0x3FA9]  }
0x2e: {  	s3 =	simm.s32 @!p0 $0x1082;
	s9 =	sld [smem:$0x3FAA]  }
0x2f: {  	lr =	sadd.s32 s0, s3;
	s0 =	sld [smem:$0x3FA1]  }
0x30: {  	s3 =	sld [smem:$0x3FA4]  }
0x31: {  	[smem:$0x3FAD] =	sst s10  }
0x32: {  	s10 =	sld [smem:$0x3FAB];
	_ =	sdelay $0x3  }
0x33: {  	p0 =	seq.s32 s10, $0x1;
	s10 =	sld [smem:$0x3FAD];
	_ =	sdelay $0x3  }
0x34: {  	[smem:$0x3FAD] =	sst s10  }
0x35: {  	s10 =	sld [smem:$0x3FAC];
	_ =	sdelay $0x3  }
0x36: {  	p1 =	seq.s32 s10, $0x1;
	s10 =	sld [smem:$0x3FAD];
	_ =	sdelay $0x3  }
0x37: {  	[smem:$0x3FAD] =	sst s10  }
0x38: {  	s10 =	sld [smem:$0x3FAE]  }
0x39: {  	_ = 	snop;
	(pc) =	sbr.ind lr, $3  }
0x3a: {  	_ = 	snop  }
0x3b: {  	_ = 	snop  }
0x3c: {  	p2 =	seq.s32 s10, $0x1;
	s10 =	sld [smem:$0x3FAD]  }
0x3d: {  	_ =	shalt  }
0x3e: {  	_ =	shalt  }
0x3f: {  	_ =	shalt  }
0x40: {  	_ =	shalt  }
0x41: {  	_ =	shalt  }
0x42: {  	_ =	shalt  }
0x43: {  	_ =	shalt  }
0x44: {  	_ =	shalt  }
0x45: {  	_ =	shalt  }
0x46: {  	_ =	shalt  }
0x47: {  	_ =	shalt  }
0x48: {  	_ =	shalt  }
0x49: {  	_ =	shalt  }
0x4a: {  	_ =	shalt  }
0x4b: {  	_ =	shalt  }
0x4c: {  	_ =	shalt  }
0x4d: {  	_ =	shalt  }
0x4e: {  	_ =	shalt  }
0x4f: {  	_ =	shalt  }
0x50: {  	_ =	shalt  }
0x51: {  	_ =	shalt  }
0x52: {  	_ =	shalt  }
0x53: {  	_ =	shalt  }
0x54: {  	_ =	shalt  }
0x55: {  	_ =	shalt  }
0x56: {  	_ =	shalt  }
0x57: {  	_ =	shalt  }
0x58: {  	_ =	shalt  }
0x59: {  	_ =	shalt  }
0x5a: {  	_ =	shalt  }
0x5b: {  	_ =	shalt  }
0x5c: {  	_ =	shalt  }
0x5d: {  	_ =	shalt  }
0x5e: {  	_ =	shalt  }
0x5f: {  	_ =	shalt  }
0x60: {  	_ =	shalt  }
0x61: {  	_ =	shalt  }
0x62: {  	_ =	shalt  }
0x63: {  	_ =	shalt  }
0x64: {  	_ =	shalt  }
0x65: {  	_ =	shalt  }
0x66: {  	_ =	shalt  }
0x67: {  	_ =	shalt  }
0x68: {  	_ =	shalt  }
0x69: {  	_ =	shalt  }
0x6a: {  	_ =	shalt  }
0x6b: {  	_ =	shalt  }
0x6c: {  	_ =	shalt  }
0x6d: {  	_ =	shalt  }
0x6e: {  	_ =	shalt  }
0x6f: {  	_ =	shalt  }
0x70: {  	_ =	shalt  }
0x71: {  	_ =	shalt  }
0x72: {  	_ =	shalt  }
0x73: {  	_ =	shalt  }
0x74: {  	_ =	shalt  }
0x75: {  	_ =	shalt  }
0x76: {  	_ =	shalt  }
0x77: {  	_ =	shalt  }
0x78: {  	_ =	shalt  }
0x79: {  	_ =	shalt  }
0x7a: {  	_ =	shalt  }
0x7b: {  	_ =	shalt  }
0x7c: {  	_ =	shalt  }
0x7d: {  	_ =	shalt  }
0x7e: {  	_ =	shalt  }
0x7f: {  	_ =	shalt  }
0x80: {  	_ =	shalt  }
0x81: {  	_ =	shalt  }
0x82: {  	_ =	shalt  }
0x83: {  	_ =	shalt  }
0x84: {  	_ =	shalt  }
0x85: {  	_ =	shalt  }
0x86: {  	_ =	shalt  }
0x87: {  	_ =	shalt  }
.Lfunc_end0:
.L_simem_size_0:
called_computation.5_lowered:
.L_overlay_start_0:
0x88: {  	s2 =	sld [smem:$0x3FD9]  }
0x89: {  	s3 =	sld [smem:$0x3FFE];
	_ =	sdelay $0x1  }
0x8a: {  	s1 =	srdreg.scid  }
0x8b: {  	s0 =	sand.u32 $0x1, s1  }
0x8c: {  	s16 =	sshll.u32 s0, $0xA;
	s2 =	sadd.s32 s3, s2  }
0x8d: {  	s2 =	sadd.s32 s2, s16  }
0x8e: {  	[smem:$0x3FB9] =	sst s2  }
0x8f: {  	_ = 	snop  }
0x90: {  	(tm) =	ssettm $0x1  }
0x91: {  	s17 =	sld [smem:$0x3FFB];
	_ =	sdelay $0x3  }
0x92: {  	_ =	strace s17  }
0x93: {  	s2 =	sld [smem:$0x3FFC];
	_ =	sdelay $0x3  }
0x94: {  	_ =	strace s2  }
0x95: {  	s2 =	sld [smem:$0x3FFD];
	_ =	sdelay $0x3  }
0x96: {  	_ =	strace s2  }
0x97: {  	_ =	strace $0x8FFFFFFF  }
0x98: {  	s18 =	sld [smem:$0x3FDB];
	_ =	sdelay $0x1  }
0x99: {  	s19 =	simm.s32 $_scs_section_size  }
0x9a: {  	s4 =	simm.s32 $_size__tile_overlayer_lowered;
	s5 =	simm.s32 $_tile_overlayer_lowered  }
0x9b: {  	s22 =	simm.s32 $0x1BFF;
	s21 =	sshll.u32 s5, $0x1;
	s2 =	sadd.s32 s19, s18  }
0x9c: {  	s6 =	simm.s32 $0x0;
	s20 =	sshll.u32 s4, $0x1;
	s4 =	sadd.s32 s21, s2  }
0x9d: {  	[timem:s6], [sflag:s22] =	dma.local [hbm:s4], s20  }
0x9e: {  	_ =	swait.ge [sflag:s22], s20  }
0x9f: {  	s3 =	ssub.s32 $0x0, s20;
	[sflag:s22] =	ssyncset.done $0x0  }
0xa0: {  	[sflag:s22] =	ssyncadd.s32 s3;
	_ =	sdelay $0x1  }
0xa1: {  	s23 =	simm.s32 $0x1B8B  }
0xa2: {  	_ =	swait.ge [sflag:s23], $0x1  }
0xa3: {  	[sflag:s23] =	ssyncset.done $0x0  }
0xa4: {  	s25 =	simm.s32 $0x1B8E;
	s24 =	sld [smem:$0x3FFE];
	[sflag:s23] =	ssyncadd.s32 $0xFFFFFFFF  }
0xa5: {  	s26 =	simm.s32 $execute0_lowered;
	[smem:$0x3FD2] =	sst s25  }
0xa6: {  	s4 =	sshll.u32 s26, $0x1;
	_ =	strace $0x80000055;
	[dreg:$0x1] =	wrdreg $0xFFFFFFFF  }
0xa7: {  	s28 =	simm.s32 $_size_execute0_lowered;
	s2 =	sadd.s32 s2, s4;
	[dreg:$0x0] =	wrdreg $0x0  }
0xa8: {  	s4 =	sshll.u32 s28, $0x1;
	[dreg:$0x2] =	wrdreg s2  }
0xa9: {  	[dreg:$0x3] =	wrdreg s4  }
0xaa: {  	[dreg:$0x4] =	wrdreg $0xC0  }
0xab: {  	_ =	task [dreg:s6], $0x5FFFF  }
0xac: {  	[dreg:$0x1] =	wrdreg $0xFFFFFFFF  }
0xad: {  	[dreg:$0x0] =	wrdreg $0x60  }
0xae: {  	[dreg:$0x2] =	wrdreg s24  }
0xaf: {  	[dreg:$0x3] =	wrdreg $0x9  }
0xb0: {  	_ =	task.clear_ibuf [dreg:s6], $0x4FFFF;
	_ =	strace $0x90000055  }
0xb1: {  	s29 =	simm.s32 $0x9;
	_ =	strace $0x80000057  }
0xb2: {  	_ =	swait.ge [sflag:s29], $0x1  }
0xb3: {  	[sflag:s29] =	ssyncadd.s32 $0xFFFFFFFF  }
0xb4: {  	_ =	strace $0x90000057  }
0xb5: {  	_ =	sfence  }
0xb6: {  	s30 =	sld [smem:$0x0];
	_ =	sdelay $0x2  }
0xb7: {  	s31 =	sshll.u32 s1, $0xD;
	s1 =	sshrl.u32 s1, $0x2  }
0xb8: {  	s3 =	sand.u32 $0x4000, s31;
	s1 =	sadd.s32 s1, s30  }
0xb9: {  	s0 =	sor.u32 s3, s0;
	s1 =	sshll.u32 s1, $0x11  }
0xba: {  	s0 =	sor.u32 s1, s0  }
0xbb: {  	s0 =	sadd.s32 $0x8F2B, s0  }
0xbc: {  	[sflag:s0] =	ssyncadd.remote.s32 $0x1  }
0xbd: {  	_ =	sfence.sel $0xFFFF  }
0xbe: {  	[dreg:$0x0] =	wrdreg $0xFFFFFFFF;
	(pc) =	sbr.abs _section_cstart, $3  }
0xbf: {  	[dreg:$0x1] =	wrdreg $0xFFFFFFFF  }
0xc0: {  	_ =	task.clear_ibuf [dreg:s6], $0x2FFFF;
	_ =	strace $0x9FFFFFFF  }
0xc1: {  	(tm) =	ssettm $0x7FFFFFFF  }
tec
execute0_lowered:
.L_overlay_start_1:
0x0: {  	(tag) =	ssettag $0x1  }
0x1: {  	s4 =	rddreg [dreg:$0x0]  }
0x2: {  	s0 =	rddreg [dreg:$0x1]  }
0x3: {  	s2 =	simm.s32 $0x0;
	s3 =	srdreg.scid;
	s1 =	stileid.u32  }
0x4: {  	s14 =	simm.s32 $0x100;
	s15 =	simm.s32 $0x4100;
	s16 =	simm.s32 $0x1  }
0x5: {  	s17 =	simm.s32 $0x2;
	s18 =	simm.s32 $0x3;
	s19 =	simm.s32 $0x4  }
0x6: {  	s20 =	simm.s32 $0x0;
	[smem:$0x7FF] =	sst s2;
	s9 =	sand.u32 $0x1, s3  }
0x7: {  	s3 =	sadd.s32 $0x18800, s4;
	s5 =	sshll.u32 s1, $0xE;
	s11 =	sadd.s32 $0x2FE00, s4  }
0x8: {  	s12 =	sadd.s32 $0x4DE00, s4;
	s13 =	sshll.u32 s1, $0x12;
	s6 =	sshll.u32 s9, $0xD  }
0x9: {  	_ =	strace $0x80000056;
	s7 =	ssub.s32 $0x2, s9;
	s10 =	sor.u32 s6, s5  }
0xa: {  	s9 =	sshll.u32 s9, $0x11;
	s25 =	sshrl.u32 s7, $0x1;
	s8 =	sor.u32 $0x80, s10  }
0xb: {  	s4 =	ssub.s32 s7, s25;
	s5 =	sshrl.u32 s10, $0x3;
	s28 =	sshll.u32 s10, $0x4  }
0xc: {  	s29 =	sor.u32 $0x100, s10;
	s10 =	sor.u32 $0x180, s10;
	s26 =	sshrl.u32 s8, $0x3  }
0xd: {  	s4 =	smax.u32 s4, $0x1;
	s5 =	sadd.s32 s11, s5;
	s8 =	sshll.u32 s8, $0x4  }
0xe: {  	s7 =	sadd.s32 s12, s28;
	s30 =	sshrl.u32 s29, $0x3;
	s31 =	sshrl.u32 s10, $0x3  }
0xf: {  	s6 =	sadd.s32 s11, s26;
	s8 =	sadd.s32 s12, s8;
	s12 =	sadd.s32 s13, s12  }
0x10: {  	s10 =	sadd.s32 s30, s11;
	s11 =	sadd.s32 s31, s11;
	s9 =	sadd.s32 s9, s12  }
0x11: {  	s13 =	simm.s32 $0x80;
	s12 =	simm.s32 $0x5;
	s9 =	sadd.s32 $0x1000, s9  }
.LBB2_1:
0x12: {  	[tilespmem:s2], [sflag:$0x5] =	stream.linear.gather [hbm4b:s5+s2], $0x80, $0x38;
	[tilespmem:$0x8100] =	vst v63  }
0x13: {  	_ =	swait.ge [sflag:s12], $0x80  }
0x14: {  	[sflag:s12] =	ssyncset.done $0x0  }
0x15: {  	[sflag:s12] =	ssyncadd.s32 $0xFFFFFF80  }
0x16: {  	[tilespmem:s14], [sflag:$0x1] =	stream.indirect.gather [hbm4b:s3+s13], $0x80, s2, s13, $0xb8;
	[tilespmem:$0x8100] =	vst v63  }
0x17: {  	_ = 	snop  }
0x18: {  	[tilespmem:s13], [sflag:$0x5] =	stream.linear.gather [hbm4b:s6+s2], $0x80, $0x38;
	[tilespmem:$0x8100] =	vst v63  }
0x19: {  	_ =	swait.ge [sflag:s12], $0x80  }
0x1a: {  	[sflag:s12] =	ssyncset.done $0x0  }
0x1b: {  	[sflag:s12] =	ssyncadd.s32 $0xFFFFFF80  }
0x1c: {  	[tilespmem:s15], [sflag:$0x2] =	stream.indirect.gather [hbm4b:s3+s13], $0x80, s13, s13, $0xb8;
	[tilespmem:$0x8100] =	vst v63  }
0x1d: {  	_ =	swait.ge [sflag:s16], $0x4000  }
0x1e: {  	[sflag:s16] =	ssyncset.done $0x0  }
0x1f: {  	[sflag:s16] =	ssyncadd.s32 $0xFFFFC000  }
0x20: {  	[hbm4b:s7+s2] =	stream.linear.scatter [tilespmem:s14], [sflag:$0x3], $0x4000, $0x38;
	[tilespmem:$0x8100] =	vst v63  }
0x21: {  	_ =	swait.ge [sflag:s17], $0x4000  }
0x22: {  	[sflag:s17] =	ssyncset.done $0x0  }
0x23: {  	[sflag:s17] =	ssyncadd.s32 $0xFFFFC000  }
0x24: {  	[hbm4b:s8+s2] =	stream.linear.scatter [tilespmem:s15], [sflag:$0x4], $0x4000, $0x38;
	[tilespmem:$0x8100] =	vst v63  }
0x25: {  	_ =	swait.ge [sflag:s18], $0x4000  }
0x26: {  	[sflag:s18] =	ssyncset.done $0x0  }
0x27: {  	[sflag:s18] =	ssyncadd.s32 $0xFFFFC000  }
0x28: {  	_ =	swait.ge [sflag:s19], $0x4000  }
0x29: {  	[sflag:s19] =	ssyncset.done $0x0  }
0x2a: {  	s21 =	sadd.s32 $0x0, s10;
	[sflag:s19] =	ssyncadd.s32 $0xFFFFC000  }
0x2b: {  	[tilespmem:s2], [sflag:$0x5] =	stream.linear.gather [hbm4b:s21+s2], $0x80, $0x38;
	[tilespmem:$0x8100] =	vst v63  }
0x2c: {  	_ =	swait.ge [sflag:s12], $0x80  }
0x2d: {  	[sflag:s12] =	ssyncset.done $0x0  }
0x2e: {  	[sflag:s12] =	ssyncadd.s32 $0xFFFFFF80  }
0x2f: {  	[tilespmem:s14], [sflag:$0x1] =	stream.indirect.gather [hbm4b:s3+s13], $0x80, s2, s13, $0xb8;
	[tilespmem:$0x8100] =	vst v63  }
0x30: {  	s31 =	sadd.s32 $0x0, s11  }
0x31: {  	[tilespmem:s13], [sflag:$0x5] =	stream.linear.gather [hbm4b:s31+s2], $0x80, $0x38;
	[tilespmem:$0x8100] =	vst v63  }
0x32: {  	_ =	swait.ge [sflag:s12], $0x80  }
0x33: {  	[sflag:s12] =	ssyncset.done $0x0  }
0x34: {  	[sflag:s12] =	ssyncadd.s32 $0xFFFFFF80  }
0x35: {  	[tilespmem:s15], [sflag:$0x2] =	stream.indirect.gather [hbm4b:s3+s13], $0x80, s13, s13, $0xb8;
	[tilespmem:$0x8100] =	vst v63  }
0x36: {  	_ =	swait.ge [sflag:s16], $0x4000  }
0x37: {  	[sflag:s16] =	ssyncset.done $0x0  }
0x38: {  	[sflag:s16] =	ssyncadd.s32 $0xFFFFC000  }
0x39: {  	[hbm4b:s9+s2] =	stream.linear.scatter [tilespmem:s14], [sflag:$0x3], $0x4000, $0x38;
	[tilespmem:$0x8100] =	vst v63  }
0x3a: {  	_ =	swait.ge [sflag:s17], $0x4000  }
0x3b: {  	s23 =	sadd.s32 $0x800, s9;
	[sflag:s17] =	ssyncset.done $0x0  }
0x3c: {  	s22 =	sadd.s32 $0x1000, s9;
	s21 =	simm.s32 $0x20;
	[sflag:s17] =	ssyncadd.s32 $0xFFFFC000  }
.LBB2_2:
0x3d: {  	[hbm4b:s23+s2] =	stream.linear.scatter [tilespmem:s15], [sflag:$0x4], $0x4000, $0x38;
	[tilespmem:$0x8100] =	vst v63  }
0x3e: {  	s23 =	smov.u32 s21  }
0x3f: {  	p0 =	sne.s32 s21, $0x3C0;
	s21 =	sadd.s32 $0x20, s21;
	_ =	swait.ge [sflag:s18], $0x4000  }
0x40: {  	[sflag:s18] =	ssyncset.done $0x0  }
0x41: {  	[sflag:s18] =	ssyncadd.s32 $0xFFFFC000  }
0x42: {  	_ =	swait.ge [sflag:s19], $0x4000  }
0x43: {  	[sflag:s19] =	ssyncset.done $0x0  }
0x44: {  	s24 =	sadd.s32 s23, s10;
	[sflag:s19] =	ssyncadd.s32 $0xFFFFC000  }
0x45: {  	[tilespmem:s2], [sflag:$0x5] =	stream.linear.gather [hbm4b:s24+s2], $0x80, $0x38;
	[tilespmem:$0x8100] =	vst v63  }
0x46: {  	_ =	swait.ge [sflag:s12], $0x80  }
0x47: {  	[sflag:s12] =	ssyncset.done $0x0  }
0x48: {  	[sflag:s12] =	ssyncadd.s32 $0xFFFFFF80  }
0x49: {  	[tilespmem:s14], [sflag:$0x1] =	stream.indirect.gather [hbm4b:s3+s13], $0x80, s2, s13, $0xb8;
	[tilespmem:$0x8100] =	vst v63  }
0x4a: {  	s23 =	sadd.s32 s23, s11  }
0x4b: {  	[tilespmem:s13], [sflag:$0x5] =	stream.linear.gather [hbm4b:s23+s2], $0x80, $0x38;
	[tilespmem:$0x8100] =	vst v63  }
0x4c: {  	_ =	swait.ge [sflag:s12], $0x80  }
0x4d: {  	[sflag:s12] =	ssyncset.done $0x0  }
0x4e: {  	[sflag:s12] =	ssyncadd.s32 $0xFFFFFF80  }
0x4f: {  	[tilespmem:s15], [sflag:$0x2] =	stream.indirect.gather [hbm4b:s3+s13], $0x80, s13, s13, $0xb8;
	[tilespmem:$0x8100] =	vst v63  }
0x50: {  	_ =	swait.ge [sflag:s16], $0x4000  }
0x51: {  	[sflag:s16] =	ssyncset.done $0x0  }
.Ltmp0:
0x52: {  	[sflag:s16] =	ssyncadd.s32 $0xFFFFC000;
	(pc) =	sbr.rel @p0 .LBB2_2-.Ltmp0, $4  }
0x53: {  	[hbm4b:s22+s2] =	stream.linear.scatter [tilespmem:s14], [sflag:$0x3], $0x4000, $0x38;
	[tilespmem:$0x8100] =	vst v63  }
0x54: {  	_ =	swait.ge [sflag:s17], $0x4000  }
0x55: {  	[sflag:s17] =	ssyncset.done $0x0  }
0x56: {  	s23 =	sadd.s32 $0x800, s22;
	s22 =	sadd.s32 $0x1000, s22;
	[sflag:s17] =	ssyncadd.s32 $0xFFFFC000  }
0x57: {  	[hbm4b:s23+s2] =	stream.linear.scatter [tilespmem:s15], [sflag:$0x4], $0x4000, $0x38;
	[tilespmem:$0x8100] =	vst v63  }
0x58: {  	s20 =	sadd.s32 $0x1, s20  }
0x59: {  	_ =	swait.ge [sflag:s18], $0x4000;
	p0 =	sne.s32 s20, s4  }
.Ltmp1:
0x5a: {  	[sflag:s18] =	ssyncset.done $0x0;
	(pc) =	sbr.rel @p0 .LBB2_1-.Ltmp1, $4  }
0x5b: {  	[sflag:s18] =	ssyncadd.s32 $0xFFFFC000  }
0x5c: {  	_ =	swait.ge [sflag:s19], $0x4000  }
0x5d: {  	[sflag:s19] =	ssyncset.done $0x0  }
0x5e: {  	[sflag:s19] =	ssyncadd.s32 $0xFFFFC000  }
0x5f: {  	_ =	sfence.sel $0x180000  }
0x60: {  	[bflag:$0x0] =	sbarrier.arrive $0xFFFF  }
0x61: {  	p0 =	sne.s32 s1, $0x0;
	_ =	strace $0x90000056  }
0x62: {  	s0 =	sadd.s32 @!p0 $0x100000, s0;
	[bflag:$0x2] =	sbarrier.arrive $0xFFFF  }
0x63: {  	[sflag:s0] =	ssyncadd.tile.s32 @!p0 $0x1;
	_ =	shalt  }
.Lfunc_end2:
_tile_overlayer_lowered:
.L_overlay_start_2:
0x64: {  	(tag) =	ssettag $0x2  }
0x65: {  	s0 =	rddreg [dreg:$0x0];
	s2 =	stileid.u32  }
0x66: {  	s1 =	rddreg [dreg:$0x1];
	p0 =	sne.s32 s2, $0x0  }
0x67: {  	s3 =	rddreg [dreg:$0x2];
	[bflag:$0x3] =	sbarrier.arrive $0xFFFF;
	s2 =	simm.s32 @!p0 $0x1C05  }
0x68: {  	[timem:s3], [sflag:s2] =	dma.local @!p0 [hbm:s0], s1  }
0x69: {  	s0 =	simm.s32 @!p0 $0x5  }
0x6a: {  	_ =	swait.ge @!p0 [sflag:s0], s1  }
0x6b: {  	s1 =	ssub.s32 @!p0 $0x0, s1;
	[sflag:s0] =	ssyncset.done @!p0 $0x0  }
0x6c: {  	[sflag:s0] =	ssyncadd.s32 @!p0 s1  }
0x6d: {  	[bflag:$0x3] =	sbarrier.arrive $0xFFFF  }
0x6e: {  	_ =	shalt  }

</sc_bundles>
